<compile_context>
chip_gen: v7x
topology: tpu7x:2x2x1
jax: 0.10.2.dev20260603
libtpu: 0.0.44.dev20260713+nightly
codegen_flags: <defaults>
</compile_context>

<pallas_src>
import jax
import jax.numpy as jnp
from jax import lax
from jax.experimental import pallas as pl
from jax.experimental.pallas import tpu as pltpu
from jax.experimental.pallas import tpu_sc as plsc

N_ROWS = 320000
N_COLS = 128
N_SEG = 10000
N_SEG_PAD = 10240
CHUNK = 128
N_CHUNKS = N_ROWS // CHUNK
N_WORKERS = 32
STEPS = (N_CHUNKS + N_WORKERS - 1) // N_WORKERS
SEG_SLICE = N_SEG_PAD // 16
N_SEG_K3 = 10112
SEG_SLICE_K3 = N_SEG_K3 // 16


def _mesh():
    return plsc.VectorSubcoreMesh(core_axis_name="c", subcore_axis_name="s")


def _k1_body(x_hbm, ids_hbm, outs_hbm, oute_hbm, sums_sh,
             x_v0, x_v1, ids_v0, ids_v1, e_v, sem_x0, sem_x1, sem_s0, sem_s1):
    c = lax.axis_index("c")
    s = lax.axis_index("s")
    wid = s * 2 + c

    def zrow(i, _):
        for j in range(8):
            x_v0[i, pl.ds(j * 16, 16)] = jnp.zeros((16,), jnp.float32)
        return 0
    lax.fori_loop(0, CHUNK, zrow, 0)

    def zerow(i, _):
        e_v[pl.ds(i * 16, 16)] = jnp.zeros((16,), jnp.int32)
        return 0
    lax.fori_loop(0, N_SEG_PAD // 16, zerow, 0)

    for jj in range(SEG_SLICE // CHUNK):
        pltpu.sync_copy(x_v0,
                        sums_sh.at[pl.ds(s * SEG_SLICE + jj * CHUNK, CHUNK)])
    plsc.subcore_barrier()

    bufs = ((x_v0, ids_v0, sem_x0, sem_s0), (x_v1, ids_v1, sem_x1, sem_s1))

    def issue(k, b):
        x_v, idv, sem, sem_s = bufs[b]
        ck = k * N_WORKERS + wid

        @pl.when(jnp.logical_and(k >= 2, ck - 2 * N_WORKERS < N_CHUNKS))
        def _():
            pltpu.make_async_copy(x_v, sums_sh.at[idv], sem_s).wait()

        @pl.when(ck < N_CHUNKS)
        def _():
            base = ck * CHUNK
            pltpu.sync_copy(ids_hbm.at[pl.ds(base, CHUNK)], idv)
            pltpu.async_copy(x_hbm.at[pl.ds(base, CHUNK)], x_v, sem)

    def process(k, b):
        x_v, idv, sem, sem_s = bufs[b]
        ck = k * N_WORKERS + wid

        @pl.when(ck < N_CHUNKS)
        def _():
            base = ck * CHUNK
            for j in range(8):
                idvec = idv[pl.ds(j * 16, 16)]
                pos = base + j * 16 + lax.iota(jnp.int32, 16) + 1
                plsc.store_scatter(e_v, [idvec], pos)
            pltpu.make_async_copy(x_hbm.at[pl.ds(0, CHUNK)], x_v, sem).wait()
            pltpu.async_copy(x_v, sums_sh.at[idv], sem_s, add=True)

    issue(0, 0)

    def pair(p, _):
        issue(2 * p + 1, 1)
        process(2 * p, 0)
        issue(2 * p + 2, 0)
        process(2 * p + 1, 1)
        return 0
    lax.fori_loop(0, 39, pair, 0)
    process(78, 0)

    @pl.when(77 * N_WORKERS + wid < N_CHUNKS)
    def _():
        pltpu.make_async_copy(x_v1, sums_sh.at[ids_v1], sem_s1).wait()

    @pl.when(78 * N_WORKERS + wid < N_CHUNKS)
    def _():
        pltpu.make_async_copy(x_v0, sums_sh.at[ids_v0], sem_s0).wait()
    plsc.subcore_barrier()

    pltpu.sync_copy(sums_sh.at[pl.ds(s * SEG_SLICE, SEG_SLICE)],
                    outs_hbm.at[c, pl.ds(s * SEG_SLICE, SEG_SLICE)])
    pltpu.sync_copy(e_v, oute_hbm.at[wid])


def _prefix_max(a, axis, n):
    sh = 1
    while sh < n:
        kept = lax.slice_in_dim(a, 0, n - sh, axis=axis)
        z_shape = list(a.shape)
        z_shape[axis] = sh
        shifted = jnp.concatenate(
            [jnp.zeros(z_shape, a.dtype), kept], axis=axis)
        a = jnp.maximum(a, shifted)
        sh *= 2
    return a


def _k2a_body(e_ref, c_ref):
    m = jnp.max(e_ref[...], axis=0)
    wp = _prefix_max(m, 1, 128)
    rowmax = wp[:, 127:128]
    rp = _prefix_max(rowmax, 0, 80)
    carry = jnp.concatenate(
        [jnp.zeros((1, 1), jnp.int32), rp[:-1]], axis=0)
    inc = jnp.maximum(wp, carry)
    prev = jnp.concatenate([carry, inc[:, :-1]], axis=1)
    cnt = inc - prev
    c_ref[...] = jnp.maximum(cnt, 1).astype(jnp.float32)


def _k2_body(s_ref, c_ref, o_ref):
    tot = s_ref[0] + s_ref[1]
    o_ref[...] = -(tot / c_ref[...])


def _k3_body(x_hbm, ids_hbm, nmean_hbm, out_hbm, mean_sh,
             x_v0, x_v1, x_v2, ids_v0, ids_v1, ids_v2,
             sem_x0, sem_x1, sem_x2, sem_g0, sem_g1, sem_g2,
             sem_w0, sem_w1, sem_w2):
    c = lax.axis_index("c")
    s = lax.axis_index("s")
    wid = s * 2 + c

    for jj, rows in ((0, CHUNK), (1, CHUNK), (2, CHUNK), (3, CHUNK)):
        pltpu.sync_copy(
            nmean_hbm.at[pl.ds(s * SEG_SLICE_K3 + jj * CHUNK, rows)],
            x_v0.at[pl.ds(0, rows)])
        pltpu.sync_copy(
            x_v0.at[pl.ds(0, rows)],
            mean_sh.at[pl.ds(s * SEG_SLICE_K3 + jj * CHUNK, rows)])
    pltpu.sync_copy(nmean_hbm.at[pl.ds(s * SEG_SLICE_K3 + 4 * CHUNK, 120)],
                    x_v0.at[pl.ds(0, 120)])
    pltpu.sync_copy(x_v0.at[pl.ds(0, 120)],
                    mean_sh.at[pl.ds(s * SEG_SLICE_K3 + 4 * CHUNK, 120)])
    plsc.subcore_barrier()

    X = (x_v0, x_v1, x_v2)
    I = (ids_v0, ids_v1, ids_v2)
    SX = (sem_x0, sem_x1, sem_x2)
    SG = (sem_g0, sem_g1, sem_g2)
    SW = (sem_w0, sem_w1, sem_w2)

    def stage(k, b):
        chunk = k * N_WORKERS + wid

        @pl.when(jnp.logical_and(k >= 3, chunk - 3 * N_WORKERS < N_CHUNKS))
        def _():
            pltpu.make_async_copy(X[b], out_hbm.at[pl.ds(0, CHUNK)], SW[b]).wait()

        @pl.when(chunk < N_CHUNKS)
        def _():
            base = chunk * CHUNK
            pltpu.sync_copy(ids_hbm.at[pl.ds(base, CHUNK)], I[b])
            pltpu.async_copy(x_hbm.at[pl.ds(base, CHUNK)], X[b], SX[b])

    def gadd(k, b):
        chunk = k * N_WORKERS + wid

        @pl.when(chunk < N_CHUNKS)
        def _():
            pltpu.make_async_copy(x_hbm.at[pl.ds(0, CHUNK)], X[b], SX[b]).wait()
            pltpu.async_copy(mean_sh.at[I[b]], X[b], SG[b], add=True)

    def write(k, b):
        chunk = k * N_WORKERS + wid

        @pl.when(chunk < N_CHUNKS)
        def _():
            pltpu.make_async_copy(x_hbm.at[pl.ds(0, CHUNK)], X[b], SG[b]).wait()
            pltpu.async_copy(X[b], out_hbm.at[pl.ds(chunk * CHUNK, CHUNK)], SW[b])

    stage(0, 0)
    stage(1, 1)
    gadd(0, 0)

    def tri(t, _):
        s0 = 3 * t + 2
        stage(s0, 2)
        gadd(s0 - 1, 1)
        write(s0 - 2, 0)
        stage(s0 + 1, 0)
        gadd(s0, 2)
        write(s0 - 1, 1)
        stage(s0 + 2, 1)
        gadd(s0 + 1, 0)
        write(s0, 2)
        return 0
    lax.fori_loop(0, 27, tri, 0)


def kernel(x, batch):
    ids = batch.astype(jnp.int32)

    k1 = pl.kernel(
        _k1_body,
        out_type=(
            jax.ShapeDtypeStruct((2, N_SEG_PAD, N_COLS), jnp.float32),
            jax.ShapeDtypeStruct((N_WORKERS, N_SEG_PAD), jnp.int32),
        ),
        mesh=_mesh(),
        compiler_params=pltpu.CompilerParams(needs_layout_passes=False),
        scratch_types=[
            pltpu.VMEM_SHARED((N_SEG_PAD, N_COLS), jnp.float32),
            pltpu.VMEM((CHUNK, N_COLS), jnp.float32),
            pltpu.VMEM((CHUNK, N_COLS), jnp.float32),
            pltpu.VMEM((CHUNK,), jnp.int32),
            pltpu.VMEM((CHUNK,), jnp.int32),
            pltpu.VMEM((N_SEG_PAD,), jnp.int32),
            pltpu.SemaphoreType.DMA,
            pltpu.SemaphoreType.DMA,
            pltpu.SemaphoreType.DMA,
            pltpu.SemaphoreType.DMA,
        ],
    )
    part_s, ends = k1(x, ids)

    cnt = pl.pallas_call(
        _k2a_body,
        out_shape=jax.ShapeDtypeStruct((N_SEG_PAD // 128, 128), jnp.float32),
    )(ends.reshape(N_WORKERS, N_SEG_PAD // 128, 128))

    mean = pl.pallas_call(
        _k2_body,
        out_shape=jax.ShapeDtypeStruct((N_SEG_PAD, N_COLS), jnp.float32),
    )(part_s, cnt.reshape(N_SEG_PAD, 1))

    k3 = pl.kernel(
        _k3_body,
        out_type=jax.ShapeDtypeStruct((N_ROWS, N_COLS), jnp.float32),
        mesh=_mesh(),
        scratch_types=(
            [pltpu.VMEM_SHARED((N_SEG_K3, N_COLS), jnp.float32)]
            + [pltpu.VMEM((CHUNK, N_COLS), jnp.float32)] * 3
            + [pltpu.VMEM((CHUNK,), jnp.int32)] * 3
            + [pltpu.SemaphoreType.DMA] * 9
        ),
    )
    return k3(x, ids, mean)

# --- scband reference (transcript-rebuilt; emitter-appended) ---
"""Pipeline reference for scband-mean-subtraction-norm-49374944034833 (READ-ONLY COPY).

The authoritative reference and input builder live on the scoring server;
editing this copy changes nothing except your own understanding.
"""

import jax, jax.numpy as jnp
import numpy as np

NUM_SEGMENTS = 10000

def setup_inputs(seed: int = 0) -> dict:
    key = jax.random.key(seed)
    k1, k2 = jax.random.split(key)
    x = jax.random.normal(k1, (320000, 128), dtype=jnp.float32)
    batch = jnp.sort(jax.random.randint(k2, (320000,), 0, NUM_SEGMENTS, dtype=jnp.int64))
    return {"x": x, "batch": batch}

def reference(x, batch):
    # MeanSubtractionNorm with per-segment mean subtraction (scatter_mean)
    sums = jax.ops.segment_sum(x, batch, num_segments=NUM_SEGMENTS)
    counts = jax.ops.segment_sum(jnp.ones((x.shape[0],), dtype=x.dtype), batch, num_segments=NUM_SEGMENTS)
    mean = sums / jnp.maximum(counts, 1.0)[:, None]
    return x - mean[batch]

if __name__ == "__main__":
    import jax
    _d = setup_inputs()
    print(jax.jit(kernel)(*tuple(_d.values())))

</pallas_src>

<mosaic_0001>
#map = affine_map<(d0, d1) -> (0, 0)>
#map1 = affine_map<(d0, d1) -> (0)>
#map2 = affine_map<(d0, d1) -> (0, 0, 0)>
module attributes {stable_mosaic.version = 14 : i64} {
  func.func @_k1_body(%arg0: i32, %arg1: i32, %arg2: memref<320000x128xf32, #tpu.memory_space<hbm>>, %arg3: memref<320000xi32, #tpu.memory_space<hbm>>, %arg4: memref<2x10240x128xf32, #tpu.memory_space<hbm>>, %arg5: memref<32x10240xi32, #tpu.memory_space<hbm>>, %arg6: memref<10240x128xf32, #tpu.memory_space<vmem_shared>>, %arg7: memref<128x128xf32, #tpu.memory_space<vmem>>, %arg8: memref<128x128xf32, #tpu.memory_space<vmem>>, %arg9: memref<128xi32, #tpu.memory_space<vmem>>, %arg10: memref<128xi32, #tpu.memory_space<vmem>>, %arg11: memref<10240xi32, #tpu.memory_space<vmem>>, %arg12: memref<!tpu.dma_semaphore, #tpu.memory_space<semaphore_mem>>, %arg13: memref<!tpu.dma_semaphore, #tpu.memory_space<semaphore_mem>>, %arg14: memref<!tpu.dma_semaphore, #tpu.memory_space<semaphore_mem>>, %arg15: memref<!tpu.dma_semaphore, #tpu.memory_space<semaphore_mem>>) attributes {dimension_semantics = [#tpu.dimension_semantics<core_parallel>, #tpu.dimension_semantics<subcore_parallel>], iteration_bounds = array<i64: 2, 16>, scalar_prefetch = 0 : i64, scratch_operands = 10 : i64, tpu.core_type = #tpu.core_type<sc_vector_subcore>, window_params = [{transform_indices = #map}, {transform_indices = #map1}, {transform_indices = #map2}, {transform_indices = #map}]} {
    %mul3A = arith.constant 2 : i32
    %mul3A_0 = arith.muli %arg1, %mul3A : i32
    %add3A = arith.addi %mul3A_0, %arg0 : i32
    %scan3A = arith.constant 0 : i32
    %scan3A_1 = arith.constant 0 : i32
    %scan3A_2 = arith.constant 128 : i32
    %scan3A_3 = arith.addi %scan3A_1, %scan3A_2 : i32
    %scan3A_4 = arith.constant 1 : i32
    %scan3A_5 = scf.for %scan3A_78 = %scan3A_1 to %scan3A_3 step %scan3A_4 iter_args(%scan3A_79 = %scan3A) -> (i32)  : i32 {
      %broadcast_in_dim3A = arith.constant 0.000000e+00 : f32
      %broadcast_in_dim3A_80 = vector.broadcast %broadcast_in_dim3A : f32 to vector<16xf32>
      %swap3A = arith.index_cast %scan3A_78 : i32 to index
      %swap3A_81 = arith.constant 0 : index
      %swap3A_82 = tpu.vector_load %arg7[%swap3A, %swap3A_81] {strides = array<i32>} : memref<128x128xf32, #tpu.memory_space<vmem>>, vector<16xf32>,
      tpu.vector_store %arg7[%swap3A, %swap3A_81], %broadcast_in_dim3A_80 {strides = array<i32>} : memref<128x128xf32, #tpu.memory_space<vmem>>, vector<16xf32>,
      %broadcast_in_dim3A_83 = arith.constant 0.000000e+00 : f32
      %broadcast_in_dim3A_84 = vector.broadcast %broadcast_in_dim3A_83 : f32 to vector<16xf32>
      %swap3A_85 = arith.index_cast %scan3A_78 : i32 to index
      %swap3A_86 = arith.constant 16 : index
      %swap3A_87 = tpu.vector_load %arg7[%swap3A_85, %swap3A_86] {strides = array<i32>} : memref<128x128xf32, #tpu.memory_space<vmem>>, vector<16xf32>,
      tpu.vector_store %arg7[%swap3A_85, %swap3A_86], %broadcast_in_dim3A_84 {strides = array<i32>} : memref<128x128xf32, #tpu.memory_space<vmem>>, vector<16xf32>,
      %broadcast_in_dim3A_88 = arith.constant 0.000000e+00 : f32
      %broadcast_in_dim3A_89 = vector.broadcast %broadcast_in_dim3A_88 : f32 to vector<16xf32>
      %swap3A_90 = arith.index_cast %scan3A_78 : i32 to index
      %swap3A_91 = arith.constant 32 : index
      %swap3A_92 = tpu.vector_load %arg7[%swap3A_90, %swap3A_91] {strides = array<i32>} : memref<128x128xf32, #tpu.memory_space<vmem>>, vector<16xf32>,
      tpu.vector_store %arg7[%swap3A_90, %swap3A_91], %broadcast_in_dim3A_89 {strides = array<i32>} : memref<128x128xf32, #tpu.memory_space<vmem>>, vector<16xf32>,
      %broadcast_in_dim3A_93 = arith.constant 0.000000e+00 : f32
      %broadcast_in_dim3A_94 = vector.broadcast %broadcast_in_dim3A_93 : f32 to vector<16xf32>
      %swap3A_95 = arith.index_cast %scan3A_78 : i32 to index
      %swap3A_96 = arith.constant 48 : index
      %swap3A_97 = tpu.vector_load %arg7[%swap3A_95, %swap3A_96] {strides = array<i32>} : memref<128x128xf32, #tpu.memory_space<vmem>>, vector<16xf32>,
      tpu.vector_store %arg7[%swap3A_95, %swap3A_96], %broadcast_in_dim3A_94 {strides = array<i32>} : memref<128x128xf32, #tpu.memory_space<vmem>>, vector<16xf32>,
      %broadcast_in_dim3A_98 = arith.constant 0.000000e+00 : f32
      %broadcast_in_dim3A_99 = vector.broadcast %broadcast_in_dim3A_98 : f32 to vector<16xf32>
      %swap3A_100 = arith.index_cast %scan3A_78 : i32 to index
      %swap3A_101 = arith.constant 64 : index
      %swap3A_102 = tpu.vector_load %arg7[%swap3A_100, %swap3A_101] {strides = array<i32>} : memref<128x128xf32, #tpu.memory_space<vmem>>, vector<16xf32>,
      tpu.vector_store %arg7[%swap3A_100, %swap3A_101], %broadcast_in_dim3A_99 {strides = array<i32>} : memref<128x128xf32, #tpu.memory_space<vmem>>, vector<16xf32>,
      %broadcast_in_dim3A_103 = arith.constant 0.000000e+00 : f32
      %broadcast_in_dim3A_104 = vector.broadcast %broadcast_in_dim3A_103 : f32 to vector<16xf32>
      %swap3A_105 = arith.index_cast %scan3A_78 : i32 to index
      %swap3A_106 = arith.constant 80 : index
      %swap3A_107 = tpu.vector_load %arg7[%swap3A_105, %swap3A_106] {strides = array<i32>} : memref<128x128xf32, #tpu.memory_space<vmem>>, vector<16xf32>,
      tpu.vector_store %arg7[%swap3A_105, %swap3A_106], %broadcast_in_dim3A_104 {strides = array<i32>} : memref<128x128xf32, #tpu.memory_space<vmem>>, vector<16xf32>,
      %broadcast_in_dim3A_108 = arith.constant 0.000000e+00 : f32
      %broadcast_in_dim3A_109 = vector.broadcast %broadcast_in_dim3A_108 : f32 to vector<16xf32>
      %swap3A_110 = arith.index_cast %scan3A_78 : i32 to index
      %swap3A_111 = arith.constant 96 : index
      %swap3A_112 = tpu.vector_load %arg7[%swap3A_110, %swap3A_111] {strides = array<i32>} : memref<128x128xf32, #tpu.memory_space<vmem>>, vector<16xf32>,
      tpu.vector_store %arg7[%swap3A_110, %swap3A_111], %broadcast_in_dim3A_109 {strides = array<i32>} : memref<128x128xf32, #tpu.memory_space<vmem>>, vector<16xf32>,
      %broadcast_in_dim3A_113 = arith.constant 0.000000e+00 : f32
      %broadcast_in_dim3A_114 = vector.broadcast %broadcast_in_dim3A_113 : f32 to vector<16xf32>
      %swap3A_115 = arith.index_cast %scan3A_78 : i32 to index
      %swap3A_116 = arith.constant 112 : index
      %swap3A_117 = tpu.vector_load %arg7[%swap3A_115, %swap3A_116] {strides = array<i32>} : memref<128x128xf32, #tpu.memory_space<vmem>>, vector<16xf32>,
      tpu.vector_store %arg7[%swap3A_115, %swap3A_116], %broadcast_in_dim3A_114 {strides = array<i32>} : memref<128x128xf32, #tpu.memory_space<vmem>>, vector<16xf32>,
      %scan3A_118 = arith.constant 0 : i32
      scf.yield %scan3A_118 : i32
    }
    %scan3A_6 = arith.constant 128 : i32
    %scan3A_7 = arith.constant 0 : i32
    %scan3A_8 = arith.constant 0 : i32
    %scan3A_9 = arith.constant 640 : i32
    %scan3A_10 = arith.addi %scan3A_8, %scan3A_9 : i32
    %scan3A_11 = arith.constant 1 : i32
    %scan3A_12 = scf.for %scan3A_78 = %scan3A_8 to %scan3A_10 step %scan3A_11 iter_args(%scan3A_79 = %scan3A_7) -> (i32)  : i32 {
      %broadcast_in_dim3A = arith.constant 0 : i32
      %broadcast_in_dim3A_80 = vector.broadcast %broadcast_in_dim3A : i32 to vector<16xi32>
      %mul3A_81 = arith.constant 16 : i32
      %mul3A_82 = arith.muli %scan3A_78, %mul3A_81 : i32
      %swap3A = arith.index_cast %mul3A_82 : i32 to index
      %swap3A_83 = tpu.vector_load %arg11[%swap3A] {strides = array<i32>} : memref<10240xi32, #tpu.memory_space<vmem>>, vector<16xi32>,
      tpu.vector_store %arg11[%swap3A], %broadcast_in_dim3A_80 {strides = array<i32>} : memref<10240xi32, #tpu.memory_space<vmem>>, vector<16xi32>,
      %scan3A_84 = arith.constant 0 : i32
      scf.yield %scan3A_84 : i32
    }
    %scan3A_13 = arith.constant 640 : i32
    %mul3A_14 = arith.constant 640 : i32
    %mul3A_15 = arith.muli %arg1, %mul3A_14 : i32
    %add3A_16 = arith.constant 0 : i32
    %add3A_17 = arith.addi %mul3A_15, %add3A_16 : i32
    "tpu.region"() ({
      %run_scoped3A = tpu.sem_alloc : memref<!tpu.dma_semaphore, #tpu.memory_space<semaphore_mem>>
      %dma_start3A = arith.constant 0 : i32
      %dma_start3A_78 = tpu.memref_slice %arg6[%add3A_17, %dma_start3A] : memref<10240x128xf32, #tpu.memory_space<vmem_shared>> -> memref<128x128xf32, #tpu.memory_space<vmem_shared>>
      %dma_start3A_79 = arith.constant 0 : i32
      %dma_start3A_80 = tpu.memref_slice %arg6[%add3A_17, %dma_start3A_79] : memref<10240x128xf32, #tpu.memory_space<vmem_shared>> -> memref<128x128xf32, #tpu.memory_space<vmem_shared>>
      tpu.enqueue_dma source(%arg7 : memref<128x128xf32, #tpu.memory_space<vmem>>) target(%dma_start3A_80 : memref<128x128xf32, #tpu.memory_space<vmem_shared>>) target_semaphore(%run_scoped3A : memref<!tpu.dma_semaphore, #tpu.memory_space<semaphore_mem>>)
      %dma_wait3A = arith.constant 0 : i32
      %dma_wait3A_81 = tpu.memref_slice %arg6[%add3A_17, %dma_wait3A] : memref<10240x128xf32, #tpu.memory_space<vmem_shared>> -> memref<128x128xf32, #tpu.memory_space<vmem_shared>>
      %dma_wait3A_82 = arith.constant 0 : i32
      %dma_wait3A_83 = tpu.memref_slice %arg6[%add3A_17, %dma_wait3A_82] : memref<10240x128xf32, #tpu.memory_space<vmem_shared>> -> memref<128x128xf32, #tpu.memory_space<vmem_shared>>
      tpu.wait_dma2 semaphore(%run_scoped3A : memref<!tpu.dma_semaphore, #tpu.memory_space<semaphore_mem>>) src(%arg7 : memref<128x128xf32, #tpu.memory_space<vmem>>) dst(%dma_wait3A_83 : memref<128x128xf32, #tpu.memory_space<vmem_shared>>)
      tpu.yield
    }) : () -> ()
    %mul3A_18 = arith.constant 640 : i32
    %mul3A_19 = arith.muli %arg1, %mul3A_18 : i32
    %add3A_20 = arith.constant 128 : i32
    %add3A_21 = arith.addi %mul3A_19, %add3A_20 : i32
    "tpu.region"() ({
      %run_scoped3A = tpu.sem_alloc : memref<!tpu.dma_semaphore, #tpu.memory_space<semaphore_mem>>
      %dma_start3A = arith.constant 0 : i32
      %dma_start3A_78 = tpu.memref_slice %arg6[%add3A_21, %dma_start3A] : memref<10240x128xf32, #tpu.memory_space<vmem_shared>> -> memref<128x128xf32, #tpu.memory_space<vmem_shared>>
      %dma_start3A_79 = arith.constant 0 : i32
      %dma_start3A_80 = tpu.memref_slice %arg6[%add3A_21, %dma_start3A_79] : memref<10240x128xf32, #tpu.memory_space<vmem_shared>> -> memref<128x128xf32, #tpu.memory_space<vmem_shared>>
      tpu.enqueue_dma source(%arg7 : memref<128x128xf32, #tpu.memory_space<vmem>>) target(%dma_start3A_80 : memref<128x128xf32, #tpu.memory_space<vmem_shared>>) target_semaphore(%run_scoped3A : memref<!tpu.dma_semaphore, #tpu.memory_space<semaphore_mem>>)
      %dma_wait3A = arith.constant 0 : i32
      %dma_wait3A_81 = tpu.memref_slice %arg6[%add3A_21, %dma_wait3A] : memref<10240x128xf32, #tpu.memory_space<vmem_shared>> -> memref<128x128xf32, #tpu.memory_space<vmem_shared>>
      %dma_wait3A_82 = arith.constant 0 : i32
      %dma_wait3A_83 = tpu.memref_slice %arg6[%add3A_21, %dma_wait3A_82] : memref<10240x128xf32, #tpu.memory_space<vmem_shared>> -> memref<128x128xf32, #tpu.memory_space<vmem_shared>>
      tpu.wait_dma2 semaphore(%run_scoped3A : memref<!tpu.dma_semaphore, #tpu.memory_space<semaphore_mem>>) src(%arg7 : memref<128x128xf32, #tpu.memory_space<vmem>>) dst(%dma_wait3A_83 : memref<128x128xf32, #tpu.memory_space<vmem_shared>>)
      tpu.yield
    }) : () -> ()
    %mul3A_22 = arith.constant 640 : i32
    %mul3A_23 = arith.muli %arg1, %mul3A_22 : i32
    %add3A_24 = arith.constant 256 : i32
    %add3A_25 = arith.addi %mul3A_23, %add3A_24 : i32
    "tpu.region"() ({
      %run_scoped3A = tpu.sem_alloc : memref<!tpu.dma_semaphore, #tpu.memory_space<semaphore_mem>>
      %dma_start3A = arith.constant 0 : i32
      %dma_start3A_78 = tpu.memref_slice %arg6[%add3A_25, %dma_start3A] : memref<10240x128xf32, #tpu.memory_space<vmem_shared>> -> memref<128x128xf32, #tpu.memory_space<vmem_shared>>
      %dma_start3A_79 = arith.constant 0 : i32
      %dma_start3A_80 = tpu.memref_slice %arg6[%add3A_25, %dma_start3A_79] : memref<10240x128xf32, #tpu.memory_space<vmem_shared>> -> memref<128x128xf32, #tpu.memory_space<vmem_shared>>
      tpu.enqueue_dma source(%arg7 : memref<128x128xf32, #tpu.memory_space<vmem>>) target(%dma_start3A_80 : memref<128x128xf32, #tpu.memory_space<vmem_shared>>) target_semaphore(%run_scoped3A : memref<!tpu.dma_semaphore, #tpu.memory_space<semaphore_mem>>)
      %dma_wait3A = arith.constant 0 : i32
      %dma_wait3A_81 = tpu.memref_slice %arg6[%add3A_25, %dma_wait3A] : memref<10240x128xf32, #tpu.memory_space<vmem_shared>> -> memref<128x128xf32, #tpu.memory_space<vmem_shared>>
      %dma_wait3A_82 = arith.constant 0 : i32
      %dma_wait3A_83 = tpu.memref_slice %arg6[%add3A_25, %dma_wait3A_82] : memref<10240x128xf32, #tpu.memory_space<vmem_shared>> -> memref<128x128xf32, #tpu.memory_space<vmem_shared>>
      tpu.wait_dma2 semaphore(%run_scoped3A : memref<!tpu.dma_semaphore, #tpu.memory_space<semaphore_mem>>) src(%arg7 : memref<128x128xf32, #tpu.memory_space<vmem>>) dst(%dma_wait3A_83 : memref<128x128xf32, #tpu.memory_space<vmem_shared>>)
      tpu.yield
    }) : () -> ()
    %mul3A_26 = arith.constant 640 : i32
    %mul3A_27 = arith.muli %arg1, %mul3A_26 : i32
    %add3A_28 = arith.constant 384 : i32
    %add3A_29 = arith.addi %mul3A_27, %add3A_28 : i32
    "tpu.region"() ({
      %run_scoped3A = tpu.sem_alloc : memref<!tpu.dma_semaphore, #tpu.memory_space<semaphore_mem>>
      %dma_start3A = arith.constant 0 : i32
      %dma_start3A_78 = tpu.memref_slice %arg6[%add3A_29, %dma_start3A] : memref<10240x128xf32, #tpu.memory_space<vmem_shared>> -> memref<128x128xf32, #tpu.memory_space<vmem_shared>>
      %dma_start3A_79 = arith.constant 0 : i32
      %dma_start3A_80 = tpu.memref_slice %arg6[%add3A_29, %dma_start3A_79] : memref<10240x128xf32, #tpu.memory_space<vmem_shared>> -> memref<128x128xf32, #tpu.memory_space<vmem_shared>>
      tpu.enqueue_dma source(%arg7 : memref<128x128xf32, #tpu.memory_space<vmem>>) target(%dma_start3A_80 : memref<128x128xf32, #tpu.memory_space<vmem_shared>>) target_semaphore(%run_scoped3A : memref<!tpu.dma_semaphore, #tpu.memory_space<semaphore_mem>>)
      %dma_wait3A = arith.constant 0 : i32
      %dma_wait3A_81 = tpu.memref_slice %arg6[%add3A_29, %dma_wait3A] : memref<10240x128xf32, #tpu.memory_space<vmem_shared>> -> memref<128x128xf32, #tpu.memory_space<vmem_shared>>
      %dma_wait3A_82 = arith.constant 0 : i32
      %dma_wait3A_83 = tpu.memref_slice %arg6[%add3A_29, %dma_wait3A_82] : memref<10240x128xf32, #tpu.memory_space<vmem_shared>> -> memref<128x128xf32, #tpu.memory_space<vmem_shared>>
      tpu.wait_dma2 semaphore(%run_scoped3A : memref<!tpu.dma_semaphore, #tpu.memory_space<semaphore_mem>>) src(%arg7 : memref<128x128xf32, #tpu.memory_space<vmem>>) dst(%dma_wait3A_83 : memref<128x128xf32, #tpu.memory_space<vmem_shared>>)
      tpu.yield
    }) : () -> ()
    %mul3A_30 = arith.constant 640 : i32
    %mul3A_31 = arith.muli %arg1, %mul3A_30 : i32
    %add3A_32 = arith.constant 512 : i32
    %add3A_33 = arith.addi %mul3A_31, %add3A_32 : i32
    "tpu.region"() ({
      %run_scoped3A = tpu.sem_alloc : memref<!tpu.dma_semaphore, #tpu.memory_space<semaphore_mem>>
      %dma_start3A = arith.constant 0 : i32
      %dma_start3A_78 = tpu.memref_slice %arg6[%add3A_33, %dma_start3A] : memref<10240x128xf32, #tpu.memory_space<vmem_shared>> -> memref<128x128xf32, #tpu.memory_space<vmem_shared>>
      %dma_start3A_79 = arith.constant 0 : i32
      %dma_start3A_80 = tpu.memref_slice %arg6[%add3A_33, %dma_start3A_79] : memref<10240x128xf32, #tpu.memory_space<vmem_shared>> -> memref<128x128xf32, #tpu.memory_space<vmem_shared>>
      tpu.enqueue_dma source(%arg7 : memref<128x128xf32, #tpu.memory_space<vmem>>) target(%dma_start3A_80 : memref<128x128xf32, #tpu.memory_space<vmem_shared>>) target_semaphore(%run_scoped3A : memref<!tpu.dma_semaphore, #tpu.memory_space<semaphore_mem>>)
      %dma_wait3A = arith.constant 0 : i32
      %dma_wait3A_81 = tpu.memref_slice %arg6[%add3A_33, %dma_wait3A] : memref<10240x128xf32, #tpu.memory_space<vmem_shared>> -> memref<128x128xf32, #tpu.memory_space<vmem_shared>>
      %dma_wait3A_82 = arith.constant 0 : i32
      %dma_wait3A_83 = tpu.memref_slice %arg6[%add3A_33, %dma_wait3A_82] : memref<10240x128xf32, #tpu.memory_space<vmem_shared>> -> memref<128x128xf32, #tpu.memory_space<vmem_shared>>
      tpu.wait_dma2 semaphore(%run_scoped3A : memref<!tpu.dma_semaphore, #tpu.memory_space<semaphore_mem>>) src(%arg7 : memref<128x128xf32, #tpu.memory_space<vmem>>) dst(%dma_wait3A_83 : memref<128x128xf32, #tpu.memory_space<vmem_shared>>)
      tpu.yield
    }) : () -> ()
    %barrier3A = arith.constant 0 : index
    tpu.barrier barrier_id(%barrier3A)
    %add3A_34 = arith.constant 0 : i32
    %add3A_35 = arith.addi %add3A_34, %add3A : i32
    %sub3A = arith.constant 64 : i32
    %sub3A_36 = arith.subi %add3A_35, %sub3A : i32
    %lt3A = arith.constant 2500 : i32
    %lt3A_37 = arith.cmpi slt, %sub3A_36, %lt3A : i32
    %and3A = arith.constant false
    %and3A_38 = arith.andi %and3A, %lt3A_37 : i1
    %convert_element_type3A = arith.extui %and3A_38 : i1 to i32
    %cond3A = arith.constant 0 : i32
    %cond3A_39 = arith.cmpi ne, %convert_element_type3A, %cond3A : i32
    scf.if %cond3A_39 {
      %dma_wait3A = arith.constant 0 : i32
      %dma_wait3A_78 = arith.constant 0 : i32
      %dma_wait3A_79 = tpu.memref_slice %arg6[%dma_wait3A, %dma_wait3A_78] : memref<10240x128xf32, #tpu.memory_space<vmem_shared>> -> memref<10240x128xf32, #tpu.memory_space<vmem_shared>>
      tpu.wait_indirect_dma semaphore(%arg14 : memref<!tpu.dma_semaphore, #tpu.memory_space<semaphore_mem>>) src(%arg7 : memref<128x128xf32, #tpu.memory_space<vmem>>) dst(%dma_wait3A_79 : memref<10240x128xf32, #tpu.memory_space<vmem_shared>>)
    } else {
    }
    %lt3A_40 = arith.constant 2500 : i32
    %lt3A_41 = arith.cmpi slt, %add3A_35, %lt3A_40 : i32
    %convert_element_type3A_42 = arith.extui %lt3A_41 : i1 to i32
    %cond3A_43 = arith.constant 0 : i32
    %cond3A_44 = arith.cmpi ne, %convert_element_type3A_42, %cond3A_43 : i32
    scf.if %cond3A_44 {
      %mul3A_78 = arith.constant 128 : i32
      %mul3A_79 = arith.muli %add3A_35, %mul3A_78 : i32
      "tpu.region"() ({
        %run_scoped3A = tpu.sem_alloc : memref<!tpu.dma_semaphore, #tpu.memory_space<semaphore_mem>>
        %dma_start3A_83 = tpu.memref_slice %arg3[%mul3A_79] : memref<320000xi32, #tpu.memory_space<hbm>> -> memref<128xi32, #tpu.memory_space<hbm>>
        %dma_start3A_84 = tpu.memref_slice %arg3[%mul3A_79] : memref<320000xi32, #tpu.memory_space<hbm>> -> memref<128xi32, #tpu.memory_space<hbm>>
        tpu.enqueue_dma source(%dma_start3A_84 : memref<128xi32, #tpu.memory_space<hbm>>) target(%arg9 : memref<128xi32, #tpu.memory_space<vmem>>) target_semaphore(%run_scoped3A : memref<!tpu.dma_semaphore, #tpu.memory_space<semaphore_mem>>)
        %dma_wait3A = tpu.memref_slice %arg3[%mul3A_79] : memref<320000xi32, #tpu.memory_space<hbm>> -> memref<128xi32, #tpu.memory_space<hbm>>
        %dma_wait3A_85 = tpu.memref_slice %arg3[%mul3A_79] : memref<320000xi32, #tpu.memory_space<hbm>> -> memref<128xi32, #tpu.memory_space<hbm>>
        tpu.wait_dma2 semaphore(%run_scoped3A : memref<!tpu.dma_semaphore, #tpu.memory_space<semaphore_mem>>) src(%dma_wait3A_85 : memref<128xi32, #tpu.memory_space<hbm>>) dst(%arg9 : memref<128xi32, #tpu.memory_space<vmem>>)
        tpu.yield
      }) : () -> ()
      %dma_start3A = arith.constant 0 : i32
      %dma_start3A_80 = tpu.memref_slice %arg2[%mul3A_79, %dma_start3A] : memref<320000x128xf32, #tpu.memory_space<hbm>> -> memref<128x128xf32, #tpu.memory_space<hbm>>
      %dma_start3A_81 = arith.constant 0 : i32
      %dma_start3A_82 = tpu.memref_slice %arg2[%mul3A_79, %dma_start3A_81] : memref<320000x128xf32, #tpu.memory_space<hbm>> -> memref<128x128xf32, #tpu.memory_space<hbm>>
      tpu.enqueue_dma source(%dma_start3A_82 : memref<128x128xf32, #tpu.memory_space<hbm>>) target(%arg7 : memref<128x128xf32, #tpu.memory_space<vmem>>) target_semaphore(%arg12 : memref<!tpu.dma_semaphore, #tpu.memory_space<semaphore_mem>>)
    } else {
    }
    %scan3A_45 = arith.constant 0 : i32
    %scan3A_46 = arith.constant 0 : i32
    %scan3A_47 = arith.constant 39 : i32
    %scan3A_48 = arith.addi %scan3A_46, %scan3A_47 : i32
    %scan3A_49 = arith.constant 1 : i32
    %scan3A_50 = scf.for %scan3A_78 = %scan3A_46 to %scan3A_48 step %scan3A_49 iter_args(%scan3A_79 = %scan3A_45) -> (i32)  : i32 {
      %mul3A_80 = arith.constant 2 : i32
      %mul3A_81 = arith.muli %mul3A_80, %scan3A_78 : i32
      %add3A_82 = arith.constant 1 : i32
      %add3A_83 = arith.addi %mul3A_81, %add3A_82 : i32
      %mul3A_84 = arith.constant 32 : i32
      %mul3A_85 = arith.muli %add3A_83, %mul3A_84 : i32
      %add3A_86 = arith.addi %mul3A_85, %add3A : i32
      %ge3A = arith.constant 2 : i32
      %ge3A_87 = arith.cmpi sge, %add3A_83, %ge3A : i32
      %sub3A_88 = arith.constant 64 : i32
      %sub3A_89 = arith.subi %add3A_86, %sub3A_88 : i32
      %lt3A_90 = arith.constant 2500 : i32
      %lt3A_91 = arith.cmpi slt, %sub3A_89, %lt3A_90 : i32
      %and3A_92 = arith.andi %ge3A_87, %lt3A_91 : i1
      %convert_element_type3A_93 = arith.extui %and3A_92 : i1 to i32
      %cond3A_94 = arith.constant 0 : i32
      %cond3A_95 = arith.cmpi ne, %convert_element_type3A_93, %cond3A_94 : i32
      scf.if %cond3A_95 {
        %dma_wait3A = arith.constant 0 : i32
        %dma_wait3A_146 = arith.constant 0 : i32
        %dma_wait3A_147 = tpu.memref_slice %arg6[%dma_wait3A, %dma_wait3A_146] : memref<10240x128xf32, #tpu.memory_space<vmem_shared>> -> memref<10240x128xf32, #tpu.memory_space<vmem_shared>>
        tpu.wait_indirect_dma semaphore(%arg15 : memref<!tpu.dma_semaphore, #tpu.memory_space<semaphore_mem>>) src(%arg8 : memref<128x128xf32, #tpu.memory_space<vmem>>) dst(%dma_wait3A_147 : memref<10240x128xf32, #tpu.memory_space<vmem_shared>>)
      } else {
      }
      %lt3A_96 = arith.constant 2500 : i32
      %lt3A_97 = arith.cmpi slt, %add3A_86, %lt3A_96 : i32
      %convert_element_type3A_98 = arith.extui %lt3A_97 : i1 to i32
      %cond3A_99 = arith.constant 0 : i32
      %cond3A_100 = arith.cmpi ne, %convert_element_type3A_98, %cond3A_99 : i32
      scf.if %cond3A_100 {
        %mul3A_146 = arith.constant 128 : i32
        %mul3A_147 = arith.muli %add3A_86, %mul3A_146 : i32
        "tpu.region"() ({
          %run_scoped3A = tpu.sem_alloc : memref<!tpu.dma_semaphore, #tpu.memory_space<semaphore_mem>>
          %dma_start3A_151 = tpu.memref_slice %arg3[%mul3A_147] : memref<320000xi32, #tpu.memory_space<hbm>> -> memref<128xi32, #tpu.memory_space<hbm>>
          %dma_start3A_152 = tpu.memref_slice %arg3[%mul3A_147] : memref<320000xi32, #tpu.memory_space<hbm>> -> memref<128xi32, #tpu.memory_space<hbm>>
          tpu.enqueue_dma source(%dma_start3A_152 : memref<128xi32, #tpu.memory_space<hbm>>) target(%arg10 : memref<128xi32, #tpu.memory_space<vmem>>) target_semaphore(%run_scoped3A : memref<!tpu.dma_semaphore, #tpu.memory_space<semaphore_mem>>)
          %dma_wait3A = tpu.memref_slice %arg3[%mul3A_147] : memref<320000xi32, #tpu.memory_space<hbm>> -> memref<128xi32, #tpu.memory_space<hbm>>
          %dma_wait3A_153 = tpu.memref_slice %arg3[%mul3A_147] : memref<320000xi32, #tpu.memory_space<hbm>> -> memref<128xi32, #tpu.memory_space<hbm>>
          tpu.wait_dma2 semaphore(%run_scoped3A : memref<!tpu.dma_semaphore, #tpu.memory_space<semaphore_mem>>) src(%dma_wait3A_153 : memref<128xi32, #tpu.memory_space<hbm>>) dst(%arg10 : memref<128xi32, #tpu.memory_space<vmem>>)
          tpu.yield
        }) : () -> ()
        %dma_start3A = arith.constant 0 : i32
        %dma_start3A_148 = tpu.memref_slice %arg2[%mul3A_147, %dma_start3A] : memref<320000x128xf32, #tpu.memory_space<hbm>> -> memref<128x128xf32, #tpu.memory_space<hbm>>
        %dma_start3A_149 = arith.constant 0 : i32
        %dma_start3A_150 = tpu.memref_slice %arg2[%mul3A_147, %dma_start3A_149] : memref<320000x128xf32, #tpu.memory_space<hbm>> -> memref<128x128xf32, #tpu.memory_space<hbm>>
        tpu.enqueue_dma source(%dma_start3A_150 : memref<128x128xf32, #tpu.memory_space<hbm>>) target(%arg8 : memref<128x128xf32, #tpu.memory_space<vmem>>) target_semaphore(%arg13 : memref<!tpu.dma_semaphore, #tpu.memory_space<semaphore_mem>>)
      } else {
      }
      %mul3A_101 = arith.constant 2 : i32
      %mul3A_102 = arith.muli %mul3A_101, %scan3A_78 : i32
      %mul3A_103 = arith.constant 32 : i32
      %mul3A_104 = arith.muli %mul3A_102, %mul3A_103 : i32
      %add3A_105 = arith.addi %mul3A_104, %add3A : i32
      %lt3A_106 = arith.constant 2500 : i32
      %lt3A_107 = arith.cmpi slt, %add3A_105, %lt3A_106 : i32
      %convert_element_type3A_108 = arith.extui %lt3A_107 : i1 to i32
      %cond3A_109 = arith.constant 0 : i32
      %cond3A_110 = arith.cmpi ne, %convert_element_type3A_108, %cond3A_109 : i32
      scf.if %cond3A_110 {
        %mul3A_146 = arith.constant 128 : i32
        %mul3A_147 = arith.muli %add3A_105, %mul3A_146 : i32
        %get3A = arith.constant 0 : index
        %get3A_148 = tpu.vector_load %arg9[%get3A] {strides = array<i32>} : memref<128xi32, #tpu.memory_space<vmem>>, vector<16xi32>,
        %add3A_149 = arith.constant 0 : i32
        %add3A_150 = arith.addi %mul3A_147, %add3A_149 : i32
        %iota3A = tpu.iota {dimensions = array<i32: 0>} : vector<16xi32>
        %add3A_151 = vector.broadcast %add3A_150 : i32 to vector<16xi32>
        %add3A_152 = arith.addi %add3A_151, %iota3A : vector<16xi32>
        %add3A_153 = arith.constant 1 : i32
        %add3A_154 = vector.broadcast %add3A_153 : i32 to vector<16xi32>
        %add3A_155 = arith.addi %add3A_152, %add3A_154 : vector<16xi32>
        tpu.vector_store_idx %arg11[%get3A_148], %add3A_155 : memref<10240xi32, #tpu.memory_space<vmem>>[vector<16xi32>], vector<16xi32>,
        %get3A_156 = arith.constant 16 : index
        %get3A_157 = tpu.vector_load %arg9[%get3A_156] {strides = array<i32>} : memref<128xi32, #tpu.memory_space<vmem>>, vector<16xi32>,
        %add3A_158 = arith.constant 16 : i32
        %add3A_159 = arith.addi %mul3A_147, %add3A_158 : i32
        %iota3A_160 = tpu.iota {dimensions = array<i32: 0>} : vector<16xi32>
        %add3A_161 = vector.broadcast %add3A_159 : i32 to vector<16xi32>
        %add3A_162 = arith.addi %add3A_161, %iota3A_160 : vector<16xi32>
        %add3A_163 = arith.constant 1 : i32
        %add3A_164 = vector.broadcast %add3A_163 : i32 to vector<16xi32>
        %add3A_165 = arith.addi %add3A_162, %add3A_164 : vector<16xi32>
        tpu.vector_store_idx %arg11[%get3A_157], %add3A_165 : memref<10240xi32, #tpu.memory_space<vmem>>[vector<16xi32>], vector<16xi32>,
        %get3A_166 = arith.constant 32 : index
        %get3A_167 = tpu.vector_load %arg9[%get3A_166] {strides = array<i32>} : memref<128xi32, #tpu.memory_space<vmem>>, vector<16xi32>,
        %add3A_168 = arith.constant 32 : i32
        %add3A_169 = arith.addi %mul3A_147, %add3A_168 : i32
        %iota3A_170 = tpu.iota {dimensions = array<i32: 0>} : vector<16xi32>
        %add3A_171 = vector.broadcast %add3A_169 : i32 to vector<16xi32>
        %add3A_172 = arith.addi %add3A_171, %iota3A_170 : vector<16xi32>
        %add3A_173 = arith.constant 1 : i32
        %add3A_174 = vector.broadcast %add3A_173 : i32 to vector<16xi32>
        %add3A_175 = arith.addi %add3A_172, %add3A_174 : vector<16xi32>
        tpu.vector_store_idx %arg11[%get3A_167], %add3A_175 : memref<10240xi32, #tpu.memory_space<vmem>>[vector<16xi32>], vector<16xi32>,
        %get3A_176 = arith.constant 48 : index
        %get3A_177 = tpu.vector_load %arg9[%get3A_176] {strides = array<i32>} : memref<128xi32, #tpu.memory_space<vmem>>, vector<16xi32>,
        %add3A_178 = arith.constant 48 : i32
        %add3A_179 = arith.addi %mul3A_147, %add3A_178 : i32
        %iota3A_180 = tpu.iota {dimensions = array<i32: 0>} : vector<16xi32>
        %add3A_181 = vector.broadcast %add3A_179 : i32 to vector<16xi32>
        %add3A_182 = arith.addi %add3A_181, %iota3A_180 : vector<16xi32>
        %add3A_183 = arith.constant 1 : i32
        %add3A_184 = vector.broadcast %add3A_183 : i32 to vector<16xi32>
        %add3A_185 = arith.addi %add3A_182, %add3A_184 : vector<16xi32>
        tpu.vector_store_idx %arg11[%get3A_177], %add3A_185 : memref<10240xi32, #tpu.memory_space<vmem>>[vector<16xi32>], vector<16xi32>,
        %get3A_186 = arith.constant 64 : index
        %get3A_187 = tpu.vector_load %arg9[%get3A_186] {strides = array<i32>} : memref<128xi32, #tpu.memory_space<vmem>>, vector<16xi32>,
        %add3A_188 = arith.constant 64 : i32
        %add3A_189 = arith.addi %mul3A_147, %add3A_188 : i32
        %iota3A_190 = tpu.iota {dimensions = array<i32: 0>} : vector<16xi32>
        %add3A_191 = vector.broadcast %add3A_189 : i32 to vector<16xi32>
        %add3A_192 = arith.addi %add3A_191, %iota3A_190 : vector<16xi32>
        %add3A_193 = arith.constant 1 : i32
        %add3A_194 = vector.broadcast %add3A_193 : i32 to vector<16xi32>
        %add3A_195 = arith.addi %add3A_192, %add3A_194 : vector<16xi32>
        tpu.vector_store_idx %arg11[%get3A_187], %add3A_195 : memref<10240xi32, #tpu.memory_space<vmem>>[vector<16xi32>], vector<16xi32>,
        %get3A_196 = arith.constant 80 : index
        %get3A_197 = tpu.vector_load %arg9[%get3A_196] {strides = array<i32>} : memref<128xi32, #tpu.memory_space<vmem>>, vector<16xi32>,
        %add3A_198 = arith.constant 80 : i32
        %add3A_199 = arith.addi %mul3A_147, %add3A_198 : i32
        %iota3A_200 = tpu.iota {dimensions = array<i32: 0>} : vector<16xi32>
        %add3A_201 = vector.broadcast %add3A_199 : i32 to vector<16xi32>
        %add3A_202 = arith.addi %add3A_201, %iota3A_200 : vector<16xi32>
        %add3A_203 = arith.constant 1 : i32
        %add3A_204 = vector.broadcast %add3A_203 : i32 to vector<16xi32>
        %add3A_205 = arith.addi %add3A_202, %add3A_204 : vector<16xi32>
        tpu.vector_store_idx %arg11[%get3A_197], %add3A_205 : memref<10240xi32, #tpu.memory_space<vmem>>[vector<16xi32>], vector<16xi32>,
        %get3A_206 = arith.constant 96 : index
        %get3A_207 = tpu.vector_load %arg9[%get3A_206] {strides = array<i32>} : memref<128xi32, #tpu.memory_space<vmem>>, vector<16xi32>,
        %add3A_208 = arith.constant 96 : i32
        %add3A_209 = arith.addi %mul3A_147, %add3A_208 : i32
        %iota3A_210 = tpu.iota {dimensions = array<i32: 0>} : vector<16xi32>
        %add3A_211 = vector.broadcast %add3A_209 : i32 to vector<16xi32>
        %add3A_212 = arith.addi %add3A_211, %iota3A_210 : vector<16xi32>
        %add3A_213 = arith.constant 1 : i32
        %add3A_214 = vector.broadcast %add3A_213 : i32 to vector<16xi32>
        %add3A_215 = arith.addi %add3A_212, %add3A_214 : vector<16xi32>
        tpu.vector_store_idx %arg11[%get3A_207], %add3A_215 : memref<10240xi32, #tpu.memory_space<vmem>>[vector<16xi32>], vector<16xi32>,
        %get3A_216 = arith.constant 112 : index
        %get3A_217 = tpu.vector_load %arg9[%get3A_216] {strides = array<i32>} : memref<128xi32, #tpu.memory_space<vmem>>, vector<16xi32>,
        %add3A_218 = arith.constant 112 : i32
        %add3A_219 = arith.addi %mul3A_147, %add3A_218 : i32
        %iota3A_220 = tpu.iota {dimensions = array<i32: 0>} : vector<16xi32>
        %add3A_221 = vector.broadcast %add3A_219 : i32 to vector<16xi32>
        %add3A_222 = arith.addi %add3A_221, %iota3A_220 : vector<16xi32>
        %add3A_223 = arith.constant 1 : i32
        %add3A_224 = vector.broadcast %add3A_223 : i32 to vector<16xi32>
        %add3A_225 = arith.addi %add3A_222, %add3A_224 : vector<16xi32>
        tpu.vector_store_idx %arg11[%get3A_217], %add3A_225 : memref<10240xi32, #tpu.memory_space<vmem>>[vector<16xi32>], vector<16xi32>,
        %dma_wait3A = arith.constant 0 : i32
        %dma_wait3A_226 = arith.constant 0 : i32
        %dma_wait3A_227 = tpu.memref_slice %arg2[%dma_wait3A, %dma_wait3A_226] : memref<320000x128xf32, #tpu.memory_space<hbm>> -> memref<128x128xf32, #tpu.memory_space<hbm>>
        %dma_wait3A_228 = arith.constant 0 : i32
        %dma_wait3A_229 = arith.constant 0 : i32
        %dma_wait3A_230 = tpu.memref_slice %arg2[%dma_wait3A_228, %dma_wait3A_229] : memref<320000x128xf32, #tpu.memory_space<hbm>> -> memref<128x128xf32, #tpu.memory_space<hbm>>
        tpu.wait_dma2 semaphore(%arg12 : memref<!tpu.dma_semaphore, #tpu.memory_space<semaphore_mem>>) src(%dma_wait3A_230 : memref<128x128xf32, #tpu.memory_space<hbm>>) dst(%arg7 : memref<128x128xf32, #tpu.memory_space<vmem>>)
        %dma_start3A = arith.constant 0 : i32
        %dma_start3A_231 = arith.constant 0 : i32
        %dma_start3A_232 = tpu.memref_slice %arg6[%dma_start3A, %dma_start3A_231] : memref<10240x128xf32, #tpu.memory_space<vmem_shared>> -> memref<10240x128xf32, #tpu.memory_space<vmem_shared>>
        tpu.enqueue_indirect_dma source(%arg7 : memref<128x128xf32, #tpu.memory_space<vmem>>) target(%dma_start3A_232 : memref<10240x128xf32, #tpu.memory_space<vmem_shared>>) offsets(%arg9 : memref<128xi32, #tpu.memory_space<vmem>>) semaphore(%arg14 : memref<!tpu.dma_semaphore, #tpu.memory_space<semaphore_mem>>) {add = true}
      } else {
      }
      %mul3A_111 = arith.constant 2 : i32
      %mul3A_112 = arith.muli %mul3A_111, %scan3A_78 : i32
      %add3A_113 = arith.constant 2 : i32
      %add3A_114 = arith.addi %mul3A_112, %add3A_113 : i32
      %mul3A_115 = arith.constant 32 : i32
      %mul3A_116 = arith.muli %add3A_114, %mul3A_115 : i32
      %add3A_117 = arith.addi %mul3A_116, %add3A : i32
      %ge3A_118 = arith.constant 2 : i32
      %ge3A_119 = arith.cmpi sge, %add3A_114, %ge3A_118 : i32
      %sub3A_120 = arith.constant 64 : i32
      %sub3A_121 = arith.subi %add3A_117, %sub3A_120 : i32
      %lt3A_122 = arith.constant 2500 : i32
      %lt3A_123 = arith.cmpi slt, %sub3A_121, %lt3A_122 : i32
      %and3A_124 = arith.andi %ge3A_119, %lt3A_123 : i1
      %convert_element_type3A_125 = arith.extui %and3A_124 : i1 to i32
      %cond3A_126 = arith.constant 0 : i32
      %cond3A_127 = arith.cmpi ne, %convert_element_type3A_125, %cond3A_126 : i32
      scf.if %cond3A_127 {
        %dma_wait3A = arith.constant 0 : i32
        %dma_wait3A_146 = arith.constant 0 : i32
        %dma_wait3A_147 = tpu.memref_slice %arg6[%dma_wait3A, %dma_wait3A_146] : memref<10240x128xf32, #tpu.memory_space<vmem_shared>> -> memref<10240x128xf32, #tpu.memory_space<vmem_shared>>
        tpu.wait_indirect_dma semaphore(%arg14 : memref<!tpu.dma_semaphore, #tpu.memory_space<semaphore_mem>>) src(%arg7 : memref<128x128xf32, #tpu.memory_space<vmem>>) dst(%dma_wait3A_147 : memref<10240x128xf32, #tpu.memory_space<vmem_shared>>)
      } else {
      }
      %lt3A_128 = arith.constant 2500 : i32
      %lt3A_129 = arith.cmpi slt, %add3A_117, %lt3A_128 : i32
      %convert_element_type3A_130 = arith.extui %lt3A_129 : i1 to i32
      %cond3A_131 = arith.constant 0 : i32
      %cond3A_132 = arith.cmpi ne, %convert_element_type3A_130, %cond3A_131 : i32
      scf.if %cond3A_132 {
        %mul3A_146 = arith.constant 128 : i32
        %mul3A_147 = arith.muli %add3A_117, %mul3A_146 : i32
        "tpu.region"() ({
          %run_scoped3A = tpu.sem_alloc : memref<!tpu.dma_semaphore, #tpu.memory_space<semaphore_mem>>
          %dma_start3A_151 = tpu.memref_slice %arg3[%mul3A_147] : memref<320000xi32, #tpu.memory_space<hbm>> -> memref<128xi32, #tpu.memory_space<hbm>>
          %dma_start3A_152 = tpu.memref_slice %arg3[%mul3A_147] : memref<320000xi32, #tpu.memory_space<hbm>> -> memref<128xi32, #tpu.memory_space<hbm>>
          tpu.enqueue_dma source(%dma_start3A_152 : memref<128xi32, #tpu.memory_space<hbm>>) target(%arg9 : memref<128xi32, #tpu.memory_space<vmem>>) target_semaphore(%run_scoped3A : memref<!tpu.dma_semaphore, #tpu.memory_space<semaphore_mem>>)
          %dma_wait3A = tpu.memref_slice %arg3[%mul3A_147] : memref<320000xi32, #tpu.memory_space<hbm>> -> memref<128xi32, #tpu.memory_space<hbm>>
          %dma_wait3A_153 = tpu.memref_slice %arg3[%mul3A_147] : memref<320000xi32, #tpu.memory_space<hbm>> -> memref<128xi32, #tpu.memory_space<hbm>>
          tpu.wait_dma2 semaphore(%run_scoped3A : memref<!tpu.dma_semaphore, #tpu.memory_space<semaphore_mem>>) src(%dma_wait3A_153 : memref<128xi32, #tpu.memory_space<hbm>>) dst(%arg9 : memref<128xi32, #tpu.memory_space<vmem>>)
          tpu.yield
        }) : () -> ()
        %dma_start3A = arith.constant 0 : i32
        %dma_start3A_148 = tpu.memref_slice %arg2[%mul3A_147, %dma_start3A] : memref<320000x128xf32, #tpu.memory_space<hbm>> -> memref<128x128xf32, #tpu.memory_space<hbm>>
        %dma_start3A_149 = arith.constant 0 : i32
        %dma_start3A_150 = tpu.memref_slice %arg2[%mul3A_147, %dma_start3A_149] : memref<320000x128xf32, #tpu.memory_space<hbm>> -> memref<128x128xf32, #tpu.memory_space<hbm>>
        tpu.enqueue_dma source(%dma_start3A_150 : memref<128x128xf32, #tpu.memory_space<hbm>>) target(%arg7 : memref<128x128xf32, #tpu.memory_space<vmem>>) target_semaphore(%arg12 : memref<!tpu.dma_semaphore, #tpu.memory_space<semaphore_mem>>)
      } else {
      }
      %mul3A_133 = arith.constant 2 : i32
      %mul3A_134 = arith.muli %mul3A_133, %scan3A_78 : i32
      %add3A_135 = arith.constant 1 : i32
      %add3A_136 = arith.addi %mul3A_134, %add3A_135 : i32
      %mul3A_137 = arith.constant 32 : i32
      %mul3A_138 = arith.muli %add3A_136, %mul3A_137 : i32
      %add3A_139 = arith.addi %mul3A_138, %add3A : i32
      %lt3A_140 = arith.constant 2500 : i32
      %lt3A_141 = arith.cmpi slt, %add3A_139, %lt3A_140 : i32
      %convert_element_type3A_142 = arith.extui %lt3A_141 : i1 to i32
      %cond3A_143 = arith.constant 0 : i32
      %cond3A_144 = arith.cmpi ne, %convert_element_type3A_142, %cond3A_143 : i32
      scf.if %cond3A_144 {
        %mul3A_146 = arith.constant 128 : i32
        %mul3A_147 = arith.muli %add3A_139, %mul3A_146 : i32
        %get3A = arith.constant 0 : index
        %get3A_148 = tpu.vector_load %arg10[%get3A] {strides = array<i32>} : memref<128xi32, #tpu.memory_space<vmem>>, vector<16xi32>,
        %add3A_149 = arith.constant 0 : i32
        %add3A_150 = arith.addi %mul3A_147, %add3A_149 : i32
        %iota3A = tpu.iota {dimensions = array<i32: 0>} : vector<16xi32>
        %add3A_151 = vector.broadcast %add3A_150 : i32 to vector<16xi32>
        %add3A_152 = arith.addi %add3A_151, %iota3A : vector<16xi32>
        %add3A_153 = arith.constant 1 : i32
        %add3A_154 = vector.broadcast %add3A_153 : i32 to vector<16xi32>
        %add3A_155 = arith.addi %add3A_152, %add3A_154 : vector<16xi32>
        tpu.vector_store_idx %arg11[%get3A_148], %add3A_155 : memref<10240xi32, #tpu.memory_space<vmem>>[vector<16xi32>], vector<16xi32>,
        %get3A_156 = arith.constant 16 : index
        %get3A_157 = tpu.vector_load %arg10[%get3A_156] {strides = array<i32>} : memref<128xi32, #tpu.memory_space<vmem>>, vector<16xi32>,
        %add3A_158 = arith.constant 16 : i32
        %add3A_159 = arith.addi %mul3A_147, %add3A_158 : i32
        %iota3A_160 = tpu.iota {dimensions = array<i32: 0>} : vector<16xi32>
        %add3A_161 = vector.broadcast %add3A_159 : i32 to vector<16xi32>
        %add3A_162 = arith.addi %add3A_161, %iota3A_160 : vector<16xi32>
        %add3A_163 = arith.constant 1 : i32
        %add3A_164 = vector.broadcast %add3A_163 : i32 to vector<16xi32>
        %add3A_165 = arith.addi %add3A_162, %add3A_164 : vector<16xi32>
        tpu.vector_store_idx %arg11[%get3A_157], %add3A_165 : memref<10240xi32, #tpu.memory_space<vmem>>[vector<16xi32>], vector<16xi32>,
        %get3A_166 = arith.constant 32 : index
        %get3A_167 = tpu.vector_load %arg10[%get3A_166] {strides = array<i32>} : memref<128xi32, #tpu.memory_space<vmem>>, vector<16xi32>,
        %add3A_168 = arith.constant 32 : i32
        %add3A_169 = arith.addi %mul3A_147, %add3A_168 : i32
        %iota3A_170 = tpu.iota {dimensions = array<i32: 0>} : vector<16xi32>
        %add3A_171 = vector.broadcast %add3A_169 : i32 to vector<16xi32>
        %add3A_172 = arith.addi %add3A_171, %iota3A_170 : vector<16xi32>
        %add3A_173 = arith.constant 1 : i32
        %add3A_174 = vector.broadcast %add3A_173 : i32 to vector<16xi32>
        %add3A_175 = arith.addi %add3A_172, %add3A_174 : vector<16xi32>
        tpu.vector_store_idx %arg11[%get3A_167], %add3A_175 : memref<10240xi32, #tpu.memory_space<vmem>>[vector<16xi32>], vector<16xi32>,
        %get3A_176 = arith.constant 48 : index
        %get3A_177 = tpu.vector_load %arg10[%get3A_176] {strides = array<i32>} : memref<128xi32, #tpu.memory_space<vmem>>, vector<16xi32>,
        %add3A_178 = arith.constant 48 : i32
        %add3A_179 = arith.addi %mul3A_147, %add3A_178 : i32
        %iota3A_180 = tpu.iota {dimensions = array<i32: 0>} : vector<16xi32>
        %add3A_181 = vector.broadcast %add3A_179 : i32 to vector<16xi32>
        %add3A_182 = arith.addi %add3A_181, %iota3A_180 : vector<16xi32>
        %add3A_183 = arith.constant 1 : i32
        %add3A_184 = vector.broadcast %add3A_183 : i32 to vector<16xi32>
        %add3A_185 = arith.addi %add3A_182, %add3A_184 : vector<16xi32>
        tpu.vector_store_idx %arg11[%get3A_177], %add3A_185 : memref<10240xi32, #tpu.memory_space<vmem>>[vector<16xi32>], vector<16xi32>,
        %get3A_186 = arith.constant 64 : index
        %get3A_187 = tpu.vector_load %arg10[%get3A_186] {strides = array<i32>} : memref<128xi32, #tpu.memory_space<vmem>>, vector<16xi32>,
        %add3A_188 = arith.constant 64 : i32
        %add3A_189 = arith.addi %mul3A_147, %add3A_188 : i32
        %iota3A_190 = tpu.iota {dimensions = array<i32: 0>} : vector<16xi32>
        %add3A_191 = vector.broadcast %add3A_189 : i32 to vector<16xi32>
        %add3A_192 = arith.addi %add3A_191, %iota3A_190 : vector<16xi32>
        %add3A_193 = arith.constant 1 : i32
        %add3A_194 = vector.broadcast %add3A_193 : i32 to vector<16xi32>
        %add3A_195 = arith.addi %add3A_192, %add3A_194 : vector<16xi32>
        tpu.vector_store_idx %arg11[%get3A_187], %add3A_195 : memref<10240xi32, #tpu.memory_space<vmem>>[vector<16xi32>], vector<16xi32>,
        %get3A_196 = arith.constant 80 : index
        %get3A_197 = tpu.vector_load %arg10[%get3A_196] {strides = array<i32>} : memref<128xi32, #tpu.memory_space<vmem>>, vector<16xi32>,
        %add3A_198 = arith.constant 80 : i32
        %add3A_199 = arith.addi %mul3A_147, %add3A_198 : i32
        %iota3A_200 = tpu.iota {dimensions = array<i32: 0>} : vector<16xi32>
        %add3A_201 = vector.broadcast %add3A_199 : i32 to vector<16xi32>
        %add3A_202 = arith.addi %add3A_201, %iota3A_200 : vector<16xi32>
        %add3A_203 = arith.constant 1 : i32
        %add3A_204 = vector.broadcast %add3A_203 : i32 to vector<16xi32>
        %add3A_205 = arith.addi %add3A_202, %add3A_204 : vector<16xi32>
        tpu.vector_store_idx %arg11[%get3A_197], %add3A_205 : memref<10240xi32, #tpu.memory_space<vmem>>[vector<16xi32>], vector<16xi32>,
        %get3A_206 = arith.constant 96 : index
        %get3A_207 = tpu.vector_load %arg10[%get3A_206] {strides = array<i32>} : memref<128xi32, #tpu.memory_space<vmem>>, vector<16xi32>,
        %add3A_208 = arith.constant 96 : i32
        %add3A_209 = arith.addi %mul3A_147, %add3A_208 : i32
        %iota3A_210 = tpu.iota {dimensions = array<i32: 0>} : vector<16xi32>
        %add3A_211 = vector.broadcast %add3A_209 : i32 to vector<16xi32>
        %add3A_212 = arith.addi %add3A_211, %iota3A_210 : vector<16xi32>
        %add3A_213 = arith.constant 1 : i32
        %add3A_214 = vector.broadcast %add3A_213 : i32 to vector<16xi32>
        %add3A_215 = arith.addi %add3A_212, %add3A_214 : vector<16xi32>
        tpu.vector_store_idx %arg11[%get3A_207], %add3A_215 : memref<10240xi32, #tpu.memory_space<vmem>>[vector<16xi32>], vector<16xi32>,
        %get3A_216 = arith.constant 112 : index
        %get3A_217 = tpu.vector_load %arg10[%get3A_216] {strides = array<i32>} : memref<128xi32, #tpu.memory_space<vmem>>, vector<16xi32>,
        %add3A_218 = arith.constant 112 : i32
        %add3A_219 = arith.addi %mul3A_147, %add3A_218 : i32
        %iota3A_220 = tpu.iota {dimensions = array<i32: 0>} : vector<16xi32>
        %add3A_221 = vector.broadcast %add3A_219 : i32 to vector<16xi32>
        %add3A_222 = arith.addi %add3A_221, %iota3A_220 : vector<16xi32>
        %add3A_223 = arith.constant 1 : i32
        %add3A_224 = vector.broadcast %add3A_223 : i32 to vector<16xi32>
        %add3A_225 = arith.addi %add3A_222, %add3A_224 : vector<16xi32>
        tpu.vector_store_idx %arg11[%get3A_217], %add3A_225 : memref<10240xi32, #tpu.memory_space<vmem>>[vector<16xi32>], vector<16xi32>,
        %dma_wait3A = arith.constant 0 : i32
        %dma_wait3A_226 = arith.constant 0 : i32
        %dma_wait3A_227 = tpu.memref_slice %arg2[%dma_wait3A, %dma_wait3A_226] : memref<320000x128xf32, #tpu.memory_space<hbm>> -> memref<128x128xf32, #tpu.memory_space<hbm>>
        %dma_wait3A_228 = arith.constant 0 : i32
        %dma_wait3A_229 = arith.constant 0 : i32
        %dma_wait3A_230 = tpu.memref_slice %arg2[%dma_wait3A_228, %dma_wait3A_229] : memref<320000x128xf32, #tpu.memory_space<hbm>> -> memref<128x128xf32, #tpu.memory_space<hbm>>
        tpu.wait_dma2 semaphore(%arg13 : memref<!tpu.dma_semaphore, #tpu.memory_space<semaphore_mem>>) src(%dma_wait3A_230 : memref<128x128xf32, #tpu.memory_space<hbm>>) dst(%arg8 : memref<128x128xf32, #tpu.memory_space<vmem>>)
        %dma_start3A = arith.constant 0 : i32
        %dma_start3A_231 = arith.constant 0 : i32
        %dma_start3A_232 = tpu.memref_slice %arg6[%dma_start3A, %dma_start3A_231] : memref<10240x128xf32, #tpu.memory_space<vmem_shared>> -> memref<10240x128xf32, #tpu.memory_space<vmem_shared>>
        tpu.enqueue_indirect_dma source(%arg8 : memref<128x128xf32, #tpu.memory_space<vmem>>) target(%dma_start3A_232 : memref<10240x128xf32, #tpu.memory_space<vmem_shared>>) offsets(%arg10 : memref<128xi32, #tpu.memory_space<vmem>>) semaphore(%arg15 : memref<!tpu.dma_semaphore, #tpu.memory_space<semaphore_mem>>) {add = true}
      } else {
      }
      %scan3A_145 = arith.constant 0 : i32
      scf.yield %scan3A_145 : i32
    }
    %scan3A_51 = arith.constant 39 : i32
    %add3A_52 = arith.constant 2496 : i32
    %add3A_53 = arith.addi %add3A_52, %add3A : i32
    %lt3A_54 = arith.constant 2500 : i32
    %lt3A_55 = arith.cmpi slt, %add3A_53, %lt3A_54 : i32
    %convert_element_type3A_56 = arith.extui %lt3A_55 : i1 to i32
    %cond3A_57 = arith.constant 0 : i32
    %cond3A_58 = arith.cmpi ne, %convert_element_type3A_56, %cond3A_57 : i32
    scf.if %cond3A_58 {
      %mul3A_78 = arith.constant 128 : i32
      %mul3A_79 = arith.muli %add3A_53, %mul3A_78 : i32
      %get3A = arith.constant 0 : index
      %get3A_80 = tpu.vector_load %arg9[%get3A] {strides = array<i32>} : memref<128xi32, #tpu.memory_space<vmem>>, vector<16xi32>,
      %add3A_81 = arith.constant 0 : i32
      %add3A_82 = arith.addi %mul3A_79, %add3A_81 : i32
      %iota3A = tpu.iota {dimensions = array<i32: 0>} : vector<16xi32>
      %add3A_83 = vector.broadcast %add3A_82 : i32 to vector<16xi32>
      %add3A_84 = arith.addi %add3A_83, %iota3A : vector<16xi32>
      %add3A_85 = arith.constant 1 : i32
      %add3A_86 = vector.broadcast %add3A_85 : i32 to vector<16xi32>
      %add3A_87 = arith.addi %add3A_84, %add3A_86 : vector<16xi32>
      tpu.vector_store_idx %arg11[%get3A_80], %add3A_87 : memref<10240xi32, #tpu.memory_space<vmem>>[vector<16xi32>], vector<16xi32>,
      %get3A_88 = arith.constant 16 : index
      %get3A_89 = tpu.vector_load %arg9[%get3A_88] {strides = array<i32>} : memref<128xi32, #tpu.memory_space<vmem>>, vector<16xi32>,
      %add3A_90 = arith.constant 16 : i32
      %add3A_91 = arith.addi %mul3A_79, %add3A_90 : i32
      %iota3A_92 = tpu.iota {dimensions = array<i32: 0>} : vector<16xi32>
      %add3A_93 = vector.broadcast %add3A_91 : i32 to vector<16xi32>
      %add3A_94 = arith.addi %add3A_93, %iota3A_92 : vector<16xi32>
      %add3A_95 = arith.constant 1 : i32
      %add3A_96 = vector.broadcast %add3A_95 : i32 to vector<16xi32>
      %add3A_97 = arith.addi %add3A_94, %add3A_96 : vector<16xi32>
      tpu.vector_store_idx %arg11[%get3A_89], %add3A_97 : memref<10240xi32, #tpu.memory_space<vmem>>[vector<16xi32>], vector<16xi32>,
      %get3A_98 = arith.constant 32 : index
      %get3A_99 = tpu.vector_load %arg9[%get3A_98] {strides = array<i32>} : memref<128xi32, #tpu.memory_space<vmem>>, vector<16xi32>,
      %add3A_100 = arith.constant 32 : i32
      %add3A_101 = arith.addi %mul3A_79, %add3A_100 : i32
      %iota3A_102 = tpu.iota {dimensions = array<i32: 0>} : vector<16xi32>
      %add3A_103 = vector.broadcast %add3A_101 : i32 to vector<16xi32>
      %add3A_104 = arith.addi %add3A_103, %iota3A_102 : vector<16xi32>
      %add3A_105 = arith.constant 1 : i32
      %add3A_106 = vector.broadcast %add3A_105 : i32 to vector<16xi32>
      %add3A_107 = arith.addi %add3A_104, %add3A_106 : vector<16xi32>
      tpu.vector_store_idx %arg11[%get3A_99], %add3A_107 : memref<10240xi32, #tpu.memory_space<vmem>>[vector<16xi32>], vector<16xi32>,
      %get3A_108 = arith.constant 48 : index
      %get3A_109 = tpu.vector_load %arg9[%get3A_108] {strides = array<i32>} : memref<128xi32, #tpu.memory_space<vmem>>, vector<16xi32>,
      %add3A_110 = arith.constant 48 : i32
      %add3A_111 = arith.addi %mul3A_79, %add3A_110 : i32
      %iota3A_112 = tpu.iota {dimensions = array<i32: 0>} : vector<16xi32>
      %add3A_113 = vector.broadcast %add3A_111 : i32 to vector<16xi32>
      %add3A_114 = arith.addi %add3A_113, %iota3A_112 : vector<16xi32>
      %add3A_115 = arith.constant 1 : i32
      %add3A_116 = vector.broadcast %add3A_115 : i32 to vector<16xi32>
      %add3A_117 = arith.addi %add3A_114, %add3A_116 : vector<16xi32>
      tpu.vector_store_idx %arg11[%get3A_109], %add3A_117 : memref<10240xi32, #tpu.memory_space<vmem>>[vector<16xi32>], vector<16xi32>,
      %get3A_118 = arith.constant 64 : index
      %get3A_119 = tpu.vector_load %arg9[%get3A_118] {strides = array<i32>} : memref<128xi32, #tpu.memory_space<vmem>>, vector<16xi32>,
      %add3A_120 = arith.constant 64 : i32
      %add3A_121 = arith.addi %mul3A_79, %add3A_120 : i32
      %iota3A_122 = tpu.iota {dimensions = array<i32: 0>} : vector<16xi32>
      %add3A_123 = vector.broadcast %add3A_121 : i32 to vector<16xi32>
      %add3A_124 = arith.addi %add3A_123, %iota3A_122 : vector<16xi32>
      %add3A_125 = arith.constant 1 : i32
      %add3A_126 = vector.broadcast %add3A_125 : i32 to vector<16xi32>
      %add3A_127 = arith.addi %add3A_124, %add3A_126 : vector<16xi32>
      tpu.vector_store_idx %arg11[%get3A_119], %add3A_127 : memref<10240xi32, #tpu.memory_space<vmem>>[vector<16xi32>], vector<16xi32>,
      %get3A_128 = arith.constant 80 : index
      %get3A_129 = tpu.vector_load %arg9[%get3A_128] {strides = array<i32>} : memref<128xi32, #tpu.memory_space<vmem>>, vector<16xi32>,
      %add3A_130 = arith.constant 80 : i32
      %add3A_131 = arith.addi %mul3A_79, %add3A_130 : i32
      %iota3A_132 = tpu.iota {dimensions = array<i32: 0>} : vector<16xi32>
      %add3A_133 = vector.broadcast %add3A_131 : i32 to vector<16xi32>
      %add3A_134 = arith.addi %add3A_133, %iota3A_132 : vector<16xi32>
      %add3A_135 = arith.constant 1 : i32
      %add3A_136 = vector.broadcast %add3A_135 : i32 to vector<16xi32>
      %add3A_137 = arith.addi %add3A_134, %add3A_136 : vector<16xi32>
      tpu.vector_store_idx %arg11[%get3A_129], %add3A_137 : memref<10240xi32, #tpu.memory_space<vmem>>[vector<16xi32>], vector<16xi32>,
      %get3A_138 = arith.constant 96 : index
      %get3A_139 = tpu.vector_load %arg9[%get3A_138] {strides = array<i32>} : memref<128xi32, #tpu.memory_space<vmem>>, vector<16xi32>,
      %add3A_140 = arith.constant 96 : i32
      %add3A_141 = arith.addi %mul3A_79, %add3A_140 : i32
      %iota3A_142 = tpu.iota {dimensions = array<i32: 0>} : vector<16xi32>
      %add3A_143 = vector.broadcast %add3A_141 : i32 to vector<16xi32>
      %add3A_144 = arith.addi %add3A_143, %iota3A_142 : vector<16xi32>
      %add3A_145 = arith.constant 1 : i32
      %add3A_146 = vector.broadcast %add3A_145 : i32 to vector<16xi32>
      %add3A_147 = arith.addi %add3A_144, %add3A_146 : vector<16xi32>
      tpu.vector_store_idx %arg11[%get3A_139], %add3A_147 : memref<10240xi32, #tpu.memory_space<vmem>>[vector<16xi32>], vector<16xi32>,
      %get3A_148 = arith.constant 112 : index
      %get3A_149 = tpu.vector_load %arg9[%get3A_148] {strides = array<i32>} : memref<128xi32, #tpu.memory_space<vmem>>, vector<16xi32>,
      %add3A_150 = arith.constant 112 : i32
      %add3A_151 = arith.addi %mul3A_79, %add3A_150 : i32
      %iota3A_152 = tpu.iota {dimensions = array<i32: 0>} : vector<16xi32>
      %add3A_153 = vector.broadcast %add3A_151 : i32 to vector<16xi32>
      %add3A_154 = arith.addi %add3A_153, %iota3A_152 : vector<16xi32>
      %add3A_155 = arith.constant 1 : i32
      %add3A_156 = vector.broadcast %add3A_155 : i32 to vector<16xi32>
      %add3A_157 = arith.addi %add3A_154, %add3A_156 : vector<16xi32>
      tpu.vector_store_idx %arg11[%get3A_149], %add3A_157 : memref<10240xi32, #tpu.memory_space<vmem>>[vector<16xi32>], vector<16xi32>,
      %dma_wait3A = arith.constant 0 : i32
      %dma_wait3A_158 = arith.constant 0 : i32
      %dma_wait3A_159 = tpu.memref_slice %arg2[%dma_wait3A, %dma_wait3A_158] : memref<320000x128xf32, #tpu.memory_space<hbm>> -> memref<128x128xf32, #tpu.memory_space<hbm>>
      %dma_wait3A_160 = arith.constant 0 : i32
      %dma_wait3A_161 = arith.constant 0 : i32
      %dma_wait3A_162 = tpu.memref_slice %arg2[%dma_wait3A_160, %dma_wait3A_161] : memref<320000x128xf32, #tpu.memory_space<hbm>> -> memref<128x128xf32, #tpu.memory_space<hbm>>
      tpu.wait_dma2 semaphore(%arg12 : memref<!tpu.dma_semaphore, #tpu.memory_space<semaphore_mem>>) src(%dma_wait3A_162 : memref<128x128xf32, #tpu.memory_space<hbm>>) dst(%arg7 : memref<128x128xf32, #tpu.memory_space<vmem>>)
      %dma_start3A = arith.constant 0 : i32
      %dma_start3A_163 = arith.constant 0 : i32
      %dma_start3A_164 = tpu.memref_slice %arg6[%dma_start3A, %dma_start3A_163] : memref<10240x128xf32, #tpu.memory_space<vmem_shared>> -> memref<10240x128xf32, #tpu.memory_space<vmem_shared>>
      tpu.enqueue_indirect_dma source(%arg7 : memref<128x128xf32, #tpu.memory_space<vmem>>) target(%dma_start3A_164 : memref<10240x128xf32, #tpu.memory_space<vmem_shared>>) offsets(%arg9 : memref<128xi32, #tpu.memory_space<vmem>>) semaphore(%arg14 : memref<!tpu.dma_semaphore, #tpu.memory_space<semaphore_mem>>) {add = true}
    } else {
    }
    %add3A_59 = arith.constant 2464 : i32
    %add3A_60 = arith.addi %add3A_59, %add3A : i32
    %lt3A_61 = arith.constant 2500 : i32
    %lt3A_62 = arith.cmpi slt, %add3A_60, %lt3A_61 : i32
    %convert_element_type3A_63 = arith.extui %lt3A_62 : i1 to i32
    %cond3A_64 = arith.constant 0 : i32
    %cond3A_65 = arith.cmpi ne, %convert_element_type3A_63, %cond3A_64 : i32
    scf.if %cond3A_65 {
      %dma_wait3A = arith.constant 0 : i32
      %dma_wait3A_78 = arith.constant 0 : i32
      %dma_wait3A_79 = tpu.memref_slice %arg6[%dma_wait3A, %dma_wait3A_78] : memref<10240x128xf32, #tpu.memory_space<vmem_shared>> -> memref<10240x128xf32, #tpu.memory_space<vmem_shared>>
      tpu.wait_indirect_dma semaphore(%arg15 : memref<!tpu.dma_semaphore, #tpu.memory_space<semaphore_mem>>) src(%arg8 : memref<128x128xf32, #tpu.memory_space<vmem>>) dst(%dma_wait3A_79 : memref<10240x128xf32, #tpu.memory_space<vmem_shared>>)
    } else {
    }
    %add3A_66 = arith.constant 2496 : i32
    %add3A_67 = arith.addi %add3A_66, %add3A : i32
    %lt3A_68 = arith.constant 2500 : i32
    %lt3A_69 = arith.cmpi slt, %add3A_67, %lt3A_68 : i32
    %convert_element_type3A_70 = arith.extui %lt3A_69 : i1 to i32
    %cond3A_71 = arith.constant 0 : i32
    %cond3A_72 = arith.cmpi ne, %convert_element_type3A_70, %cond3A_71 : i32
    scf.if %cond3A_72 {
      %dma_wait3A = arith.constant 0 : i32
      %dma_wait3A_78 = arith.constant 0 : i32
      %dma_wait3A_79 = tpu.memref_slice %arg6[%dma_wait3A, %dma_wait3A_78] : memref<10240x128xf32, #tpu.memory_space<vmem_shared>> -> memref<10240x128xf32, #tpu.memory_space<vmem_shared>>
      tpu.wait_indirect_dma semaphore(%arg14 : memref<!tpu.dma_semaphore, #tpu.memory_space<semaphore_mem>>) src(%arg7 : memref<128x128xf32, #tpu.memory_space<vmem>>) dst(%dma_wait3A_79 : memref<10240x128xf32, #tpu.memory_space<vmem_shared>>)
    } else {
    }
    %barrier3A_73 = arith.constant 0 : index
    tpu.barrier barrier_id(%barrier3A_73)
    %mul3A_74 = arith.constant 640 : i32
    %mul3A_75 = arith.muli %arg1, %mul3A_74 : i32
    %mul3A_76 = arith.constant 640 : i32
    %mul3A_77 = arith.muli %arg1, %mul3A_76 : i32
    "tpu.region"() ({
      %run_scoped3A = tpu.sem_alloc : memref<!tpu.dma_semaphore, #tpu.memory_space<semaphore_mem>>
      %dma_start3A = arith.constant 0 : i32
      %dma_start3A_78 = tpu.memref_slice %arg4[%arg0, %mul3A_77, %dma_start3A] : memref<2x10240x128xf32, #tpu.memory_space<hbm>> -> memref<1x640x128xf32, #tpu.memory_space<hbm>>
      %dma_start3A_79 = tpu.memref_squeeze %dma_start3A_78 : memref<1x640x128xf32, #tpu.memory_space<hbm>> -> memref<640x128xf32, #tpu.memory_space<hbm>>
      %dma_start3A_80 = arith.constant 0 : i32
      %dma_start3A_81 = tpu.memref_slice %arg6[%mul3A_75, %dma_start3A_80] : memref<10240x128xf32, #tpu.memory_space<vmem_shared>> -> memref<640x128xf32, #tpu.memory_space<vmem_shared>>
      tpu.enqueue_dma source(%dma_start3A_81 : memref<640x128xf32, #tpu.memory_space<vmem_shared>>) target(%dma_start3A_79 : memref<640x128xf32, #tpu.memory_space<hbm>>) target_semaphore(%run_scoped3A : memref<!tpu.dma_semaphore, #tpu.memory_space<semaphore_mem>>)
      %dma_wait3A = arith.constant 0 : i32
      %dma_wait3A_82 = tpu.memref_slice %arg4[%arg0, %mul3A_77, %dma_wait3A] : memref<2x10240x128xf32, #tpu.memory_space<hbm>> -> memref<1x640x128xf32, #tpu.memory_space<hbm>>
      %dma_wait3A_83 = tpu.memref_squeeze %dma_wait3A_82 : memref<1x640x128xf32, #tpu.memory_space<hbm>> -> memref<640x128xf32, #tpu.memory_space<hbm>>
      %dma_wait3A_84 = arith.constant 0 : i32
      %dma_wait3A_85 = tpu.memref_slice %arg6[%mul3A_75, %dma_wait3A_84] : memref<10240x128xf32, #tpu.memory_space<vmem_shared>> -> memref<640x128xf32, #tpu.memory_space<vmem_shared>>
      tpu.wait_dma2 semaphore(%run_scoped3A : memref<!tpu.dma_semaphore, #tpu.memory_space<semaphore_mem>>) src(%dma_wait3A_85 : memref<640x128xf32, #tpu.memory_space<vmem_shared>>) dst(%dma_wait3A_83 : memref<640x128xf32, #tpu.memory_space<hbm>>)
      tpu.yield
    }) : () -> ()
    "tpu.region"() ({
      %run_scoped3A = tpu.sem_alloc : memref<!tpu.dma_semaphore, #tpu.memory_space<semaphore_mem>>
      %dma_start3A = arith.constant 0 : i32
      %dma_start3A_78 = tpu.memref_slice %arg5[%add3A, %dma_start3A] : memref<32x10240xi32, #tpu.memory_space<hbm>> -> memref<1x10240xi32, #tpu.memory_space<hbm>>
      %dma_start3A_79 = tpu.memref_squeeze %dma_start3A_78 : memref<1x10240xi32, #tpu.memory_space<hbm>> -> memref<10240xi32, #tpu.memory_space<hbm>>
      %dma_start3A_80 = arith.constant 0 : i32
      %dma_start3A_81 = tpu.memref_slice %arg5[%add3A, %dma_start3A_80] : memref<32x10240xi32, #tpu.memory_space<hbm>> -> memref<1x10240xi32, #tpu.memory_space<hbm>>
      %dma_start3A_82 = tpu.memref_squeeze %dma_start3A_81 : memref<1x10240xi32, #tpu.memory_space<hbm>> -> memref<10240xi32, #tpu.memory_space<hbm>>
      tpu.enqueue_dma source(%arg11 : memref<10240xi32, #tpu.memory_space<vmem>>) target(%dma_start3A_82 : memref<10240xi32, #tpu.memory_space<hbm>>) target_semaphore(%run_scoped3A : memref<!tpu.dma_semaphore, #tpu.memory_space<semaphore_mem>>)
      %dma_wait3A = arith.constant 0 : i32
      %dma_wait3A_83 = tpu.memref_slice %arg5[%add3A, %dma_wait3A] : memref<32x10240xi32, #tpu.memory_space<hbm>> -> memref<1x10240xi32, #tpu.memory_space<hbm>>
      %dma_wait3A_84 = tpu.memref_squeeze %dma_wait3A_83 : memref<1x10240xi32, #tpu.memory_space<hbm>> -> memref<10240xi32, #tpu.memory_space<hbm>>
      %dma_wait3A_85 = arith.constant 0 : i32
      %dma_wait3A_86 = tpu.memref_slice %arg5[%add3A, %dma_wait3A_85] : memref<32x10240xi32, #tpu.memory_space<hbm>> -> memref<1x10240xi32, #tpu.memory_space<hbm>>
      %dma_wait3A_87 = tpu.memref_squeeze %dma_wait3A_86 : memref<1x10240xi32, #tpu.memory_space<hbm>> -> memref<10240xi32, #tpu.memory_space<hbm>>
      tpu.wait_dma2 semaphore(%run_scoped3A : memref<!tpu.dma_semaphore, #tpu.memory_space<semaphore_mem>>) src(%arg11 : memref<10240xi32, #tpu.memory_space<vmem>>) dst(%dma_wait3A_87 : memref<10240xi32, #tpu.memory_space<hbm>>)
      tpu.yield
    }) : () -> ()
    return
  }
}

#map = affine_map<(d0, d1) -> (0, 0)>
#map1 = affine_map<(d0, d1) -> (0)>
module attributes {stable_mosaic.version = 14 : i64} {
  func.func @_k3_body(%arg0: i32, %arg1: i32, %arg2: memref<320000x128xf32, #tpu.memory_space<hbm>>, %arg3: memref<320000xi32, #tpu.memory_space<hbm>>, %arg4: memref<10240x128xf32, #tpu.memory_space<hbm>>, %arg5: memref<320000x128xf32, #tpu.memory_space<hbm>>, %arg6: memref<10112x128xf32, #tpu.memory_space<vmem_shared>>, %arg7: memref<128x128xf32, #tpu.memory_space<vmem>>, %arg8: memref<128x128xf32, #tpu.memory_space<vmem>>, %arg9: memref<128x128xf32, #tpu.memory_space<vmem>>, %arg10: memref<128xi32, #tpu.memory_space<vmem>>, %arg11: memref<128xi32, #tpu.memory_space<vmem>>, %arg12: memref<128xi32, #tpu.memory_space<vmem>>, %arg13: memref<!tpu.dma_semaphore, #tpu.memory_space<semaphore_mem>>, %arg14: memref<!tpu.dma_semaphore, #tpu.memory_space<semaphore_mem>>, %arg15: memref<!tpu.dma_semaphore, #tpu.memory_space<semaphore_mem>>, %arg16: memref<!tpu.dma_semaphore, #tpu.memory_space<semaphore_mem>>, %arg17: memref<!tpu.dma_semaphore, #tpu.memory_space<semaphore_mem>>, %arg18: memref<!tpu.dma_semaphore, #tpu.memory_space<semaphore_mem>>, %arg19: memref<!tpu.dma_semaphore, #tpu.memory_space<semaphore_mem>>, %arg20: memref<!tpu.dma_semaphore, #tpu.memory_space<semaphore_mem>>, %arg21: memref<!tpu.dma_semaphore, #tpu.memory_space<semaphore_mem>>) attributes {dimension_semantics = [#tpu.dimension_semantics<core_parallel>, #tpu.dimension_semantics<subcore_parallel>], iteration_bounds = array<i64: 2, 16>, scalar_prefetch = 0 : i64, scratch_operands = 16 : i64, tpu.core_type = #tpu.core_type<sc_vector_subcore>, window_params = [{transform_indices = #map}, {transform_indices = #map1}, {transform_indices = #map}, {transform_indices = #map}]} {
    %mul3A = arith.constant 2 : i32
    %mul3A_0 = arith.muli %arg1, %mul3A : i32
    %add3A = arith.addi %mul3A_0, %arg0 : i32
    %mul3A_1 = arith.constant 632 : i32
    %mul3A_2 = arith.muli %arg1, %mul3A_1 : i32
    %add3A_3 = arith.constant 0 : i32
    %add3A_4 = arith.addi %mul3A_2, %add3A_3 : i32
    "tpu.region"() ({
      %run_scoped3A = tpu.sem_alloc : memref<!tpu.dma_semaphore, #tpu.memory_space<semaphore_mem>>
      %dma_start3A = arith.constant 0 : i32
      %dma_start3A_81 = arith.constant 0 : i32
      %dma_start3A_82 = tpu.memref_slice %arg7[%dma_start3A, %dma_start3A_81] : memref<128x128xf32, #tpu.memory_space<vmem>> -> memref<128x128xf32, #tpu.memory_space<vmem>>
      %dma_start3A_83 = arith.constant 0 : i32
      %dma_start3A_84 = tpu.memref_slice %arg4[%add3A_4, %dma_start3A_83] : memref<10240x128xf32, #tpu.memory_space<hbm>> -> memref<128x128xf32, #tpu.memory_space<hbm>>
      %dma_start3A_85 = arith.constant 0 : i32
      %dma_start3A_86 = arith.constant 0 : i32
      %dma_start3A_87 = tpu.memref_slice %arg7[%dma_start3A_85, %dma_start3A_86] : memref<128x128xf32, #tpu.memory_space<vmem>> -> memref<128x128xf32, #tpu.memory_space<vmem>>
      %dma_start3A_88 = arith.constant 0 : i32
      %dma_start3A_89 = tpu.memref_slice %arg4[%add3A_4, %dma_start3A_88] : memref<10240x128xf32, #tpu.memory_space<hbm>> -> memref<128x128xf32, #tpu.memory_space<hbm>>
      tpu.enqueue_dma source(%dma_start3A_89 : memref<128x128xf32, #tpu.memory_space<hbm>>) target(%dma_start3A_87 : memref<128x128xf32, #tpu.memory_space<vmem>>) target_semaphore(%run_scoped3A : memref<!tpu.dma_semaphore, #tpu.memory_space<semaphore_mem>>)
      %dma_wait3A = arith.constant 0 : i32
      %dma_wait3A_90 = arith.constant 0 : i32
      %dma_wait3A_91 = tpu.memref_slice %arg7[%dma_wait3A, %dma_wait3A_90] : memref<128x128xf32, #tpu.memory_space<vmem>> -> memref<128x128xf32, #tpu.memory_space<vmem>>
      %dma_wait3A_92 = arith.constant 0 : i32
      %dma_wait3A_93 = tpu.memref_slice %arg4[%add3A_4, %dma_wait3A_92] : memref<10240x128xf32, #tpu.memory_space<hbm>> -> memref<128x128xf32, #tpu.memory_space<hbm>>
      %dma_wait3A_94 = arith.constant 0 : i32
      %dma_wait3A_95 = arith.constant 0 : i32
      %dma_wait3A_96 = tpu.memref_slice %arg7[%dma_wait3A_94, %dma_wait3A_95] : memref<128x128xf32, #tpu.memory_space<vmem>> -> memref<128x128xf32, #tpu.memory_space<vmem>>
      %dma_wait3A_97 = arith.constant 0 : i32
      %dma_wait3A_98 = tpu.memref_slice %arg4[%add3A_4, %dma_wait3A_97] : memref<10240x128xf32, #tpu.memory_space<hbm>> -> memref<128x128xf32, #tpu.memory_space<hbm>>
      tpu.wait_dma2 semaphore(%run_scoped3A : memref<!tpu.dma_semaphore, #tpu.memory_space<semaphore_mem>>) src(%dma_wait3A_98 : memref<128x128xf32, #tpu.memory_space<hbm>>) dst(%dma_wait3A_96 : memref<128x128xf32, #tpu.memory_space<vmem>>)
      tpu.yield
    }) : () -> ()
    %mul3A_5 = arith.constant 632 : i32
    %mul3A_6 = arith.muli %arg1, %mul3A_5 : i32
    %add3A_7 = arith.constant 0 : i32
    %add3A_8 = arith.addi %mul3A_6, %add3A_7 : i32
    "tpu.region"() ({
      %run_scoped3A = tpu.sem_alloc : memref<!tpu.dma_semaphore, #tpu.memory_space<semaphore_mem>>
      %dma_start3A = arith.constant 0 : i32
      %dma_start3A_81 = arith.constant 0 : i32
      %dma_start3A_82 = tpu.memref_slice %arg7[%dma_start3A, %dma_start3A_81] : memref<128x128xf32, #tpu.memory_space<vmem>> -> memref<128x128xf32, #tpu.memory_space<vmem>>
      %dma_start3A_83 = arith.constant 0 : i32
      %dma_start3A_84 = tpu.memref_slice %arg6[%add3A_8, %dma_start3A_83] : memref<10112x128xf32, #tpu.memory_space<vmem_shared>> -> memref<128x128xf32, #tpu.memory_space<vmem_shared>>
      %dma_start3A_85 = arith.constant 0 : i32
      %dma_start3A_86 = tpu.memref_slice %arg6[%add3A_8, %dma_start3A_85] : memref<10112x128xf32, #tpu.memory_space<vmem_shared>> -> memref<128x128xf32, #tpu.memory_space<vmem_shared>>
      %dma_start3A_87 = arith.constant 0 : i32
      %dma_start3A_88 = arith.constant 0 : i32
      %dma_start3A_89 = tpu.memref_slice %arg7[%dma_start3A_87, %dma_start3A_88] : memref<128x128xf32, #tpu.memory_space<vmem>> -> memref<128x128xf32, #tpu.memory_space<vmem>>
      tpu.enqueue_dma source(%dma_start3A_89 : memref<128x128xf32, #tpu.memory_space<vmem>>) target(%dma_start3A_86 : memref<128x128xf32, #tpu.memory_space<vmem_shared>>) target_semaphore(%run_scoped3A : memref<!tpu.dma_semaphore, #tpu.memory_space<semaphore_mem>>)
      %dma_wait3A = arith.constant 0 : i32
      %dma_wait3A_90 = arith.constant 0 : i32
      %dma_wait3A_91 = tpu.memref_slice %arg7[%dma_wait3A, %dma_wait3A_90] : memref<128x128xf32, #tpu.memory_space<vmem>> -> memref<128x128xf32, #tpu.memory_space<vmem>>
      %dma_wait3A_92 = arith.constant 0 : i32
      %dma_wait3A_93 = tpu.memref_slice %arg6[%add3A_8, %dma_wait3A_92] : memref<10112x128xf32, #tpu.memory_space<vmem_shared>> -> memref<128x128xf32, #tpu.memory_space<vmem_shared>>
      %dma_wait3A_94 = arith.constant 0 : i32
      %dma_wait3A_95 = tpu.memref_slice %arg6[%add3A_8, %dma_wait3A_94] : memref<10112x128xf32, #tpu.memory_space<vmem_shared>> -> memref<128x128xf32, #tpu.memory_space<vmem_shared>>
      %dma_wait3A_96 = arith.constant 0 : i32
      %dma_wait3A_97 = arith.constant 0 : i32
      %dma_wait3A_98 = tpu.memref_slice %arg7[%dma_wait3A_96, %dma_wait3A_97] : memref<128x128xf32, #tpu.memory_space<vmem>> -> memref<128x128xf32, #tpu.memory_space<vmem>>
      tpu.wait_dma2 semaphore(%run_scoped3A : memref<!tpu.dma_semaphore, #tpu.memory_space<semaphore_mem>>) src(%dma_wait3A_98 : memref<128x128xf32, #tpu.memory_space<vmem>>) dst(%dma_wait3A_95 : memref<128x128xf32, #tpu.memory_space<vmem_shared>>)
      tpu.yield
    }) : () -> ()
    %mul3A_9 = arith.constant 632 : i32
    %mul3A_10 = arith.muli %arg1, %mul3A_9 : i32
    %add3A_11 = arith.constant 128 : i32
    %add3A_12 = arith.addi %mul3A_10, %add3A_11 : i32
    "tpu.region"() ({
      %run_scoped3A = tpu.sem_alloc : memref<!tpu.dma_semaphore, #tpu.memory_space<semaphore_mem>>
      %dma_start3A = arith.constant 0 : i32
      %dma_start3A_81 = arith.constant 0 : i32
      %dma_start3A_82 = tpu.memref_slice %arg7[%dma_start3A, %dma_start3A_81] : memref<128x128xf32, #tpu.memory_space<vmem>> -> memref<128x128xf32, #tpu.memory_space<vmem>>
      %dma_start3A_83 = arith.constant 0 : i32
      %dma_start3A_84 = tpu.memref_slice %arg4[%add3A_12, %dma_start3A_83] : memref<10240x128xf32, #tpu.memory_space<hbm>> -> memref<128x128xf32, #tpu.memory_space<hbm>>
      %dma_start3A_85 = arith.constant 0 : i32
      %dma_start3A_86 = arith.constant 0 : i32
      %dma_start3A_87 = tpu.memref_slice %arg7[%dma_start3A_85, %dma_start3A_86] : memref<128x128xf32, #tpu.memory_space<vmem>> -> memref<128x128xf32, #tpu.memory_space<vmem>>
      %dma_start3A_88 = arith.constant 0 : i32
      %dma_start3A_89 = tpu.memref_slice %arg4[%add3A_12, %dma_start3A_88] : memref<10240x128xf32, #tpu.memory_space<hbm>> -> memref<128x128xf32, #tpu.memory_space<hbm>>
      tpu.enqueue_dma source(%dma_start3A_89 : memref<128x128xf32, #tpu.memory_space<hbm>>) target(%dma_start3A_87 : memref<128x128xf32, #tpu.memory_space<vmem>>) target_semaphore(%run_scoped3A : memref<!tpu.dma_semaphore, #tpu.memory_space<semaphore_mem>>)
      %dma_wait3A = arith.constant 0 : i32
      %dma_wait3A_90 = arith.constant 0 : i32
      %dma_wait3A_91 = tpu.memref_slice %arg7[%dma_wait3A, %dma_wait3A_90] : memref<128x128xf32, #tpu.memory_space<vmem>> -> memref<128x128xf32, #tpu.memory_space<vmem>>
      %dma_wait3A_92 = arith.constant 0 : i32
      %dma_wait3A_93 = tpu.memref_slice %arg4[%add3A_12, %dma_wait3A_92] : memref<10240x128xf32, #tpu.memory_space<hbm>> -> memref<128x128xf32, #tpu.memory_space<hbm>>
      %dma_wait3A_94 = arith.constant 0 : i32
      %dma_wait3A_95 = arith.constant 0 : i32
      %dma_wait3A_96 = tpu.memref_slice %arg7[%dma_wait3A_94, %dma_wait3A_95] : memref<128x128xf32, #tpu.memory_space<vmem>> -> memref<128x128xf32, #tpu.memory_space<vmem>>
      %dma_wait3A_97 = arith.constant 0 : i32
      %dma_wait3A_98 = tpu.memref_slice %arg4[%add3A_12, %dma_wait3A_97] : memref<10240x128xf32, #tpu.memory_space<hbm>> -> memref<128x128xf32, #tpu.memory_space<hbm>>
      tpu.wait_dma2 semaphore(%run_scoped3A : memref<!tpu.dma_semaphore, #tpu.memory_space<semaphore_mem>>) src(%dma_wait3A_98 : memref<128x128xf32, #tpu.memory_space<hbm>>) dst(%dma_wait3A_96 : memref<128x128xf32, #tpu.memory_space<vmem>>)
      tpu.yield
    }) : () -> ()
    %mul3A_13 = arith.constant 632 : i32
    %mul3A_14 = arith.muli %arg1, %mul3A_13 : i32
    %add3A_15 = arith.constant 128 : i32
    %add3A_16 = arith.addi %mul3A_14, %add3A_15 : i32
    "tpu.region"() ({
      %run_scoped3A = tpu.sem_alloc : memref<!tpu.dma_semaphore, #tpu.memory_space<semaphore_mem>>
      %dma_start3A = arith.constant 0 : i32
      %dma_start3A_81 = arith.constant 0 : i32
      %dma_start3A_82 = tpu.memref_slice %arg7[%dma_start3A, %dma_start3A_81] : memref<128x128xf32, #tpu.memory_space<vmem>> -> memref<128x128xf32, #tpu.memory_space<vmem>>
      %dma_start3A_83 = arith.constant 0 : i32
      %dma_start3A_84 = tpu.memref_slice %arg6[%add3A_16, %dma_start3A_83] : memref<10112x128xf32, #tpu.memory_space<vmem_shared>> -> memref<128x128xf32, #tpu.memory_space<vmem_shared>>
      %dma_start3A_85 = arith.constant 0 : i32
      %dma_start3A_86 = tpu.memref_slice %arg6[%add3A_16, %dma_start3A_85] : memref<10112x128xf32, #tpu.memory_space<vmem_shared>> -> memref<128x128xf32, #tpu.memory_space<vmem_shared>>
      %dma_start3A_87 = arith.constant 0 : i32
      %dma_start3A_88 = arith.constant 0 : i32
      %dma_start3A_89 = tpu.memref_slice %arg7[%dma_start3A_87, %dma_start3A_88] : memref<128x128xf32, #tpu.memory_space<vmem>> -> memref<128x128xf32, #tpu.memory_space<vmem>>
      tpu.enqueue_dma source(%dma_start3A_89 : memref<128x128xf32, #tpu.memory_space<vmem>>) target(%dma_start3A_86 : memref<128x128xf32, #tpu.memory_space<vmem_shared>>) target_semaphore(%run_scoped3A : memref<!tpu.dma_semaphore, #tpu.memory_space<semaphore_mem>>)
      %dma_wait3A = arith.constant 0 : i32
      %dma_wait3A_90 = arith.constant 0 : i32
      %dma_wait3A_91 = tpu.memref_slice %arg7[%dma_wait3A, %dma_wait3A_90] : memref<128x128xf32, #tpu.memory_space<vmem>> -> memref<128x128xf32, #tpu.memory_space<vmem>>
      %dma_wait3A_92 = arith.constant 0 : i32
      %dma_wait3A_93 = tpu.memref_slice %arg6[%add3A_16, %dma_wait3A_92] : memref<10112x128xf32, #tpu.memory_space<vmem_shared>> -> memref<128x128xf32, #tpu.memory_space<vmem_shared>>
      %dma_wait3A_94 = arith.constant 0 : i32
      %dma_wait3A_95 = tpu.memref_slice %arg6[%add3A_16, %dma_wait3A_94] : memref<10112x128xf32, #tpu.memory_space<vmem_shared>> -> memref<128x128xf32, #tpu.memory_space<vmem_shared>>
      %dma_wait3A_96 = arith.constant 0 : i32
      %dma_wait3A_97 = arith.constant 0 : i32
      %dma_wait3A_98 = tpu.memref_slice %arg7[%dma_wait3A_96, %dma_wait3A_97] : memref<128x128xf32, #tpu.memory_space<vmem>> -> memref<128x128xf32, #tpu.memory_space<vmem>>
      tpu.wait_dma2 semaphore(%run_scoped3A : memref<!tpu.dma_semaphore, #tpu.memory_space<semaphore_mem>>) src(%dma_wait3A_98 : memref<128x128xf32, #tpu.memory_space<vmem>>) dst(%dma_wait3A_95 : memref<128x128xf32, #tpu.memory_space<vmem_shared>>)
      tpu.yield
    }) : () -> ()
    %mul3A_17 = arith.constant 632 : i32
    %mul3A_18 = arith.muli %arg1, %mul3A_17 : i32
    %add3A_19 = arith.constant 256 : i32
    %add3A_20 = arith.addi %mul3A_18, %add3A_19 : i32
    "tpu.region"() ({
      %run_scoped3A = tpu.sem_alloc : memref<!tpu.dma_semaphore, #tpu.memory_space<semaphore_mem>>
      %dma_start3A = arith.constant 0 : i32
      %dma_start3A_81 = arith.constant 0 : i32
      %dma_start3A_82 = tpu.memref_slice %arg7[%dma_start3A, %dma_start3A_81] : memref<128x128xf32, #tpu.memory_space<vmem>> -> memref<128x128xf32, #tpu.memory_space<vmem>>
      %dma_start3A_83 = arith.constant 0 : i32
      %dma_start3A_84 = tpu.memref_slice %arg4[%add3A_20, %dma_start3A_83] : memref<10240x128xf32, #tpu.memory_space<hbm>> -> memref<128x128xf32, #tpu.memory_space<hbm>>
      %dma_start3A_85 = arith.constant 0 : i32
      %dma_start3A_86 = arith.constant 0 : i32
      %dma_start3A_87 = tpu.memref_slice %arg7[%dma_start3A_85, %dma_start3A_86] : memref<128x128xf32, #tpu.memory_space<vmem>> -> memref<128x128xf32, #tpu.memory_space<vmem>>
      %dma_start3A_88 = arith.constant 0 : i32
      %dma_start3A_89 = tpu.memref_slice %arg4[%add3A_20, %dma_start3A_88] : memref<10240x128xf32, #tpu.memory_space<hbm>> -> memref<128x128xf32, #tpu.memory_space<hbm>>
      tpu.enqueue_dma source(%dma_start3A_89 : memref<128x128xf32, #tpu.memory_space<hbm>>) target(%dma_start3A_87 : memref<128x128xf32, #tpu.memory_space<vmem>>) target_semaphore(%run_scoped3A : memref<!tpu.dma_semaphore, #tpu.memory_space<semaphore_mem>>)
      %dma_wait3A = arith.constant 0 : i32
      %dma_wait3A_90 = arith.constant 0 : i32
      %dma_wait3A_91 = tpu.memref_slice %arg7[%dma_wait3A, %dma_wait3A_90] : memref<128x128xf32, #tpu.memory_space<vmem>> -> memref<128x128xf32, #tpu.memory_space<vmem>>
      %dma_wait3A_92 = arith.constant 0 : i32
      %dma_wait3A_93 = tpu.memref_slice %arg4[%add3A_20, %dma_wait3A_92] : memref<10240x128xf32, #tpu.memory_space<hbm>> -> memref<128x128xf32, #tpu.memory_space<hbm>>
      %dma_wait3A_94 = arith.constant 0 : i32
      %dma_wait3A_95 = arith.constant 0 : i32
      %dma_wait3A_96 = tpu.memref_slice %arg7[%dma_wait3A_94, %dma_wait3A_95] : memref<128x128xf32, #tpu.memory_space<vmem>> -> memref<128x128xf32, #tpu.memory_space<vmem>>
      %dma_wait3A_97 = arith.constant 0 : i32
      %dma_wait3A_98 = tpu.memref_slice %arg4[%add3A_20, %dma_wait3A_97] : memref<10240x128xf32, #tpu.memory_space<hbm>> -> memref<128x128xf32, #tpu.memory_space<hbm>>
      tpu.wait_dma2 semaphore(%run_scoped3A : memref<!tpu.dma_semaphore, #tpu.memory_space<semaphore_mem>>) src(%dma_wait3A_98 : memref<128x128xf32, #tpu.memory_space<hbm>>) dst(%dma_wait3A_96 : memref<128x128xf32, #tpu.memory_space<vmem>>)
      tpu.yield
    }) : () -> ()
    %mul3A_21 = arith.constant 632 : i32
    %mul3A_22 = arith.muli %arg1, %mul3A_21 : i32
    %add3A_23 = arith.constant 256 : i32
    %add3A_24 = arith.addi %mul3A_22, %add3A_23 : i32
    "tpu.region"() ({
      %run_scoped3A = tpu.sem_alloc : memref<!tpu.dma_semaphore, #tpu.memory_space<semaphore_mem>>
      %dma_start3A = arith.constant 0 : i32
      %dma_start3A_81 = arith.constant 0 : i32
      %dma_start3A_82 = tpu.memref_slice %arg7[%dma_start3A, %dma_start3A_81] : memref<128x128xf32, #tpu.memory_space<vmem>> -> memref<128x128xf32, #tpu.memory_space<vmem>>
      %dma_start3A_83 = arith.constant 0 : i32
      %dma_start3A_84 = tpu.memref_slice %arg6[%add3A_24, %dma_start3A_83] : memref<10112x128xf32, #tpu.memory_space<vmem_shared>> -> memref<128x128xf32, #tpu.memory_space<vmem_shared>>
      %dma_start3A_85 = arith.constant 0 : i32
      %dma_start3A_86 = tpu.memref_slice %arg6[%add3A_24, %dma_start3A_85] : memref<10112x128xf32, #tpu.memory_space<vmem_shared>> -> memref<128x128xf32, #tpu.memory_space<vmem_shared>>
      %dma_start3A_87 = arith.constant 0 : i32
      %dma_start3A_88 = arith.constant 0 : i32
      %dma_start3A_89 = tpu.memref_slice %arg7[%dma_start3A_87, %dma_start3A_88] : memref<128x128xf32, #tpu.memory_space<vmem>> -> memref<128x128xf32, #tpu.memory_space<vmem>>
      tpu.enqueue_dma source(%dma_start3A_89 : memref<128x128xf32, #tpu.memory_space<vmem>>) target(%dma_start3A_86 : memref<128x128xf32, #tpu.memory_space<vmem_shared>>) target_semaphore(%run_scoped3A : memref<!tpu.dma_semaphore, #tpu.memory_space<semaphore_mem>>)
      %dma_wait3A = arith.constant 0 : i32
      %dma_wait3A_90 = arith.constant 0 : i32
      %dma_wait3A_91 = tpu.memref_slice %arg7[%dma_wait3A, %dma_wait3A_90] : memref<128x128xf32, #tpu.memory_space<vmem>> -> memref<128x128xf32, #tpu.memory_space<vmem>>
      %dma_wait3A_92 = arith.constant 0 : i32
      %dma_wait3A_93 = tpu.memref_slice %arg6[%add3A_24, %dma_wait3A_92] : memref<10112x128xf32, #tpu.memory_space<vmem_shared>> -> memref<128x128xf32, #tpu.memory_space<vmem_shared>>
      %dma_wait3A_94 = arith.constant 0 : i32
      %dma_wait3A_95 = tpu.memref_slice %arg6[%add3A_24, %dma_wait3A_94] : memref<10112x128xf32, #tpu.memory_space<vmem_shared>> -> memref<128x128xf32, #tpu.memory_space<vmem_shared>>
      %dma_wait3A_96 = arith.constant 0 : i32
      %dma_wait3A_97 = arith.constant 0 : i32
      %dma_wait3A_98 = tpu.memref_slice %arg7[%dma_wait3A_96, %dma_wait3A_97] : memref<128x128xf32, #tpu.memory_space<vmem>> -> memref<128x128xf32, #tpu.memory_space<vmem>>
      tpu.wait_dma2 semaphore(%run_scoped3A : memref<!tpu.dma_semaphore, #tpu.memory_space<semaphore_mem>>) src(%dma_wait3A_98 : memref<128x128xf32, #tpu.memory_space<vmem>>) dst(%dma_wait3A_95 : memref<128x128xf32, #tpu.memory_space<vmem_shared>>)
      tpu.yield
    }) : () -> ()
    %mul3A_25 = arith.constant 632 : i32
    %mul3A_26 = arith.muli %arg1, %mul3A_25 : i32
    %add3A_27 = arith.constant 384 : i32
    %add3A_28 = arith.addi %mul3A_26, %add3A_27 : i32
    "tpu.region"() ({
      %run_scoped3A = tpu.sem_alloc : memref<!tpu.dma_semaphore, #tpu.memory_space<semaphore_mem>>
      %dma_start3A = arith.constant 0 : i32
      %dma_start3A_81 = arith.constant 0 : i32
      %dma_start3A_82 = tpu.memref_slice %arg7[%dma_start3A, %dma_start3A_81] : memref<128x128xf32, #tpu.memory_space<vmem>> -> memref<128x128xf32, #tpu.memory_space<vmem>>
      %dma_start3A_83 = arith.constant 0 : i32
      %dma_start3A_84 = tpu.memref_slice %arg4[%add3A_28, %dma_start3A_83] : memref<10240x128xf32, #tpu.memory_space<hbm>> -> memref<128x128xf32, #tpu.memory_space<hbm>>
      %dma_start3A_85 = arith.constant 0 : i32
      %dma_start3A_86 = arith.constant 0 : i32
      %dma_start3A_87 = tpu.memref_slice %arg7[%dma_start3A_85, %dma_start3A_86] : memref<128x128xf32, #tpu.memory_space<vmem>> -> memref<128x128xf32, #tpu.memory_space<vmem>>
      %dma_start3A_88 = arith.constant 0 : i32
      %dma_start3A_89 = tpu.memref_slice %arg4[%add3A_28, %dma_start3A_88] : memref<10240x128xf32, #tpu.memory_space<hbm>> -> memref<128x128xf32, #tpu.memory_space<hbm>>
      tpu.enqueue_dma source(%dma_start3A_89 : memref<128x128xf32, #tpu.memory_space<hbm>>) target(%dma_start3A_87 : memref<128x128xf32, #tpu.memory_space<vmem>>) target_semaphore(%run_scoped3A : memref<!tpu.dma_semaphore, #tpu.memory_space<semaphore_mem>>)
      %dma_wait3A = arith.constant 0 : i32
      %dma_wait3A_90 = arith.constant 0 : i32
      %dma_wait3A_91 = tpu.memref_slice %arg7[%dma_wait3A, %dma_wait3A_90] : memref<128x128xf32, #tpu.memory_space<vmem>> -> memref<128x128xf32, #tpu.memory_space<vmem>>
      %dma_wait3A_92 = arith.constant 0 : i32
      %dma_wait3A_93 = tpu.memref_slice %arg4[%add3A_28, %dma_wait3A_92] : memref<10240x128xf32, #tpu.memory_space<hbm>> -> memref<128x128xf32, #tpu.memory_space<hbm>>
      %dma_wait3A_94 = arith.constant 0 : i32
      %dma_wait3A_95 = arith.constant 0 : i32
      %dma_wait3A_96 = tpu.memref_slice %arg7[%dma_wait3A_94, %dma_wait3A_95] : memref<128x128xf32, #tpu.memory_space<vmem>> -> memref<128x128xf32, #tpu.memory_space<vmem>>
      %dma_wait3A_97 = arith.constant 0 : i32
      %dma_wait3A_98 = tpu.memref_slice %arg4[%add3A_28, %dma_wait3A_97] : memref<10240x128xf32, #tpu.memory_space<hbm>> -> memref<128x128xf32, #tpu.memory_space<hbm>>
      tpu.wait_dma2 semaphore(%run_scoped3A : memref<!tpu.dma_semaphore, #tpu.memory_space<semaphore_mem>>) src(%dma_wait3A_98 : memref<128x128xf32, #tpu.memory_space<hbm>>) dst(%dma_wait3A_96 : memref<128x128xf32, #tpu.memory_space<vmem>>)
      tpu.yield
    }) : () -> ()
    %mul3A_29 = arith.constant 632 : i32
    %mul3A_30 = arith.muli %arg1, %mul3A_29 : i32
    %add3A_31 = arith.constant 384 : i32
    %add3A_32 = arith.addi %mul3A_30, %add3A_31 : i32
    "tpu.region"() ({
      %run_scoped3A = tpu.sem_alloc : memref<!tpu.dma_semaphore, #tpu.memory_space<semaphore_mem>>
      %dma_start3A = arith.constant 0 : i32
      %dma_start3A_81 = arith.constant 0 : i32
      %dma_start3A_82 = tpu.memref_slice %arg7[%dma_start3A, %dma_start3A_81] : memref<128x128xf32, #tpu.memory_space<vmem>> -> memref<128x128xf32, #tpu.memory_space<vmem>>
      %dma_start3A_83 = arith.constant 0 : i32
      %dma_start3A_84 = tpu.memref_slice %arg6[%add3A_32, %dma_start3A_83] : memref<10112x128xf32, #tpu.memory_space<vmem_shared>> -> memref<128x128xf32, #tpu.memory_space<vmem_shared>>
      %dma_start3A_85 = arith.constant 0 : i32
      %dma_start3A_86 = tpu.memref_slice %arg6[%add3A_32, %dma_start3A_85] : memref<10112x128xf32, #tpu.memory_space<vmem_shared>> -> memref<128x128xf32, #tpu.memory_space<vmem_shared>>
      %dma_start3A_87 = arith.constant 0 : i32
      %dma_start3A_88 = arith.constant 0 : i32
      %dma_start3A_89 = tpu.memref_slice %arg7[%dma_start3A_87, %dma_start3A_88] : memref<128x128xf32, #tpu.memory_space<vmem>> -> memref<128x128xf32, #tpu.memory_space<vmem>>
      tpu.enqueue_dma source(%dma_start3A_89 : memref<128x128xf32, #tpu.memory_space<vmem>>) target(%dma_start3A_86 : memref<128x128xf32, #tpu.memory_space<vmem_shared>>) target_semaphore(%run_scoped3A : memref<!tpu.dma_semaphore, #tpu.memory_space<semaphore_mem>>)
      %dma_wait3A = arith.constant 0 : i32
      %dma_wait3A_90 = arith.constant 0 : i32
      %dma_wait3A_91 = tpu.memref_slice %arg7[%dma_wait3A, %dma_wait3A_90] : memref<128x128xf32, #tpu.memory_space<vmem>> -> memref<128x128xf32, #tpu.memory_space<vmem>>
      %dma_wait3A_92 = arith.constant 0 : i32
      %dma_wait3A_93 = tpu.memref_slice %arg6[%add3A_32, %dma_wait3A_92] : memref<10112x128xf32, #tpu.memory_space<vmem_shared>> -> memref<128x128xf32, #tpu.memory_space<vmem_shared>>
      %dma_wait3A_94 = arith.constant 0 : i32
      %dma_wait3A_95 = tpu.memref_slice %arg6[%add3A_32, %dma_wait3A_94] : memref<10112x128xf32, #tpu.memory_space<vmem_shared>> -> memref<128x128xf32, #tpu.memory_space<vmem_shared>>
      %dma_wait3A_96 = arith.constant 0 : i32
      %dma_wait3A_97 = arith.constant 0 : i32
      %dma_wait3A_98 = tpu.memref_slice %arg7[%dma_wait3A_96, %dma_wait3A_97] : memref<128x128xf32, #tpu.memory_space<vmem>> -> memref<128x128xf32, #tpu.memory_space<vmem>>
      tpu.wait_dma2 semaphore(%run_scoped3A : memref<!tpu.dma_semaphore, #tpu.memory_space<semaphore_mem>>) src(%dma_wait3A_98 : memref<128x128xf32, #tpu.memory_space<vmem>>) dst(%dma_wait3A_95 : memref<128x128xf32, #tpu.memory_space<vmem_shared>>)
      tpu.yield
    }) : () -> ()
    %mul3A_33 = arith.constant 632 : i32
    %mul3A_34 = arith.muli %arg1, %mul3A_33 : i32
    %add3A_35 = arith.constant 512 : i32
    %add3A_36 = arith.addi %mul3A_34, %add3A_35 : i32
    "tpu.region"() ({
      %run_scoped3A = tpu.sem_alloc : memref<!tpu.dma_semaphore, #tpu.memory_space<semaphore_mem>>
      %dma_start3A = arith.constant 0 : i32
      %dma_start3A_81 = arith.constant 0 : i32
      %dma_start3A_82 = tpu.memref_slice %arg7[%dma_start3A, %dma_start3A_81] : memref<128x128xf32, #tpu.memory_space<vmem>> -> memref<120x128xf32, #tpu.memory_space<vmem>>
      %dma_start3A_83 = arith.constant 0 : i32
      %dma_start3A_84 = tpu.memref_slice %arg4[%add3A_36, %dma_start3A_83] : memref<10240x128xf32, #tpu.memory_space<hbm>> -> memref<120x128xf32, #tpu.memory_space<hbm>>
      %dma_start3A_85 = arith.constant 0 : i32
      %dma_start3A_86 = arith.constant 0 : i32
      %dma_start3A_87 = tpu.memref_slice %arg7[%dma_start3A_85, %dma_start3A_86] : memref<128x128xf32, #tpu.memory_space<vmem>> -> memref<120x128xf32, #tpu.memory_space<vmem>>
      %dma_start3A_88 = arith.constant 0 : i32
      %dma_start3A_89 = tpu.memref_slice %arg4[%add3A_36, %dma_start3A_88] : memref<10240x128xf32, #tpu.memory_space<hbm>> -> memref<120x128xf32, #tpu.memory_space<hbm>>
      tpu.enqueue_dma source(%dma_start3A_89 : memref<120x128xf32, #tpu.memory_space<hbm>>) target(%dma_start3A_87 : memref<120x128xf32, #tpu.memory_space<vmem>>) target_semaphore(%run_scoped3A : memref<!tpu.dma_semaphore, #tpu.memory_space<semaphore_mem>>)
      %dma_wait3A = arith.constant 0 : i32
      %dma_wait3A_90 = arith.constant 0 : i32
      %dma_wait3A_91 = tpu.memref_slice %arg7[%dma_wait3A, %dma_wait3A_90] : memref<128x128xf32, #tpu.memory_space<vmem>> -> memref<120x128xf32, #tpu.memory_space<vmem>>
      %dma_wait3A_92 = arith.constant 0 : i32
      %dma_wait3A_93 = tpu.memref_slice %arg4[%add3A_36, %dma_wait3A_92] : memref<10240x128xf32, #tpu.memory_space<hbm>> -> memref<120x128xf32, #tpu.memory_space<hbm>>
      %dma_wait3A_94 = arith.constant 0 : i32
      %dma_wait3A_95 = arith.constant 0 : i32
      %dma_wait3A_96 = tpu.memref_slice %arg7[%dma_wait3A_94, %dma_wait3A_95] : memref<128x128xf32, #tpu.memory_space<vmem>> -> memref<120x128xf32, #tpu.memory_space<vmem>>
      %dma_wait3A_97 = arith.constant 0 : i32
      %dma_wait3A_98 = tpu.memref_slice %arg4[%add3A_36, %dma_wait3A_97] : memref<10240x128xf32, #tpu.memory_space<hbm>> -> memref<120x128xf32, #tpu.memory_space<hbm>>
      tpu.wait_dma2 semaphore(%run_scoped3A : memref<!tpu.dma_semaphore, #tpu.memory_space<semaphore_mem>>) src(%dma_wait3A_98 : memref<120x128xf32, #tpu.memory_space<hbm>>) dst(%dma_wait3A_96 : memref<120x128xf32, #tpu.memory_space<vmem>>)
      tpu.yield
    }) : () -> ()
    %mul3A_37 = arith.constant 632 : i32
    %mul3A_38 = arith.muli %arg1, %mul3A_37 : i32
    %add3A_39 = arith.constant 512 : i32
    %add3A_40 = arith.addi %mul3A_38, %add3A_39 : i32
    "tpu.region"() ({
      %run_scoped3A = tpu.sem_alloc : memref<!tpu.dma_semaphore, #tpu.memory_space<semaphore_mem>>
      %dma_start3A = arith.constant 0 : i32
      %dma_start3A_81 = arith.constant 0 : i32
      %dma_start3A_82 = tpu.memref_slice %arg7[%dma_start3A, %dma_start3A_81] : memref<128x128xf32, #tpu.memory_space<vmem>> -> memref<120x128xf32, #tpu.memory_space<vmem>>
      %dma_start3A_83 = arith.constant 0 : i32
      %dma_start3A_84 = tpu.memref_slice %arg6[%add3A_40, %dma_start3A_83] : memref<10112x128xf32, #tpu.memory_space<vmem_shared>> -> memref<120x128xf32, #tpu.memory_space<vmem_shared>>
      %dma_start3A_85 = arith.constant 0 : i32
      %dma_start3A_86 = tpu.memref_slice %arg6[%add3A_40, %dma_start3A_85] : memref<10112x128xf32, #tpu.memory_space<vmem_shared>> -> memref<120x128xf32, #tpu.memory_space<vmem_shared>>
      %dma_start3A_87 = arith.constant 0 : i32
      %dma_start3A_88 = arith.constant 0 : i32
      %dma_start3A_89 = tpu.memref_slice %arg7[%dma_start3A_87, %dma_start3A_88] : memref<128x128xf32, #tpu.memory_space<vmem>> -> memref<120x128xf32, #tpu.memory_space<vmem>>
      tpu.enqueue_dma source(%dma_start3A_89 : memref<120x128xf32, #tpu.memory_space<vmem>>) target(%dma_start3A_86 : memref<120x128xf32, #tpu.memory_space<vmem_shared>>) target_semaphore(%run_scoped3A : memref<!tpu.dma_semaphore, #tpu.memory_space<semaphore_mem>>)
      %dma_wait3A = arith.constant 0 : i32
      %dma_wait3A_90 = arith.constant 0 : i32
      %dma_wait3A_91 = tpu.memref_slice %arg7[%dma_wait3A, %dma_wait3A_90] : memref<128x128xf32, #tpu.memory_space<vmem>> -> memref<120x128xf32, #tpu.memory_space<vmem>>
      %dma_wait3A_92 = arith.constant 0 : i32
      %dma_wait3A_93 = tpu.memref_slice %arg6[%add3A_40, %dma_wait3A_92] : memref<10112x128xf32, #tpu.memory_space<vmem_shared>> -> memref<120x128xf32, #tpu.memory_space<vmem_shared>>
      %dma_wait3A_94 = arith.constant 0 : i32
      %dma_wait3A_95 = tpu.memref_slice %arg6[%add3A_40, %dma_wait3A_94] : memref<10112x128xf32, #tpu.memory_space<vmem_shared>> -> memref<120x128xf32, #tpu.memory_space<vmem_shared>>
      %dma_wait3A_96 = arith.constant 0 : i32
      %dma_wait3A_97 = arith.constant 0 : i32
      %dma_wait3A_98 = tpu.memref_slice %arg7[%dma_wait3A_96, %dma_wait3A_97] : memref<128x128xf32, #tpu.memory_space<vmem>> -> memref<120x128xf32, #tpu.memory_space<vmem>>
      tpu.wait_dma2 semaphore(%run_scoped3A : memref<!tpu.dma_semaphore, #tpu.memory_space<semaphore_mem>>) src(%dma_wait3A_98 : memref<120x128xf32, #tpu.memory_space<vmem>>) dst(%dma_wait3A_95 : memref<120x128xf32, #tpu.memory_space<vmem_shared>>)
      tpu.yield
    }) : () -> ()
    %barrier3A = arith.constant 0 : index
    tpu.barrier barrier_id(%barrier3A)
    %add3A_41 = arith.constant 0 : i32
    %add3A_42 = arith.addi %add3A_41, %add3A : i32
    %sub3A = arith.constant 96 : i32
    %sub3A_43 = arith.subi %add3A_42, %sub3A : i32
    %lt3A = arith.constant 2500 : i32
    %lt3A_44 = arith.cmpi slt, %sub3A_43, %lt3A : i32
    %and3A = arith.constant false
    %and3A_45 = arith.andi %and3A, %lt3A_44 : i1
    %convert_element_type3A = arith.extui %and3A_45 : i1 to i32
    %cond3A = arith.constant 0 : i32
    %cond3A_46 = arith.cmpi ne, %convert_element_type3A, %cond3A : i32
    scf.if %cond3A_46 {
      %dma_wait3A = arith.constant 0 : i32
      %dma_wait3A_81 = arith.constant 0 : i32
      %dma_wait3A_82 = tpu.memref_slice %arg5[%dma_wait3A, %dma_wait3A_81] : memref<320000x128xf32, #tpu.memory_space<hbm>> -> memref<128x128xf32, #tpu.memory_space<hbm>>
      %dma_wait3A_83 = arith.constant 0 : i32
      %dma_wait3A_84 = arith.constant 0 : i32
      %dma_wait3A_85 = tpu.memref_slice %arg5[%dma_wait3A_83, %dma_wait3A_84] : memref<320000x128xf32, #tpu.memory_space<hbm>> -> memref<128x128xf32, #tpu.memory_space<hbm>>
      tpu.wait_dma2 semaphore(%arg19 : memref<!tpu.dma_semaphore, #tpu.memory_space<semaphore_mem>>) src(%arg7 : memref<128x128xf32, #tpu.memory_space<vmem>>) dst(%dma_wait3A_85 : memref<128x128xf32, #tpu.memory_space<hbm>>)
    } else {
    }
    %lt3A_47 = arith.constant 2500 : i32
    %lt3A_48 = arith.cmpi slt, %add3A_42, %lt3A_47 : i32
    %convert_element_type3A_49 = arith.extui %lt3A_48 : i1 to i32
    %cond3A_50 = arith.constant 0 : i32
    %cond3A_51 = arith.cmpi ne, %convert_element_type3A_49, %cond3A_50 : i32
    scf.if %cond3A_51 {
      %mul3A_81 = arith.constant 128 : i32
      %mul3A_82 = arith.muli %add3A_42, %mul3A_81 : i32
      "tpu.region"() ({
        %run_scoped3A = tpu.sem_alloc : memref<!tpu.dma_semaphore, #tpu.memory_space<semaphore_mem>>
        %dma_start3A_86 = tpu.memref_slice %arg3[%mul3A_82] : memref<320000xi32, #tpu.memory_space<hbm>> -> memref<128xi32, #tpu.memory_space<hbm>>
        %dma_start3A_87 = tpu.memref_slice %arg3[%mul3A_82] : memref<320000xi32, #tpu.memory_space<hbm>> -> memref<128xi32, #tpu.memory_space<hbm>>
        tpu.enqueue_dma source(%dma_start3A_87 : memref<128xi32, #tpu.memory_space<hbm>>) target(%arg10 : memref<128xi32, #tpu.memory_space<vmem>>) target_semaphore(%run_scoped3A : memref<!tpu.dma_semaphore, #tpu.memory_space<semaphore_mem>>)
        %dma_wait3A = tpu.memref_slice %arg3[%mul3A_82] : memref<320000xi32, #tpu.memory_space<hbm>> -> memref<128xi32, #tpu.memory_space<hbm>>
        %dma_wait3A_88 = tpu.memref_slice %arg3[%mul3A_82] : memref<320000xi32, #tpu.memory_space<hbm>> -> memref<128xi32, #tpu.memory_space<hbm>>
        tpu.wait_dma2 semaphore(%run_scoped3A : memref<!tpu.dma_semaphore, #tpu.memory_space<semaphore_mem>>) src(%dma_wait3A_88 : memref<128xi32, #tpu.memory_space<hbm>>) dst(%arg10 : memref<128xi32, #tpu.memory_space<vmem>>)
        tpu.yield
      }) : () -> ()
      %dma_start3A = arith.constant 0 : i32
      %dma_start3A_83 = tpu.memref_slice %arg2[%mul3A_82, %dma_start3A] : memref<320000x128xf32, #tpu.memory_space<hbm>> -> memref<128x128xf32, #tpu.memory_space<hbm>>
      %dma_start3A_84 = arith.constant 0 : i32
      %dma_start3A_85 = tpu.memref_slice %arg2[%mul3A_82, %dma_start3A_84] : memref<320000x128xf32, #tpu.memory_space<hbm>> -> memref<128x128xf32, #tpu.memory_space<hbm>>
      tpu.enqueue_dma source(%dma_start3A_85 : memref<128x128xf32, #tpu.memory_space<hbm>>) target(%arg7 : memref<128x128xf32, #tpu.memory_space<vmem>>) target_semaphore(%arg13 : memref<!tpu.dma_semaphore, #tpu.memory_space<semaphore_mem>>)
    } else {
    }
    %add3A_52 = arith.constant 32 : i32
    %add3A_53 = arith.addi %add3A_52, %add3A : i32
    %sub3A_54 = arith.constant 96 : i32
    %sub3A_55 = arith.subi %add3A_53, %sub3A_54 : i32
    %lt3A_56 = arith.constant 2500 : i32
    %lt3A_57 = arith.cmpi slt, %sub3A_55, %lt3A_56 : i32
    %and3A_58 = arith.constant false
    %and3A_59 = arith.andi %and3A_58, %lt3A_57 : i1
    %convert_element_type3A_60 = arith.extui %and3A_59 : i1 to i32
    %cond3A_61 = arith.constant 0 : i32
    %cond3A_62 = arith.cmpi ne, %convert_element_type3A_60, %cond3A_61 : i32
    scf.if %cond3A_62 {
      %dma_wait3A = arith.constant 0 : i32
      %dma_wait3A_81 = arith.constant 0 : i32
      %dma_wait3A_82 = tpu.memref_slice %arg5[%dma_wait3A, %dma_wait3A_81] : memref<320000x128xf32, #tpu.memory_space<hbm>> -> memref<128x128xf32, #tpu.memory_space<hbm>>
      %dma_wait3A_83 = arith.constant 0 : i32
      %dma_wait3A_84 = arith.constant 0 : i32
      %dma_wait3A_85 = tpu.memref_slice %arg5[%dma_wait3A_83, %dma_wait3A_84] : memref<320000x128xf32, #tpu.memory_space<hbm>> -> memref<128x128xf32, #tpu.memory_space<hbm>>
      tpu.wait_dma2 semaphore(%arg20 : memref<!tpu.dma_semaphore, #tpu.memory_space<semaphore_mem>>) src(%arg8 : memref<128x128xf32, #tpu.memory_space<vmem>>) dst(%dma_wait3A_85 : memref<128x128xf32, #tpu.memory_space<hbm>>)
    } else {
    }
    %lt3A_63 = arith.constant 2500 : i32
    %lt3A_64 = arith.cmpi slt, %add3A_53, %lt3A_63 : i32
    %convert_element_type3A_65 = arith.extui %lt3A_64 : i1 to i32
    %cond3A_66 = arith.constant 0 : i32
    %cond3A_67 = arith.cmpi ne, %convert_element_type3A_65, %cond3A_66 : i32
    scf.if %cond3A_67 {
      %mul3A_81 = arith.constant 128 : i32
      %mul3A_82 = arith.muli %add3A_53, %mul3A_81 : i32
      "tpu.region"() ({
        %run_scoped3A = tpu.sem_alloc : memref<!tpu.dma_semaphore, #tpu.memory_space<semaphore_mem>>
        %dma_start3A_86 = tpu.memref_slice %arg3[%mul3A_82] : memref<320000xi32, #tpu.memory_space<hbm>> -> memref<128xi32, #tpu.memory_space<hbm>>
        %dma_start3A_87 = tpu.memref_slice %arg3[%mul3A_82] : memref<320000xi32, #tpu.memory_space<hbm>> -> memref<128xi32, #tpu.memory_space<hbm>>
        tpu.enqueue_dma source(%dma_start3A_87 : memref<128xi32, #tpu.memory_space<hbm>>) target(%arg11 : memref<128xi32, #tpu.memory_space<vmem>>) target_semaphore(%run_scoped3A : memref<!tpu.dma_semaphore, #tpu.memory_space<semaphore_mem>>)
        %dma_wait3A = tpu.memref_slice %arg3[%mul3A_82] : memref<320000xi32, #tpu.memory_space<hbm>> -> memref<128xi32, #tpu.memory_space<hbm>>
        %dma_wait3A_88 = tpu.memref_slice %arg3[%mul3A_82] : memref<320000xi32, #tpu.memory_space<hbm>> -> memref<128xi32, #tpu.memory_space<hbm>>
        tpu.wait_dma2 semaphore(%run_scoped3A : memref<!tpu.dma_semaphore, #tpu.memory_space<semaphore_mem>>) src(%dma_wait3A_88 : memref<128xi32, #tpu.memory_space<hbm>>) dst(%arg11 : memref<128xi32, #tpu.memory_space<vmem>>)
        tpu.yield
      }) : () -> ()
      %dma_start3A = arith.constant 0 : i32
      %dma_start3A_83 = tpu.memref_slice %arg2[%mul3A_82, %dma_start3A] : memref<320000x128xf32, #tpu.memory_space<hbm>> -> memref<128x128xf32, #tpu.memory_space<hbm>>
      %dma_start3A_84 = arith.constant 0 : i32
      %dma_start3A_85 = tpu.memref_slice %arg2[%mul3A_82, %dma_start3A_84] : memref<320000x128xf32, #tpu.memory_space<hbm>> -> memref<128x128xf32, #tpu.memory_space<hbm>>
      tpu.enqueue_dma source(%dma_start3A_85 : memref<128x128xf32, #tpu.memory_space<hbm>>) target(%arg8 : memref<128x128xf32, #tpu.memory_space<vmem>>) target_semaphore(%arg14 : memref<!tpu.dma_semaphore, #tpu.memory_space<semaphore_mem>>)
    } else {
    }
    %add3A_68 = arith.constant 0 : i32
    %add3A_69 = arith.addi %add3A_68, %add3A : i32
    %lt3A_70 = arith.constant 2500 : i32
    %lt3A_71 = arith.cmpi slt, %add3A_69, %lt3A_70 : i32
    %convert_element_type3A_72 = arith.extui %lt3A_71 : i1 to i32
    %cond3A_73 = arith.constant 0 : i32
    %cond3A_74 = arith.cmpi ne, %convert_element_type3A_72, %cond3A_73 : i32
    scf.if %cond3A_74 {
      %dma_wait3A = arith.constant 0 : i32
      %dma_wait3A_81 = arith.constant 0 : i32
      %dma_wait3A_82 = tpu.memref_slice %arg2[%dma_wait3A, %dma_wait3A_81] : memref<320000x128xf32, #tpu.memory_space<hbm>> -> memref<128x128xf32, #tpu.memory_space<hbm>>
      %dma_wait3A_83 = arith.constant 0 : i32
      %dma_wait3A_84 = arith.constant 0 : i32
      %dma_wait3A_85 = tpu.memref_slice %arg2[%dma_wait3A_83, %dma_wait3A_84] : memref<320000x128xf32, #tpu.memory_space<hbm>> -> memref<128x128xf32, #tpu.memory_space<hbm>>
      tpu.wait_dma2 semaphore(%arg13 : memref<!tpu.dma_semaphore, #tpu.memory_space<semaphore_mem>>) src(%dma_wait3A_85 : memref<128x128xf32, #tpu.memory_space<hbm>>) dst(%arg7 : memref<128x128xf32, #tpu.memory_space<vmem>>)
      %dma_start3A = arith.constant 0 : i32
      %dma_start3A_86 = arith.constant 0 : i32
      %dma_start3A_87 = tpu.memref_slice %arg6[%dma_start3A, %dma_start3A_86] : memref<10112x128xf32, #tpu.memory_space<vmem_shared>> -> memref<10112x128xf32, #tpu.memory_space<vmem_shared>>
      tpu.enqueue_indirect_dma source(%dma_start3A_87 : memref<10112x128xf32, #tpu.memory_space<vmem_shared>>) target(%arg7 : memref<128x128xf32, #tpu.memory_space<vmem>>) offsets(%arg10 : memref<128xi32, #tpu.memory_space<vmem>>) semaphore(%arg16 : memref<!tpu.dma_semaphore, #tpu.memory_space<semaphore_mem>>) {add = true}
    } else {
    }
    %scan3A = arith.constant 0 : i32
    %scan3A_75 = arith.constant 0 : i32
    %scan3A_76 = arith.constant 27 : i32
    %scan3A_77 = arith.addi %scan3A_75, %scan3A_76 : i32
    %scan3A_78 = arith.constant 1 : i32
    %scan3A_79 = scf.for %scan3A_81 = %scan3A_75 to %scan3A_77 step %scan3A_78 iter_args(%scan3A_82 = %scan3A) -> (i32)  : i32 {
      %mul3A_83 = arith.constant 3 : i32
      %mul3A_84 = arith.muli %mul3A_83, %scan3A_81 : i32
      %add3A_85 = arith.constant 2 : i32
      %add3A_86 = arith.addi %mul3A_84, %add3A_85 : i32
      %mul3A_87 = arith.constant 32 : i32
      %mul3A_88 = arith.muli %add3A_86, %mul3A_87 : i32
      %add3A_89 = arith.addi %mul3A_88, %add3A : i32
      %ge3A = arith.constant 3 : i32
      %ge3A_90 = arith.cmpi sge, %add3A_86, %ge3A : i32
      %sub3A_91 = arith.constant 96 : i32
      %sub3A_92 = arith.subi %add3A_89, %sub3A_91 : i32
      %lt3A_93 = arith.constant 2500 : i32
      %lt3A_94 = arith.cmpi slt, %sub3A_92, %lt3A_93 : i32
      %and3A_95 = arith.andi %ge3A_90, %lt3A_94 : i1
      %convert_element_type3A_96 = arith.extui %and3A_95 : i1 to i32
      %cond3A_97 = arith.constant 0 : i32
      %cond3A_98 = arith.cmpi ne, %convert_element_type3A_96, %cond3A_97 : i32
      scf.if %cond3A_98 {
        %dma_wait3A = arith.constant 0 : i32
        %dma_wait3A_201 = arith.constant 0 : i32
        %dma_wait3A_202 = tpu.memref_slice %arg5[%dma_wait3A, %dma_wait3A_201] : memref<320000x128xf32, #tpu.memory_space<hbm>> -> memref<128x128xf32, #tpu.memory_space<hbm>>
        %dma_wait3A_203 = arith.constant 0 : i32
        %dma_wait3A_204 = arith.constant 0 : i32
        %dma_wait3A_205 = tpu.memref_slice %arg5[%dma_wait3A_203, %dma_wait3A_204] : memref<320000x128xf32, #tpu.memory_space<hbm>> -> memref<128x128xf32, #tpu.memory_space<hbm>>
        tpu.wait_dma2 semaphore(%arg21 : memref<!tpu.dma_semaphore, #tpu.memory_space<semaphore_mem>>) src(%arg9 : memref<128x128xf32, #tpu.memory_space<vmem>>) dst(%dma_wait3A_205 : memref<128x128xf32, #tpu.memory_space<hbm>>)
      } else {
      }
      %lt3A_99 = arith.constant 2500 : i32
      %lt3A_100 = arith.cmpi slt, %add3A_89, %lt3A_99 : i32
      %convert_element_type3A_101 = arith.extui %lt3A_100 : i1 to i32
      %cond3A_102 = arith.constant 0 : i32
      %cond3A_103 = arith.cmpi ne, %convert_element_type3A_101, %cond3A_102 : i32
      scf.if %cond3A_103 {
        %mul3A_201 = arith.constant 128 : i32
        %mul3A_202 = arith.muli %add3A_89, %mul3A_201 : i32
        "tpu.region"() ({
          %run_scoped3A = tpu.sem_alloc : memref<!tpu.dma_semaphore, #tpu.memory_space<semaphore_mem>>
          %dma_start3A_206 = tpu.memref_slice %arg3[%mul3A_202] : memref<320000xi32, #tpu.memory_space<hbm>> -> memref<128xi32, #tpu.memory_space<hbm>>
          %dma_start3A_207 = tpu.memref_slice %arg3[%mul3A_202] : memref<320000xi32, #tpu.memory_space<hbm>> -> memref<128xi32, #tpu.memory_space<hbm>>
          tpu.enqueue_dma source(%dma_start3A_207 : memref<128xi32, #tpu.memory_space<hbm>>) target(%arg12 : memref<128xi32, #tpu.memory_space<vmem>>) target_semaphore(%run_scoped3A : memref<!tpu.dma_semaphore, #tpu.memory_space<semaphore_mem>>)
          %dma_wait3A = tpu.memref_slice %arg3[%mul3A_202] : memref<320000xi32, #tpu.memory_space<hbm>> -> memref<128xi32, #tpu.memory_space<hbm>>
          %dma_wait3A_208 = tpu.memref_slice %arg3[%mul3A_202] : memref<320000xi32, #tpu.memory_space<hbm>> -> memref<128xi32, #tpu.memory_space<hbm>>
          tpu.wait_dma2 semaphore(%run_scoped3A : memref<!tpu.dma_semaphore, #tpu.memory_space<semaphore_mem>>) src(%dma_wait3A_208 : memref<128xi32, #tpu.memory_space<hbm>>) dst(%arg12 : memref<128xi32, #tpu.memory_space<vmem>>)
          tpu.yield
        }) : () -> ()
        %dma_start3A = arith.constant 0 : i32
        %dma_start3A_203 = tpu.memref_slice %arg2[%mul3A_202, %dma_start3A] : memref<320000x128xf32, #tpu.memory_space<hbm>> -> memref<128x128xf32, #tpu.memory_space<hbm>>
        %dma_start3A_204 = arith.constant 0 : i32
        %dma_start3A_205 = tpu.memref_slice %arg2[%mul3A_202, %dma_start3A_204] : memref<320000x128xf32, #tpu.memory_space<hbm>> -> memref<128x128xf32, #tpu.memory_space<hbm>>
        tpu.enqueue_dma source(%dma_start3A_205 : memref<128x128xf32, #tpu.memory_space<hbm>>) target(%arg9 : memref<128x128xf32, #tpu.memory_space<vmem>>) target_semaphore(%arg15 : memref<!tpu.dma_semaphore, #tpu.memory_space<semaphore_mem>>)
      } else {
      }
      %sub3A_104 = arith.constant 1 : i32
      %sub3A_105 = arith.subi %add3A_86, %sub3A_104 : i32
      %mul3A_106 = arith.constant 32 : i32
      %mul3A_107 = arith.muli %sub3A_105, %mul3A_106 : i32
      %add3A_108 = arith.addi %mul3A_107, %add3A : i32
      %lt3A_109 = arith.constant 2500 : i32
      %lt3A_110 = arith.cmpi slt, %add3A_108, %lt3A_109 : i32
      %convert_element_type3A_111 = arith.extui %lt3A_110 : i1 to i32
      %cond3A_112 = arith.constant 0 : i32
      %cond3A_113 = arith.cmpi ne, %convert_element_type3A_111, %cond3A_112 : i32
      scf.if %cond3A_113 {
        %dma_wait3A = arith.constant 0 : i32
        %dma_wait3A_201 = arith.constant 0 : i32
        %dma_wait3A_202 = tpu.memref_slice %arg2[%dma_wait3A, %dma_wait3A_201] : memref<320000x128xf32, #tpu.memory_space<hbm>> -> memref<128x128xf32, #tpu.memory_space<hbm>>
        %dma_wait3A_203 = arith.constant 0 : i32
        %dma_wait3A_204 = arith.constant 0 : i32
        %dma_wait3A_205 = tpu.memref_slice %arg2[%dma_wait3A_203, %dma_wait3A_204] : memref<320000x128xf32, #tpu.memory_space<hbm>> -> memref<128x128xf32, #tpu.memory_space<hbm>>
        tpu.wait_dma2 semaphore(%arg14 : memref<!tpu.dma_semaphore, #tpu.memory_space<semaphore_mem>>) src(%dma_wait3A_205 : memref<128x128xf32, #tpu.memory_space<hbm>>) dst(%arg8 : memref<128x128xf32, #tpu.memory_space<vmem>>)
        %dma_start3A = arith.constant 0 : i32
        %dma_start3A_206 = arith.constant 0 : i32
        %dma_start3A_207 = tpu.memref_slice %arg6[%dma_start3A, %dma_start3A_206] : memref<10112x128xf32, #tpu.memory_space<vmem_shared>> -> memref<10112x128xf32, #tpu.memory_space<vmem_shared>>
        tpu.enqueue_indirect_dma source(%dma_start3A_207 : memref<10112x128xf32, #tpu.memory_space<vmem_shared>>) target(%arg8 : memref<128x128xf32, #tpu.memory_space<vmem>>) offsets(%arg11 : memref<128xi32, #tpu.memory_space<vmem>>) semaphore(%arg17 : memref<!tpu.dma_semaphore, #tpu.memory_space<semaphore_mem>>) {add = true}
      } else {
      }
      %sub3A_114 = arith.constant 2 : i32
      %sub3A_115 = arith.subi %add3A_86, %sub3A_114 : i32
      %mul3A_116 = arith.constant 32 : i32
      %mul3A_117 = arith.muli %sub3A_115, %mul3A_116 : i32
      %add3A_118 = arith.addi %mul3A_117, %add3A : i32
      %lt3A_119 = arith.constant 2500 : i32
      %lt3A_120 = arith.cmpi slt, %add3A_118, %lt3A_119 : i32
      %convert_element_type3A_121 = arith.extui %lt3A_120 : i1 to i32
      %cond3A_122 = arith.constant 0 : i32
      %cond3A_123 = arith.cmpi ne, %convert_element_type3A_121, %cond3A_122 : i32
      scf.if %cond3A_123 {
        %dma_wait3A = arith.constant 0 : i32
        %dma_wait3A_201 = arith.constant 0 : i32
        %dma_wait3A_202 = tpu.memref_slice %arg2[%dma_wait3A, %dma_wait3A_201] : memref<320000x128xf32, #tpu.memory_space<hbm>> -> memref<128x128xf32, #tpu.memory_space<hbm>>
        %dma_wait3A_203 = arith.constant 0 : i32
        %dma_wait3A_204 = arith.constant 0 : i32
        %dma_wait3A_205 = tpu.memref_slice %arg2[%dma_wait3A_203, %dma_wait3A_204] : memref<320000x128xf32, #tpu.memory_space<hbm>> -> memref<128x128xf32, #tpu.memory_space<hbm>>
        tpu.wait_dma2 semaphore(%arg16 : memref<!tpu.dma_semaphore, #tpu.memory_space<semaphore_mem>>) src(%dma_wait3A_205 : memref<128x128xf32, #tpu.memory_space<hbm>>) dst(%arg7 : memref<128x128xf32, #tpu.memory_space<vmem>>)
        %mul3A_206 = arith.constant 128 : i32
        %mul3A_207 = arith.muli %add3A_118, %mul3A_206 : i32
        %dma_start3A = arith.constant 0 : i32
        %dma_start3A_208 = tpu.memref_slice %arg5[%mul3A_207, %dma_start3A] : memref<320000x128xf32, #tpu.memory_space<hbm>> -> memref<128x128xf32, #tpu.memory_space<hbm>>
        %dma_start3A_209 = arith.constant 0 : i32
        %dma_start3A_210 = tpu.memref_slice %arg5[%mul3A_207, %dma_start3A_209] : memref<320000x128xf32, #tpu.memory_space<hbm>> -> memref<128x128xf32, #tpu.memory_space<hbm>>
        tpu.enqueue_dma source(%arg7 : memref<128x128xf32, #tpu.memory_space<vmem>>) target(%dma_start3A_210 : memref<128x128xf32, #tpu.memory_space<hbm>>) target_semaphore(%arg19 : memref<!tpu.dma_semaphore, #tpu.memory_space<semaphore_mem>>)
      } else {
      }
      %add3A_124 = arith.constant 1 : i32
      %add3A_125 = arith.addi %add3A_86, %add3A_124 : i32
      %mul3A_126 = arith.constant 32 : i32
      %mul3A_127 = arith.muli %add3A_125, %mul3A_126 : i32
      %add3A_128 = arith.addi %mul3A_127, %add3A : i32
      %ge3A_129 = arith.constant 3 : i32
      %ge3A_130 = arith.cmpi sge, %add3A_125, %ge3A_129 : i32
      %sub3A_131 = arith.constant 96 : i32
      %sub3A_132 = arith.subi %add3A_128, %sub3A_131 : i32
      %lt3A_133 = arith.constant 2500 : i32
      %lt3A_134 = arith.cmpi slt, %sub3A_132, %lt3A_133 : i32
      %and3A_135 = arith.andi %ge3A_130, %lt3A_134 : i1
      %convert_element_type3A_136 = arith.extui %and3A_135 : i1 to i32
      %cond3A_137 = arith.constant 0 : i32
      %cond3A_138 = arith.cmpi ne, %convert_element_type3A_136, %cond3A_137 : i32
      scf.if %cond3A_138 {
        %dma_wait3A = arith.constant 0 : i32
        %dma_wait3A_201 = arith.constant 0 : i32
        %dma_wait3A_202 = tpu.memref_slice %arg5[%dma_wait3A, %dma_wait3A_201] : memref<320000x128xf32, #tpu.memory_space<hbm>> -> memref<128x128xf32, #tpu.memory_space<hbm>>
        %dma_wait3A_203 = arith.constant 0 : i32
        %dma_wait3A_204 = arith.constant 0 : i32
        %dma_wait3A_205 = tpu.memref_slice %arg5[%dma_wait3A_203, %dma_wait3A_204] : memref<320000x128xf32, #tpu.memory_space<hbm>> -> memref<128x128xf32, #tpu.memory_space<hbm>>
        tpu.wait_dma2 semaphore(%arg19 : memref<!tpu.dma_semaphore, #tpu.memory_space<semaphore_mem>>) src(%arg7 : memref<128x128xf32, #tpu.memory_space<vmem>>) dst(%dma_wait3A_205 : memref<128x128xf32, #tpu.memory_space<hbm>>)
      } else {
      }
      %lt3A_139 = arith.constant 2500 : i32
      %lt3A_140 = arith.cmpi slt, %add3A_128, %lt3A_139 : i32
      %convert_element_type3A_141 = arith.extui %lt3A_140 : i1 to i32
      %cond3A_142 = arith.constant 0 : i32
      %cond3A_143 = arith.cmpi ne, %convert_element_type3A_141, %cond3A_142 : i32
      scf.if %cond3A_143 {
        %mul3A_201 = arith.constant 128 : i32
        %mul3A_202 = arith.muli %add3A_128, %mul3A_201 : i32
        "tpu.region"() ({
          %run_scoped3A = tpu.sem_alloc : memref<!tpu.dma_semaphore, #tpu.memory_space<semaphore_mem>>
          %dma_start3A_206 = tpu.memref_slice %arg3[%mul3A_202] : memref<320000xi32, #tpu.memory_space<hbm>> -> memref<128xi32, #tpu.memory_space<hbm>>
          %dma_start3A_207 = tpu.memref_slice %arg3[%mul3A_202] : memref<320000xi32, #tpu.memory_space<hbm>> -> memref<128xi32, #tpu.memory_space<hbm>>
          tpu.enqueue_dma source(%dma_start3A_207 : memref<128xi32, #tpu.memory_space<hbm>>) target(%arg10 : memref<128xi32, #tpu.memory_space<vmem>>) target_semaphore(%run_scoped3A : memref<!tpu.dma_semaphore, #tpu.memory_space<semaphore_mem>>)
          %dma_wait3A = tpu.memref_slice %arg3[%mul3A_202] : memref<320000xi32, #tpu.memory_space<hbm>> -> memref<128xi32, #tpu.memory_space<hbm>>
          %dma_wait3A_208 = tpu.memref_slice %arg3[%mul3A_202] : memref<320000xi32, #tpu.memory_space<hbm>> -> memref<128xi32, #tpu.memory_space<hbm>>
          tpu.wait_dma2 semaphore(%run_scoped3A : memref<!tpu.dma_semaphore, #tpu.memory_space<semaphore_mem>>) src(%dma_wait3A_208 : memref<128xi32, #tpu.memory_space<hbm>>) dst(%arg10 : memref<128xi32, #tpu.memory_space<vmem>>)
          tpu.yield
        }) : () -> ()
        %dma_start3A = arith.constant 0 : i32
        %dma_start3A_203 = tpu.memref_slice %arg2[%mul3A_202, %dma_start3A] : memref<320000x128xf32, #tpu.memory_space<hbm>> -> memref<128x128xf32, #tpu.memory_space<hbm>>
        %dma_start3A_204 = arith.constant 0 : i32
        %dma_start3A_205 = tpu.memref_slice %arg2[%mul3A_202, %dma_start3A_204] : memref<320000x128xf32, #tpu.memory_space<hbm>> -> memref<128x128xf32, #tpu.memory_space<hbm>>
        tpu.enqueue_dma source(%dma_start3A_205 : memref<128x128xf32, #tpu.memory_space<hbm>>) target(%arg7 : memref<128x128xf32, #tpu.memory_space<vmem>>) target_semaphore(%arg13 : memref<!tpu.dma_semaphore, #tpu.memory_space<semaphore_mem>>)
      } else {
      }
      %mul3A_144 = arith.constant 32 : i32
      %mul3A_145 = arith.muli %add3A_86, %mul3A_144 : i32
      %add3A_146 = arith.addi %mul3A_145, %add3A : i32
      %lt3A_147 = arith.constant 2500 : i32
      %lt3A_148 = arith.cmpi slt, %add3A_146, %lt3A_147 : i32
      %convert_element_type3A_149 = arith.extui %lt3A_148 : i1 to i32
      %cond3A_150 = arith.constant 0 : i32
      %cond3A_151 = arith.cmpi ne, %convert_element_type3A_149, %cond3A_150 : i32
      scf.if %cond3A_151 {
        %dma_wait3A = arith.constant 0 : i32
        %dma_wait3A_201 = arith.constant 0 : i32
        %dma_wait3A_202 = tpu.memref_slice %arg2[%dma_wait3A, %dma_wait3A_201] : memref<320000x128xf32, #tpu.memory_space<hbm>> -> memref<128x128xf32, #tpu.memory_space<hbm>>
        %dma_wait3A_203 = arith.constant 0 : i32
        %dma_wait3A_204 = arith.constant 0 : i32
        %dma_wait3A_205 = tpu.memref_slice %arg2[%dma_wait3A_203, %dma_wait3A_204] : memref<320000x128xf32, #tpu.memory_space<hbm>> -> memref<128x128xf32, #tpu.memory_space<hbm>>
        tpu.wait_dma2 semaphore(%arg15 : memref<!tpu.dma_semaphore, #tpu.memory_space<semaphore_mem>>) src(%dma_wait3A_205 : memref<128x128xf32, #tpu.memory_space<hbm>>) dst(%arg9 : memref<128x128xf32, #tpu.memory_space<vmem>>)
        %dma_start3A = arith.constant 0 : i32
        %dma_start3A_206 = arith.constant 0 : i32
        %dma_start3A_207 = tpu.memref_slice %arg6[%dma_start3A, %dma_start3A_206] : memref<10112x128xf32, #tpu.memory_space<vmem_shared>> -> memref<10112x128xf32, #tpu.memory_space<vmem_shared>>
        tpu.enqueue_indirect_dma source(%dma_start3A_207 : memref<10112x128xf32, #tpu.memory_space<vmem_shared>>) target(%arg9 : memref<128x128xf32, #tpu.memory_space<vmem>>) offsets(%arg12 : memref<128xi32, #tpu.memory_space<vmem>>) semaphore(%arg18 : memref<!tpu.dma_semaphore, #tpu.memory_space<semaphore_mem>>) {add = true}
      } else {
      }
      %sub3A_152 = arith.constant 1 : i32
      %sub3A_153 = arith.subi %add3A_86, %sub3A_152 : i32
      %mul3A_154 = arith.constant 32 : i32
      %mul3A_155 = arith.muli %sub3A_153, %mul3A_154 : i32
      %add3A_156 = arith.addi %mul3A_155, %add3A : i32
      %lt3A_157 = arith.constant 2500 : i32
      %lt3A_158 = arith.cmpi slt, %add3A_156, %lt3A_157 : i32
      %convert_element_type3A_159 = arith.extui %lt3A_158 : i1 to i32
      %cond3A_160 = arith.constant 0 : i32
      %cond3A_161 = arith.cmpi ne, %convert_element_type3A_159, %cond3A_160 : i32
      scf.if %cond3A_161 {
        %dma_wait3A = arith.constant 0 : i32
        %dma_wait3A_201 = arith.constant 0 : i32
        %dma_wait3A_202 = tpu.memref_slice %arg2[%dma_wait3A, %dma_wait3A_201] : memref<320000x128xf32, #tpu.memory_space<hbm>> -> memref<128x128xf32, #tpu.memory_space<hbm>>
        %dma_wait3A_203 = arith.constant 0 : i32
        %dma_wait3A_204 = arith.constant 0 : i32
        %dma_wait3A_205 = tpu.memref_slice %arg2[%dma_wait3A_203, %dma_wait3A_204] : memref<320000x128xf32, #tpu.memory_space<hbm>> -> memref<128x128xf32, #tpu.memory_space<hbm>>
        tpu.wait_dma2 semaphore(%arg17 : memref<!tpu.dma_semaphore, #tpu.memory_space<semaphore_mem>>) src(%dma_wait3A_205 : memref<128x128xf32, #tpu.memory_space<hbm>>) dst(%arg8 : memref<128x128xf32, #tpu.memory_space<vmem>>)
        %mul3A_206 = arith.constant 128 : i32
        %mul3A_207 = arith.muli %add3A_156, %mul3A_206 : i32
        %dma_start3A = arith.constant 0 : i32
        %dma_start3A_208 = tpu.memref_slice %arg5[%mul3A_207, %dma_start3A] : memref<320000x128xf32, #tpu.memory_space<hbm>> -> memref<128x128xf32, #tpu.memory_space<hbm>>
        %dma_start3A_209 = arith.constant 0 : i32
        %dma_start3A_210 = tpu.memref_slice %arg5[%mul3A_207, %dma_start3A_209] : memref<320000x128xf32, #tpu.memory_space<hbm>> -> memref<128x128xf32, #tpu.memory_space<hbm>>
        tpu.enqueue_dma source(%arg8 : memref<128x128xf32, #tpu.memory_space<vmem>>) target(%dma_start3A_210 : memref<128x128xf32, #tpu.memory_space<hbm>>) target_semaphore(%arg20 : memref<!tpu.dma_semaphore, #tpu.memory_space<semaphore_mem>>)
      } else {
      }
      %add3A_162 = arith.constant 2 : i32
      %add3A_163 = arith.addi %add3A_86, %add3A_162 : i32
      %mul3A_164 = arith.constant 32 : i32
      %mul3A_165 = arith.muli %add3A_163, %mul3A_164 : i32
      %add3A_166 = arith.addi %mul3A_165, %add3A : i32
      %ge3A_167 = arith.constant 3 : i32
      %ge3A_168 = arith.cmpi sge, %add3A_163, %ge3A_167 : i32
      %sub3A_169 = arith.constant 96 : i32
      %sub3A_170 = arith.subi %add3A_166, %sub3A_169 : i32
      %lt3A_171 = arith.constant 2500 : i32
      %lt3A_172 = arith.cmpi slt, %sub3A_170, %lt3A_171 : i32
      %and3A_173 = arith.andi %ge3A_168, %lt3A_172 : i1
      %convert_element_type3A_174 = arith.extui %and3A_173 : i1 to i32
      %cond3A_175 = arith.constant 0 : i32
      %cond3A_176 = arith.cmpi ne, %convert_element_type3A_174, %cond3A_175 : i32
      scf.if %cond3A_176 {
        %dma_wait3A = arith.constant 0 : i32
        %dma_wait3A_201 = arith.constant 0 : i32
        %dma_wait3A_202 = tpu.memref_slice %arg5[%dma_wait3A, %dma_wait3A_201] : memref<320000x128xf32, #tpu.memory_space<hbm>> -> memref<128x128xf32, #tpu.memory_space<hbm>>
        %dma_wait3A_203 = arith.constant 0 : i32
        %dma_wait3A_204 = arith.constant 0 : i32
        %dma_wait3A_205 = tpu.memref_slice %arg5[%dma_wait3A_203, %dma_wait3A_204] : memref<320000x128xf32, #tpu.memory_space<hbm>> -> memref<128x128xf32, #tpu.memory_space<hbm>>
        tpu.wait_dma2 semaphore(%arg20 : memref<!tpu.dma_semaphore, #tpu.memory_space<semaphore_mem>>) src(%arg8 : memref<128x128xf32, #tpu.memory_space<vmem>>) dst(%dma_wait3A_205 : memref<128x128xf32, #tpu.memory_space<hbm>>)
      } else {
      }
      %lt3A_177 = arith.constant 2500 : i32
      %lt3A_178 = arith.cmpi slt, %add3A_166, %lt3A_177 : i32
      %convert_element_type3A_179 = arith.extui %lt3A_178 : i1 to i32
      %cond3A_180 = arith.constant 0 : i32
      %cond3A_181 = arith.cmpi ne, %convert_element_type3A_179, %cond3A_180 : i32
      scf.if %cond3A_181 {
        %mul3A_201 = arith.constant 128 : i32
        %mul3A_202 = arith.muli %add3A_166, %mul3A_201 : i32
        "tpu.region"() ({
          %run_scoped3A = tpu.sem_alloc : memref<!tpu.dma_semaphore, #tpu.memory_space<semaphore_mem>>
          %dma_start3A_206 = tpu.memref_slice %arg3[%mul3A_202] : memref<320000xi32, #tpu.memory_space<hbm>> -> memref<128xi32, #tpu.memory_space<hbm>>
          %dma_start3A_207 = tpu.memref_slice %arg3[%mul3A_202] : memref<320000xi32, #tpu.memory_space<hbm>> -> memref<128xi32, #tpu.memory_space<hbm>>
          tpu.enqueue_dma source(%dma_start3A_207 : memref<128xi32, #tpu.memory_space<hbm>>) target(%arg11 : memref<128xi32, #tpu.memory_space<vmem>>) target_semaphore(%run_scoped3A : memref<!tpu.dma_semaphore, #tpu.memory_space<semaphore_mem>>)
          %dma_wait3A = tpu.memref_slice %arg3[%mul3A_202] : memref<320000xi32, #tpu.memory_space<hbm>> -> memref<128xi32, #tpu.memory_space<hbm>>
          %dma_wait3A_208 = tpu.memref_slice %arg3[%mul3A_202] : memref<320000xi32, #tpu.memory_space<hbm>> -> memref<128xi32, #tpu.memory_space<hbm>>
          tpu.wait_dma2 semaphore(%run_scoped3A : memref<!tpu.dma_semaphore, #tpu.memory_space<semaphore_mem>>) src(%dma_wait3A_208 : memref<128xi32, #tpu.memory_space<hbm>>) dst(%arg11 : memref<128xi32, #tpu.memory_space<vmem>>)
          tpu.yield
        }) : () -> ()
        %dma_start3A = arith.constant 0 : i32
        %dma_start3A_203 = tpu.memref_slice %arg2[%mul3A_202, %dma_start3A] : memref<320000x128xf32, #tpu.memory_space<hbm>> -> memref<128x128xf32, #tpu.memory_space<hbm>>
        %dma_start3A_204 = arith.constant 0 : i32
        %dma_start3A_205 = tpu.memref_slice %arg2[%mul3A_202, %dma_start3A_204] : memref<320000x128xf32, #tpu.memory_space<hbm>> -> memref<128x128xf32, #tpu.memory_space<hbm>>
        tpu.enqueue_dma source(%dma_start3A_205 : memref<128x128xf32, #tpu.memory_space<hbm>>) target(%arg8 : memref<128x128xf32, #tpu.memory_space<vmem>>) target_semaphore(%arg14 : memref<!tpu.dma_semaphore, #tpu.memory_space<semaphore_mem>>)
      } else {
      }
      %add3A_182 = arith.constant 1 : i32
      %add3A_183 = arith.addi %add3A_86, %add3A_182 : i32
      %mul3A_184 = arith.constant 32 : i32
      %mul3A_185 = arith.muli %add3A_183, %mul3A_184 : i32
      %add3A_186 = arith.addi %mul3A_185, %add3A : i32
      %lt3A_187 = arith.constant 2500 : i32
      %lt3A_188 = arith.cmpi slt, %add3A_186, %lt3A_187 : i32
      %convert_element_type3A_189 = arith.extui %lt3A_188 : i1 to i32
      %cond3A_190 = arith.constant 0 : i32
      %cond3A_191 = arith.cmpi ne, %convert_element_type3A_189, %cond3A_190 : i32
      scf.if %cond3A_191 {
        %dma_wait3A = arith.constant 0 : i32
        %dma_wait3A_201 = arith.constant 0 : i32
        %dma_wait3A_202 = tpu.memref_slice %arg2[%dma_wait3A, %dma_wait3A_201] : memref<320000x128xf32, #tpu.memory_space<hbm>> -> memref<128x128xf32, #tpu.memory_space<hbm>>
        %dma_wait3A_203 = arith.constant 0 : i32
        %dma_wait3A_204 = arith.constant 0 : i32
        %dma_wait3A_205 = tpu.memref_slice %arg2[%dma_wait3A_203, %dma_wait3A_204] : memref<320000x128xf32, #tpu.memory_space<hbm>> -> memref<128x128xf32, #tpu.memory_space<hbm>>
        tpu.wait_dma2 semaphore(%arg13 : memref<!tpu.dma_semaphore, #tpu.memory_space<semaphore_mem>>) src(%dma_wait3A_205 : memref<128x128xf32, #tpu.memory_space<hbm>>) dst(%arg7 : memref<128x128xf32, #tpu.memory_space<vmem>>)
        %dma_start3A = arith.constant 0 : i32
        %dma_start3A_206 = arith.constant 0 : i32
        %dma_start3A_207 = tpu.memref_slice %arg6[%dma_start3A, %dma_start3A_206] : memref<10112x128xf32, #tpu.memory_space<vmem_shared>> -> memref<10112x128xf32, #tpu.memory_space<vmem_shared>>
        tpu.enqueue_indirect_dma source(%dma_start3A_207 : memref<10112x128xf32, #tpu.memory_space<vmem_shared>>) target(%arg7 : memref<128x128xf32, #tpu.memory_space<vmem>>) offsets(%arg10 : memref<128xi32, #tpu.memory_space<vmem>>) semaphore(%arg16 : memref<!tpu.dma_semaphore, #tpu.memory_space<semaphore_mem>>) {add = true}
      } else {
      }
      %mul3A_192 = arith.constant 32 : i32
      %mul3A_193 = arith.muli %add3A_86, %mul3A_192 : i32
      %add3A_194 = arith.addi %mul3A_193, %add3A : i32
      %lt3A_195 = arith.constant 2500 : i32
      %lt3A_196 = arith.cmpi slt, %add3A_194, %lt3A_195 : i32
      %convert_element_type3A_197 = arith.extui %lt3A_196 : i1 to i32
      %cond3A_198 = arith.constant 0 : i32
      %cond3A_199 = arith.cmpi ne, %convert_element_type3A_197, %cond3A_198 : i32
      scf.if %cond3A_199 {
        %dma_wait3A = arith.constant 0 : i32
        %dma_wait3A_201 = arith.constant 0 : i32
        %dma_wait3A_202 = tpu.memref_slice %arg2[%dma_wait3A, %dma_wait3A_201] : memref<320000x128xf32, #tpu.memory_space<hbm>> -> memref<128x128xf32, #tpu.memory_space<hbm>>
        %dma_wait3A_203 = arith.constant 0 : i32
        %dma_wait3A_204 = arith.constant 0 : i32
        %dma_wait3A_205 = tpu.memref_slice %arg2[%dma_wait3A_203, %dma_wait3A_204] : memref<320000x128xf32, #tpu.memory_space<hbm>> -> memref<128x128xf32, #tpu.memory_space<hbm>>
        tpu.wait_dma2 semaphore(%arg18 : memref<!tpu.dma_semaphore, #tpu.memory_space<semaphore_mem>>) src(%dma_wait3A_205 : memref<128x128xf32, #tpu.memory_space<hbm>>) dst(%arg9 : memref<128x128xf32, #tpu.memory_space<vmem>>)
        %mul3A_206 = arith.constant 128 : i32
        %mul3A_207 = arith.muli %add3A_194, %mul3A_206 : i32
        %dma_start3A = arith.constant 0 : i32
        %dma_start3A_208 = tpu.memref_slice %arg5[%mul3A_207, %dma_start3A] : memref<320000x128xf32, #tpu.memory_space<hbm>> -> memref<128x128xf32, #tpu.memory_space<hbm>>
        %dma_start3A_209 = arith.constant 0 : i32
        %dma_start3A_210 = tpu.memref_slice %arg5[%mul3A_207, %dma_start3A_209] : memref<320000x128xf32, #tpu.memory_space<hbm>> -> memref<128x128xf32, #tpu.memory_space<hbm>>
        tpu.enqueue_dma source(%arg9 : memref<128x128xf32, #tpu.memory_space<vmem>>) target(%dma_start3A_210 : memref<128x128xf32, #tpu.memory_space<hbm>>) target_semaphore(%arg21 : memref<!tpu.dma_semaphore, #tpu.memory_space<semaphore_mem>>)
      } else {
      }
      %scan3A_200 = arith.constant 0 : i32
      scf.yield %scan3A_200 : i32
    }
    %scan3A_80 = arith.constant 27 : i32
    return
  }
}

module attributes {stable_mosaic.version = 14 : i64} {
  func.func @_k2a_body(%arg0: memref<32x80x128xi32, #tpu.memory_space<vmem>>, %arg1: memref<80x128xf32, #tpu.memory_space<vmem>>) attributes {dimension_semantics = [], scalar_prefetch = 0 : i64, scratch_operands = 0 : i64, tpu.core_type = #tpu.core_type<tc>} {
    %get3A = arith.constant 0 : index
    %get3A_0 = arith.constant 0 : index
    %get3A_1 = arith.constant 0 : index
    %get3A_2 = vector.load %arg0[%get3A, %get3A_0, %get3A_1] : memref<32x80x128xi32, #tpu.memory_space<vmem>>, vector<32x80x128xi32>
    %reduce_max3A = arith.constant dense<-2147483648> : vector<80x128xi32>
    %reduce_max3A_3 = vector.multi_reduction <maxsi>, %get3A_2, %reduce_max3A [0] : vector<32x80x128xi32> to vector<80x128xi32>
    %slice3A = vector.extract_strided_slice %reduce_max3A_3 {offsets = [0, 0], sizes = [80, 127], strides = [1, 1]} : vector<80x128xi32> to vector<80x127xi32>
    %broadcast_in_dim3A = arith.constant 0 : i32
    %broadcast_in_dim3A_4 = vector.broadcast %broadcast_in_dim3A : i32 to vector<80x1xi32>
    %concatenate3A = tpu.concatenate %broadcast_in_dim3A_4, %slice3A in 1 : vector<80x1xi32>, vector<80x127xi32> -> vector<80x128xi32>
    %max3A = arith.maxsi %reduce_max3A_3, %concatenate3A : vector<80x128xi32>
    %slice3A_5 = vector.extract_strided_slice %max3A {offsets = [0, 0], sizes = [80, 126], strides = [1, 1]} : vector<80x128xi32> to vector<80x126xi32>
    %broadcast_in_dim3A_6 = arith.constant 0 : i32
    %broadcast_in_dim3A_7 = vector.broadcast %broadcast_in_dim3A_6 : i32 to vector<80x2xi32>
    %concatenate3A_8 = tpu.concatenate %broadcast_in_dim3A_7, %slice3A_5 in 1 : vector<80x2xi32>, vector<80x126xi32> -> vector<80x128xi32>
    %max3A_9 = arith.maxsi %max3A, %concatenate3A_8 : vector<80x128xi32>
    %slice3A_10 = vector.extract_strided_slice %max3A_9 {offsets = [0, 0], sizes = [80, 124], strides = [1, 1]} : vector<80x128xi32> to vector<80x124xi32>
    %broadcast_in_dim3A_11 = arith.constant 0 : i32
    %broadcast_in_dim3A_12 = vector.broadcast %broadcast_in_dim3A_11 : i32 to vector<80x4xi32>
    %concatenate3A_13 = tpu.concatenate %broadcast_in_dim3A_12, %slice3A_10 in 1 : vector<80x4xi32>, vector<80x124xi32> -> vector<80x128xi32>
    %max3A_14 = arith.maxsi %max3A_9, %concatenate3A_13 : vector<80x128xi32>
    %slice3A_15 = vector.extract_strided_slice %max3A_14 {offsets = [0, 0], sizes = [80, 120], strides = [1, 1]} : vector<80x128xi32> to vector<80x120xi32>
    %broadcast_in_dim3A_16 = arith.constant 0 : i32
    %broadcast_in_dim3A_17 = vector.broadcast %broadcast_in_dim3A_16 : i32 to vector<80x8xi32>
    %concatenate3A_18 = tpu.concatenate %broadcast_in_dim3A_17, %slice3A_15 in 1 : vector<80x8xi32>, vector<80x120xi32> -> vector<80x128xi32>
    %max3A_19 = arith.maxsi %max3A_14, %concatenate3A_18 : vector<80x128xi32>
    %slice3A_20 = vector.extract_strided_slice %max3A_19 {offsets = [0, 0], sizes = [80, 112], strides = [1, 1]} : vector<80x128xi32> to vector<80x112xi32>
    %broadcast_in_dim3A_21 = arith.constant 0 : i32
    %broadcast_in_dim3A_22 = vector.broadcast %broadcast_in_dim3A_21 : i32 to vector<80x16xi32>
    %concatenate3A_23 = tpu.concatenate %broadcast_in_dim3A_22, %slice3A_20 in 1 : vector<80x16xi32>, vector<80x112xi32> -> vector<80x128xi32>
    %max3A_24 = arith.maxsi %max3A_19, %concatenate3A_23 : vector<80x128xi32>
    %slice3A_25 = vector.extract_strided_slice %max3A_24 {offsets = [0, 0], sizes = [80, 96], strides = [1, 1]} : vector<80x128xi32> to vector<80x96xi32>
    %broadcast_in_dim3A_26 = arith.constant 0 : i32
    %broadcast_in_dim3A_27 = vector.broadcast %broadcast_in_dim3A_26 : i32 to vector<80x32xi32>
    %concatenate3A_28 = tpu.concatenate %broadcast_in_dim3A_27, %slice3A_25 in 1 : vector<80x32xi32>, vector<80x96xi32> -> vector<80x128xi32>
    %max3A_29 = arith.maxsi %max3A_24, %concatenate3A_28 : vector<80x128xi32>
    %slice3A_30 = vector.extract_strided_slice %max3A_29 {offsets = [0, 0], sizes = [80, 64], strides = [1, 1]} : vector<80x128xi32> to vector<80x64xi32>
    %broadcast_in_dim3A_31 = arith.constant 0 : i32
    %broadcast_in_dim3A_32 = vector.broadcast %broadcast_in_dim3A_31 : i32 to vector<80x64xi32>
    %concatenate3A_33 = tpu.concatenate %broadcast_in_dim3A_32, %slice3A_30 in 1 : vector<80x64xi32>, vector<80x64xi32> -> vector<80x128xi32>
    %max3A_34 = arith.maxsi %max3A_29, %concatenate3A_33 : vector<80x128xi32>
    %slice3A_35 = vector.extract_strided_slice %max3A_34 {offsets = [0, 127], sizes = [80, 1], strides = [1, 1]} : vector<80x128xi32> to vector<80x1xi32>
    %slice3A_36 = vector.extract_strided_slice %slice3A_35 {offsets = [0, 0], sizes = [79, 1], strides = [1, 1]} : vector<80x1xi32> to vector<79x1xi32>
    %broadcast_in_dim3A_37 = arith.constant 0 : i32
    %broadcast_in_dim3A_38 = vector.broadcast %broadcast_in_dim3A_37 : i32 to vector<1x1xi32>
    %concatenate3A_39 = tpu.concatenate %broadcast_in_dim3A_38, %slice3A_36 in 0 : vector<1x1xi32>, vector<79x1xi32> -> vector<80x1xi32>
    %max3A_40 = arith.maxsi %slice3A_35, %concatenate3A_39 : vector<80x1xi32>
    %slice3A_41 = vector.extract_strided_slice %max3A_40 {offsets = [0, 0], sizes = [78, 1], strides = [1, 1]} : vector<80x1xi32> to vector<78x1xi32>
    %broadcast_in_dim3A_42 = arith.constant 0 : i32
    %broadcast_in_dim3A_43 = vector.broadcast %broadcast_in_dim3A_42 : i32 to vector<2x1xi32>
    %concatenate3A_44 = tpu.concatenate %broadcast_in_dim3A_43, %slice3A_41 in 0 : vector<2x1xi32>, vector<78x1xi32> -> vector<80x1xi32>
    %max3A_45 = arith.maxsi %max3A_40, %concatenate3A_44 : vector<80x1xi32>
    %slice3A_46 = vector.extract_strided_slice %max3A_45 {offsets = [0, 0], sizes = [76, 1], strides = [1, 1]} : vector<80x1xi32> to vector<76x1xi32>
    %broadcast_in_dim3A_47 = arith.constant 0 : i32
    %broadcast_in_dim3A_48 = vector.broadcast %broadcast_in_dim3A_47 : i32 to vector<4x1xi32>
    %concatenate3A_49 = tpu.concatenate %broadcast_in_dim3A_48, %slice3A_46 in 0 : vector<4x1xi32>, vector<76x1xi32> -> vector<80x1xi32>
    %max3A_50 = arith.maxsi %max3A_45, %concatenate3A_49 : vector<80x1xi32>
    %slice3A_51 = vector.extract_strided_slice %max3A_50 {offsets = [0, 0], sizes = [72, 1], strides = [1, 1]} : vector<80x1xi32> to vector<72x1xi32>
    %broadcast_in_dim3A_52 = arith.constant 0 : i32
    %broadcast_in_dim3A_53 = vector.broadcast %broadcast_in_dim3A_52 : i32 to vector<8x1xi32>
    %concatenate3A_54 = tpu.concatenate %broadcast_in_dim3A_53, %slice3A_51 in 0 : vector<8x1xi32>, vector<72x1xi32> -> vector<80x1xi32>
    %max3A_55 = arith.maxsi %max3A_50, %concatenate3A_54 : vector<80x1xi32>
    %slice3A_56 = vector.extract_strided_slice %max3A_55 {offsets = [0, 0], sizes = [64, 1], strides = [1, 1]} : vector<80x1xi32> to vector<64x1xi32>
    %broadcast_in_dim3A_57 = arith.constant 0 : i32
    %broadcast_in_dim3A_58 = vector.broadcast %broadcast_in_dim3A_57 : i32 to vector<16x1xi32>
    %concatenate3A_59 = tpu.concatenate %broadcast_in_dim3A_58, %slice3A_56 in 0 : vector<16x1xi32>, vector<64x1xi32> -> vector<80x1xi32>
    %max3A_60 = arith.maxsi %max3A_55, %concatenate3A_59 : vector<80x1xi32>
    %slice3A_61 = vector.extract_strided_slice %max3A_60 {offsets = [0, 0], sizes = [48, 1], strides = [1, 1]} : vector<80x1xi32> to vector<48x1xi32>
    %broadcast_in_dim3A_62 = arith.constant 0 : i32
    %broadcast_in_dim3A_63 = vector.broadcast %broadcast_in_dim3A_62 : i32 to vector<32x1xi32>
    %concatenate3A_64 = tpu.concatenate %broadcast_in_dim3A_63, %slice3A_61 in 0 : vector<32x1xi32>, vector<48x1xi32> -> vector<80x1xi32>
    %max3A_65 = arith.maxsi %max3A_60, %concatenate3A_64 : vector<80x1xi32>
    %slice3A_66 = vector.extract_strided_slice %max3A_65 {offsets = [0, 0], sizes = [16, 1], strides = [1, 1]} : vector<80x1xi32> to vector<16x1xi32>
    %broadcast_in_dim3A_67 = arith.constant 0 : i32
    %broadcast_in_dim3A_68 = vector.broadcast %broadcast_in_dim3A_67 : i32 to vector<64x1xi32>
    %concatenate3A_69 = tpu.concatenate %broadcast_in_dim3A_68, %slice3A_66 in 0 : vector<64x1xi32>, vector<16x1xi32> -> vector<80x1xi32>
    %max3A_70 = arith.maxsi %max3A_65, %concatenate3A_69 : vector<80x1xi32>
    %broadcast_in_dim3A_71 = arith.constant 0 : i32
    %broadcast_in_dim3A_72 = vector.broadcast %broadcast_in_dim3A_71 : i32 to vector<1x1xi32>
    %slice3A_73 = vector.extract_strided_slice %max3A_70 {offsets = [0, 0], sizes = [79, 1], strides = [1, 1]} : vector<80x1xi32> to vector<79x1xi32>
    %concatenate3A_74 = tpu.concatenate %broadcast_in_dim3A_72, %slice3A_73 in 0 : vector<1x1xi32>, vector<79x1xi32> -> vector<80x1xi32>
    %max3A_75 = vector.broadcast %concatenate3A_74 : vector<80x1xi32> to vector<80x128xi32>
    %max3A_76 = arith.maxsi %max3A_34, %max3A_75 : vector<80x128xi32>
    %slice3A_77 = vector.extract_strided_slice %max3A_76 {offsets = [0, 0], sizes = [80, 127], strides = [1, 1]} : vector<80x128xi32> to vector<80x127xi32>
    %concatenate3A_78 = tpu.concatenate %concatenate3A_74, %slice3A_77 in 1 : vector<80x1xi32>, vector<80x127xi32> -> vector<80x128xi32>
    %sub3A = arith.subi %max3A_76, %concatenate3A_78 : vector<80x128xi32>
    %max3A_79 = arith.constant 1 : i32
    %max3A_80 = vector.broadcast %max3A_79 : i32 to vector<80x128xi32>
    %max3A_81 = arith.maxsi %sub3A, %max3A_80 : vector<80x128xi32>
    %convert_element_type3A = arith.sitofp %max3A_81 : vector<80x128xi32> to vector<80x128xf32>
    %swap3A = arith.constant 0 : index
    %swap3A_82 = arith.constant 0 : index
    %swap3A_83 = vector.load %arg1[%swap3A, %swap3A_82] : memref<80x128xf32, #tpu.memory_space<vmem>>, vector<80x128xf32>
    tpu.vector_store %arg1[%swap3A, %swap3A_82], %convert_element_type3A {strides = array<i32>} : memref<80x128xf32, #tpu.memory_space<vmem>>, vector<80x128xf32>,
    return
  }
}

module attributes {stable_mosaic.version = 14 : i64} {
  func.func @_k2_body(%arg0: memref<2x10240x128xf32, #tpu.memory_space<vmem>>, %arg1: memref<10240x1xf32, #tpu.memory_space<vmem>>, %arg2: memref<10240x128xf32, #tpu.memory_space<vmem>>) attributes {dimension_semantics = [], scalar_prefetch = 0 : i64, scratch_operands = 0 : i64, tpu.core_type = #tpu.core_type<tc>} {
    %get3A = arith.constant 0 : index
    %get3A_0 = arith.constant 0 : index
    %get3A_1 = arith.constant 0 : index
    %get3A_2 = vector.load %arg0[%get3A, %get3A_0, %get3A_1] : memref<2x10240x128xf32, #tpu.memory_space<vmem>>, vector<1x10240x128xf32>
    %get3A_3 = vector.shape_cast %get3A_2 : vector<1x10240x128xf32> to vector<10240x128xf32>
    %get3A_4 = arith.constant 1 : index
    %get3A_5 = arith.constant 0 : index
    %get3A_6 = arith.constant 0 : index
    %get3A_7 = vector.load %arg0[%get3A_4, %get3A_5, %get3A_6] : memref<2x10240x128xf32, #tpu.memory_space<vmem>>, vector<1x10240x128xf32>
    %get3A_8 = vector.shape_cast %get3A_7 : vector<1x10240x128xf32> to vector<10240x128xf32>
    %add3A = arith.addf %get3A_3, %get3A_8 : vector<10240x128xf32>
    %get3A_9 = arith.constant 0 : index
    %get3A_10 = arith.constant 0 : index
    %get3A_11 = vector.load %arg1[%get3A_9, %get3A_10] : memref<10240x1xf32, #tpu.memory_space<vmem>>, vector<10240x1xf32>
    %div3A = vector.broadcast %get3A_11 : vector<10240x1xf32> to vector<10240x128xf32>
    %div3A_12 = arith.divf %add3A, %div3A : vector<10240x128xf32>
    %neg3A = arith.constant 0.000000e+00 : f32
    %neg3A_13 = vector.broadcast %neg3A : f32 to vector<10240x128xf32>
    %neg3A_14 = arith.subf %neg3A_13, %div3A_12 : vector<10240x128xf32>
    %swap3A = arith.constant 0 : index
    %swap3A_15 = arith.constant 0 : index
    %swap3A_16 = vector.load %arg2[%swap3A, %swap3A_15] : memref<10240x128xf32, #tpu.memory_space<vmem>>, vector<10240x128xf32>
    tpu.vector_store %arg2[%swap3A, %swap3A_15], %neg3A_14 {strides = array<i32>} : memref<10240x128xf32, #tpu.memory_space<vmem>>, vector<10240x128xf32>,
    return
  }
}

</mosaic_0001>

<sc_bundles>
// kernel: kernel.6.cloned.1.call-start
scs
__scs_entry_jumppad:
0x0: {  	(pc) =	sbr.rel $0x88, $3  }
0x1: {  	(tag) =	ssettag $0x0;
	lr =	simm.s32 $0x1  }
0x2: {  	[smem:$0x3F9F] =	sst lr;
	_ =	strace $0xD0000000  }
0x3: {  	_ = 	snop  }
0x4: {  	_ = 	snop  }
0x5: {  	_ = 	snop  }
0x6: {  	_ = 	snop  }
0x7: {  	_ = 	snop  }
__scs_overlays_trampoline_lowered:
0x8: {  	[smem:$0x3FAE] =	sst s0  }
0x9: {  	[smem:$0x3FAF] =	sst s1  }
0xa: {  	[smem:$0x3FB0] =	sst s2  }
0xb: {  	[smem:$0x3FB1] =	sst s3  }
0xc: {  	[smem:$0x3FB2] =	sst s4  }
0xd: {  	[smem:$0x3FB3] =	sst s5  }
0xe: {  	[smem:$0x3FB4] =	sst s6  }
0xf: {  	[smem:$0x3FB5] =	sst s7  }
0x10: {  	[smem:$0x3FB6] =	sst s8  }
0x11: {  	[smem:$0x3FB7] =	sst s9;
	s0 =	simm.s32 @!p0 $0x0  }
0x12: {  	s1 =	sld [smem:$0x3F9D];
	s0 =	simm.s32 @p0 $0x1  }
0x13: {  	[smem:$0x3FB8] =	sst s0;
	s0 =	simm.s32 @!p1 $0x0  }
0x14: {  	s2 =	sld [smem:$0x3F9C];
	s0 =	simm.s32 @p1 $0x1  }
0x15: {  	[smem:$0x3FB9] =	sst s0;
	s0 =	simm.s32 @!p2 $0x0  }
0x16: {  	s3 =	sld [smem:$0x3FDB];
	s0 =	simm.s32 @p2 $0x1  }
0x17: {  	s4 =	simm.s32 $0x1BF5;
	[smem:$0x3FBB] =	sst s0  }
0x18: {  	s0 =	sld [smem:$0x3F9E];
	_ =	swait.ge [sflag:s4], $0x0  }
0x19: {  	s7 =	sld [smem:$0x3F9F]  }
0x1a: {  	s8 =	sadd.s32 $0xFFFFE003, lr  }
0x1b: {  	s9 =	sadd.s32 $0xFFFFFEF7, lr;
	s5 =	simm.s32 $0xFFFFFFFF;
	p2 =	slt.u32 s8, $0xFFFFF086  }
0x1c: {  	p1 =	slt.u32 s9, $0xF7A;
	s5 =	simm.s32 @!p2 $0x0  }
0x1d: {  	s5 =	simm.s32 @p1 $0x1;
	p0 =	seq.s32 s7, s2  }
0x1e: {  	s7 =	smul.u32 @!p0 $0xF7A, s2;
	p2 =	seq.s32 @!p0 s5, $0x0  }
0x1f: {  	s9 =	smul.u32 $0xF7A, s1;
	s8 =	simm.s32 @!p0 $0x1BF5;
	p2 =	por !p2, p0  }
0x20: {  	[sflag:s8] =	ssyncset.s32 @!p0 $0xFFFFF086;
	s6 =	sadd.s32 @!p0 s3, s7;
	s7 =	simm.s32 @!p0 $0x108  }
0x21: {  	s3 =	sadd.s32 s3, s9;
	s6 =	sadd.s32 @!p0 $0x88, s6;
	s7 =	simm.s32 @p2 $0x1082  }
0x22: {  	[simem:s7], [sflag:s8] =	dma.local @!p0 [hbm:s6], $0xF7A  }
0x23: {  	s9 =	sor.u32 $0xD0000000, s2;
	s6 =	simm.s32 $0x108;
	_ =	swait.ge @!p0 [sflag:s8], $0x0  }
0x24: {  	s3 =	sadd.s32 $0x88, s3;
	s6 =	simm.s32 @!p1 $0x1082;
	[sflag:s4] =	ssyncset.s32 $0xFFFFF086  }
0x25: {  	[simem:s6], [sflag:s4] =	dma.local [hbm:s3], $0xF7A  }
0x26: {  	[smem:$0x3F9F] =	sst s1;
	(tag) =	ssettag s2;
	_ =	strace s9  }
0x27: {  	s1 =	sld [smem:$0x3FAF]  }
0x28: {  	s2 =	sld [smem:$0x3FB0]  }
0x29: {  	s4 =	sld [smem:$0x3FB2]  }
0x2a: {  	p0 =	seq.s32 s5, $0x0;
	s5 =	sld [smem:$0x3FB3]  }
0x2b: {  	s6 =	sld [smem:$0x3FB4]  }
0x2c: {  	s7 =	sld [smem:$0x3FB5]  }
0x2d: {  	s3 =	simm.s32 $0x108;
	s8 =	sld [smem:$0x3FB6]  }
0x2e: {  	s3 =	simm.s32 @!p0 $0x1082;
	s9 =	sld [smem:$0x3FB7]  }
0x2f: {  	lr =	sadd.s32 s0, s3;
	s0 =	sld [smem:$0x3FAE]  }
0x30: {  	s3 =	sld [smem:$0x3FB1]  }
0x31: {  	[smem:$0x3FBA] =	sst s10  }
0x32: {  	s10 =	sld [smem:$0x3FB8];
	_ =	sdelay $0x3  }
0x33: {  	p0 =	seq.s32 s10, $0x1;
	s10 =	sld [smem:$0x3FBA];
	_ =	sdelay $0x3  }
0x34: {  	[smem:$0x3FBA] =	sst s10  }
0x35: {  	s10 =	sld [smem:$0x3FB9];
	_ =	sdelay $0x3  }
0x36: {  	p1 =	seq.s32 s10, $0x1;
	s10 =	sld [smem:$0x3FBA];
	_ =	sdelay $0x3  }
0x37: {  	[smem:$0x3FBA] =	sst s10  }
0x38: {  	s10 =	sld [smem:$0x3FBB]  }
0x39: {  	_ = 	snop;
	(pc) =	sbr.ind lr, $3  }
0x3a: {  	_ = 	snop  }
0x3b: {  	_ = 	snop  }
0x3c: {  	p2 =	seq.s32 s10, $0x1;
	s10 =	sld [smem:$0x3FBA]  }
0x3d: {  	_ =	shalt  }
0x3e: {  	_ =	shalt  }
0x3f: {  	_ =	shalt  }
0x40: {  	_ =	shalt  }
0x41: {  	_ =	shalt  }
0x42: {  	_ =	shalt  }
0x43: {  	_ =	shalt  }
0x44: {  	_ =	shalt  }
0x45: {  	_ =	shalt  }
0x46: {  	_ =	shalt  }
0x47: {  	_ =	shalt  }
0x48: {  	_ =	shalt  }
0x49: {  	_ =	shalt  }
0x4a: {  	_ =	shalt  }
0x4b: {  	_ =	shalt  }
0x4c: {  	_ =	shalt  }
0x4d: {  	_ =	shalt  }
0x4e: {  	_ =	shalt  }
0x4f: {  	_ =	shalt  }
0x50: {  	_ =	shalt  }
0x51: {  	_ =	shalt  }
0x52: {  	_ =	shalt  }
0x53: {  	_ =	shalt  }
0x54: {  	_ =	shalt  }
0x55: {  	_ =	shalt  }
0x56: {  	_ =	shalt  }
0x57: {  	_ =	shalt  }
0x58: {  	_ =	shalt  }
0x59: {  	_ =	shalt  }
0x5a: {  	_ =	shalt  }
0x5b: {  	_ =	shalt  }
0x5c: {  	_ =	shalt  }
0x5d: {  	_ =	shalt  }
0x5e: {  	_ =	shalt  }
0x5f: {  	_ =	shalt  }
0x60: {  	_ =	shalt  }
0x61: {  	_ =	shalt  }
0x62: {  	_ =	shalt  }
0x63: {  	_ =	shalt  }
0x64: {  	_ =	shalt  }
0x65: {  	_ =	shalt  }
0x66: {  	_ =	shalt  }
0x67: {  	_ =	shalt  }
0x68: {  	_ =	shalt  }
0x69: {  	_ =	shalt  }
0x6a: {  	_ =	shalt  }
0x6b: {  	_ =	shalt  }
0x6c: {  	_ =	shalt  }
0x6d: {  	_ =	shalt  }
0x6e: {  	_ =	shalt  }
0x6f: {  	_ =	shalt  }
0x70: {  	_ =	shalt  }
0x71: {  	_ =	shalt  }
0x72: {  	_ =	shalt  }
0x73: {  	_ =	shalt  }
0x74: {  	_ =	shalt  }
0x75: {  	_ =	shalt  }
0x76: {  	_ =	shalt  }
0x77: {  	_ =	shalt  }
0x78: {  	_ =	shalt  }
0x79: {  	_ =	shalt  }
0x7a: {  	_ =	shalt  }
0x7b: {  	_ =	shalt  }
0x7c: {  	_ =	shalt  }
0x7d: {  	_ =	shalt  }
0x7e: {  	_ =	shalt  }
0x7f: {  	_ =	shalt  }
0x80: {  	_ =	shalt  }
0x81: {  	_ =	shalt  }
0x82: {  	_ =	shalt  }
0x83: {  	_ =	shalt  }
0x84: {  	_ =	shalt  }
0x85: {  	_ =	shalt  }
0x86: {  	_ =	shalt  }
0x87: {  	_ =	shalt  }
.Lfunc_end0:
.L_simem_size_0:
called_computation_lowered:
.L_overlay_start_0:
0x88: {  	s2 =	sld [smem:$0x3FD9]  }
0x89: {  	s3 =	sld [smem:$0x3FFE];
	_ =	sdelay $0x1  }
0x8a: {  	s1 =	srdreg.scid  }
0x8b: {  	s0 =	sand.u32 $0x1, s1  }
0x8c: {  	s17 =	sshll.u32 s0, $0xA;
	s2 =	sadd.s32 s3, s2  }
0x8d: {  	s2 =	sadd.s32 s2, s17  }
0x8e: {  	[smem:$0x3FC6] =	sst s2  }
0x8f: {  	_ = 	snop  }
0x90: {  	s2 =	sld [smem:$0x3FC9]  }
0x91: {  	s18 =	sld [smem:$0x3FC8]  }
0x92: {  	s4 =	sld [smem:$0x3FD0];
	(tm) =	ssettm $0x1  }
0x93: {  	s5 =	sld [smem:$0x3FFB];
	_ =	sdelay $0x3  }
0x94: {  	_ =	strace s5  }
0x95: {  	s5 =	sld [smem:$0x3FFC];
	_ =	sdelay $0x3  }
0x96: {  	_ =	strace s5  }
0x97: {  	s5 =	sld [smem:$0x3FFD];
	_ =	sdelay $0x3  }
0x98: {  	_ =	strace s5  }
0x99: {  	_ =	strace $0x8FFFFFFF  }
0x9a: {  	s19 =	sld [smem:$0x3FDB];
	_ =	sdelay $0x1  }
0x9b: {  	s6 =	simm.s32 $_scs_section_size  }
0x9c: {  	s7 =	simm.s32 $_size__tile_overlayer_lowered;
	s8 =	simm.s32 $_tile_overlayer_lowered  }
0x9d: {  	s22 =	simm.s32 $0x1BFF;
	s21 =	sshll.u32 s8, $0x1;
	s5 =	sadd.s32 s6, s19  }
0x9e: {  	s9 =	simm.s32 $0x0;
	s20 =	sshll.u32 s7, $0x1;
	s7 =	sadd.s32 s21, s5  }
0x9f: {  	[timem:s9], [sflag:s22] =	dma.local [hbm:s7], s20  }
0xa0: {  	_ =	swait.ge [sflag:s22], s20  }
0xa1: {  	s6 =	ssub.s32 $0x0, s20;
	[sflag:s22] =	ssyncset.done $0x0  }
0xa2: {  	[sflag:s22] =	ssyncadd.s32 s6;
	_ =	sdelay $0x1  }
0xa3: {  	s23 =	simm.s32 $0x1B8B  }
0xa4: {  	_ =	swait.ge [sflag:s23], $0x1  }
0xa5: {  	[sflag:s23] =	ssyncset.done $0x0  }
0xa6: {  	s25 =	simm.s32 $0x1B8E;
	s24 =	sld [smem:$0x3FFE];
	[sflag:s23] =	ssyncadd.s32 $0xFFFFFFFF  }
0xa7: {  	s26 =	simm.s32 $execute0_lowered;
	[smem:$0x3FD2] =	sst s25  }
0xa8: {  	s7 =	sshll.u32 s26, $0x1;
	_ =	strace $0x80000046;
	[dreg:$0x1] =	wrdreg $0xFFFFFFFF  }
0xa9: {  	s28 =	simm.s32 $_size_execute0_lowered;
	s5 =	sadd.s32 s5, s7;
	[dreg:$0x0] =	wrdreg $0x0  }
0xaa: {  	s7 =	sshll.u32 s28, $0x1;
	[dreg:$0x2] =	wrdreg s5  }
0xab: {  	[dreg:$0x3] =	wrdreg s7  }
0xac: {  	[dreg:$0x4] =	wrdreg $0xC0  }
0xad: {  	_ =	task [dreg:s9], $0x5FFFF  }
0xae: {  	[dreg:$0x1] =	wrdreg $0xFFFFFFFF  }
0xaf: {  	[dreg:$0x0] =	wrdreg $0x60  }
0xb0: {  	[dreg:$0x2] =	wrdreg s2  }
0xb1: {  	[dreg:$0x3] =	wrdreg s18  }
0xb2: {  	[dreg:$0x4] =	wrdreg s4  }
0xb3: {  	[dreg:$0x5] =	wrdreg s24  }
0xb4: {  	[dreg:$0x6] =	wrdreg $0x0  }
0xb5: {  	[dreg:$0x7] =	wrdreg $0x9  }
0xb6: {  	_ =	task.clear_ibuf [dreg:s9], $0x8FFFF;
	_ =	strace $0x90000046  }
0xb7: {  	s29 =	simm.s32 $0x9;
	_ =	strace $0x80000048  }
0xb8: {  	_ =	swait.ge [sflag:s29], $0x1  }
0xb9: {  	[sflag:s29] =	ssyncadd.s32 $0xFFFFFFFF  }
0xba: {  	_ =	strace $0x90000048  }
0xbb: {  	_ =	sfence  }
0xbc: {  	s30 =	sld [smem:$0x0];
	_ =	sdelay $0x2  }
0xbd: {  	s31 =	sshll.u32 s1, $0xD;
	s1 =	sshrl.u32 s1, $0x2  }
0xbe: {  	s3 =	sand.u32 $0x4000, s31;
	s1 =	sadd.s32 s1, s30  }
0xbf: {  	s0 =	sor.u32 s3, s0;
	s1 =	sshll.u32 s1, $0x11  }
0xc0: {  	s0 =	sor.u32 s1, s0  }
0xc1: {  	s0 =	sadd.s32 $0x8F2B, s0  }
0xc2: {  	[sflag:s0] =	ssyncadd.remote.s32 $0x1  }
0xc3: {  	_ =	sfence.sel $0xFFFF  }
0xc4: {  	[dreg:$0x0] =	wrdreg $0xFFFFFFFF;
	(pc) =	sbr.abs _section_cstart, $3  }
0xc5: {  	[dreg:$0x1] =	wrdreg $0xFFFFFFFF  }
0xc6: {  	_ =	task.clear_ibuf [dreg:s9], $0x2FFFF;
	_ =	strace $0x9FFFFFFF  }
0xc7: {  	(tm) =	ssettm $0x7FFFFFFF  }
tec
execute0_lowered:
.L_overlay_start_1:
0x0: {  	(tag) =	ssettag $0x1  }
0x1: {  	s0 =	rddreg [dreg:$0x0]  }
0x2: {  	s1 =	rddreg [dreg:$0x1]  }
0x3: {  	s11 =	rddreg [dreg:$0x2]  }
0x4: {  	s4 =	rddreg [dreg:$0x3]  }
0x5: {  	s3 =	srdreg.scid;
	s29 =	stileid.u32  }
0x6: {  	s2 =	rddreg [dreg:$0x4];
	s20 =	simm.s32 $0x1C080;
	s12 =	sand.u32 $0x1, s3  }
0x7: {  	s21 =	sshll.u32 s29, $0x1;
	s5 =	sshrl.u32 s29, $0x2;
	s7 =	smul.u32 $0x50000, s29  }
0x8: {  	s3 =	simm.s32 $0x0;
	s18 =	smul.u32 $0x14000, s29;
	s25 =	sshll.u32 s29, $0x5  }
0x9: {  	s28 =	sshll.u32 s29, $0xC;
	s31 =	sshll.u32 s29, $0x8;
	p0 =	sgt.u32 s29, $0x1  }
0xa: {  	s29 =	simm.s32 $0x0;
	s14 =	sor.u32 s12, s21;
	s5 =	smul.u32 $0x14000, s5  }
0xb: {  	[smem:$0x7FF] =	sst s3;
	s22 =	ssub.s32 $0x2, s12;
	s17 =	smul.u32 $0x140000, s12  }
0xc: {  	s26 =	sshll.u32 s12, $0x4;
	s30 =	sshll.u32 s12, $0xB;
	s12 =	sshll.u32 s12, $0x7  }
0xd: {  	s13 =	sshll.u32 s14, $0x7;
	_ =	strace $0x80000047;
	s8 =	sshrl.u32 s22, $0x1  }
0xe: {  	s7 =	sshrl.u32 s7, $0x2;
	s9 =	sshll.u32 s14, $0x4;
	s10 =	sshll.u32 s14, $0xB  }
0xf: {  	s6 =	sand.u32 $0x380, s13;
	s16 =	ssub.s32 s22, s8;
	s9 =	sadd.s32 s1, s9  }
0x10: {  	s10 =	sadd.s32 s0, s10;
	s19 =	sor.u32 $0x4E000, s13;
	s17 =	sadd.s32 s18, s17  }
0x11: {  	s21 =	sor.u32 $0x4E010, s13;
	s22 =	sor.u32 $0x4E020, s13;
	s1 =	sadd.s32 s25, s1  }
0x12: {  	s0 =	sadd.s32 s28, s0;
	s25 =	sor.u32 $0x4E050, s13;
	s18 =	sor.u32 s12, s31  }
0x13: {  	v0 =	vlaneseq.u32;
	s28 =	sor.u32 $0x4E070, s13;
	s5 =	sor.u32 s5, s6;
	s17 =	sshrl.u32 s17, $0x3  }
0x14: {  	v0 =	vadd.s32 $0x1, v0;
	s1 =	sadd.s32 s26, s1;
	s26 =	sor.u32 $0x4E060, s13;
	[dreg:$0x6] =	wrdreg s18  }
0x15: {  	v1 =	vor.u32 s19, v0;
	s18 =	simm.s32 $0x5;
	s19 =	simm.s32 $0x1C000;
	v2 =	vadd.s32 s21, v0;
	s21 =	simm.s32 $0x18000  }
0x16: {  	v3 =	vor.u32 s22, v0;
	s22 =	simm.s32 $0x1C100;
	v6 =	vadd.s32 s25, v0;
	s25 =	simm.s32 $0x3;
	s5 =	sshrl.u32 s5, $0x3  }
0x17: {  	s11 =	sadd.s32 s11, s17;
	s17 =	sadd.s32 s30, s0;
	s0 =	sadd.s32 $0x400, s1  }
0x18: {  	v7 =	vor.u32 s26, v0;
	s26 =	simm.s32 $0x2;
	s15 =	sadd.s32 s5, s4;
	s4 =	sadd.s32 s7, s2  }
0x19: {  	s1 =	sadd.s32 $0x20000, s17;
	s17 =	simm.s32 $0x14000;
	s23 =	sadd.s32 $0x4000, s4  }
0x1a: {  	s24 =	sadd.s32 $0x8000, s4;
	s7 =	sadd.s32 $0xC000, s4;
	[dreg:$0x7] =	wrdreg s23  }
0x1b: {  	s8 =	sadd.s32 $0x10000, s4;
	s12 =	sadd.s32 $0x1000, s15;
	[dreg:$0x8] =	wrdreg s24  }
0x1c: {  	v9 =	vimm.f32 $0.0e+00;
	v10 =	vimm.s32 $0x0;
	s23 =	sor.u32 $0x4E030, s13;
	s24 =	sor.u32 $0x4E040, s13;
	s13 =	smax.u32 s16, $0x1  }
0x1d: {  	v8 =	vadd.s32 s28, v0;
	s16 =	sor.u32 $0x40, s14;
	v4 =	vadd.s32 s23, v0;
	s23 =	simm.s32 $0x1;
	v5 =	vor.u32 s24, v0;
	s24 =	simm.s32 $0x80  }
.LBB2_1:
0x1e: {  	s14 =	simm.s32 $0x0;
	s15 =	simm.s32 $0x200  }
.LBB2_2:
0x1f: {  	p1 =	sne.s32 s15, $0xFE00;
	[tilespmem:s14+$0x14070] =	vst v9  }
0x20: {  	[tilespmem:s14+$0x14000] =	vst v9  }
0x21: {  	[tilespmem:s14+$0x14010] =	vst v9  }
.Ltmp0:
0x22: {  	[tilespmem:s14+$0x14020] =	vst v9;
	(pc) =	sbr.rel @p1 .LBB2_2-.Ltmp0, $4  }
0x23: {  	[tilespmem:s14+$0x14030] =	vst v9  }
0x24: {  	[tilespmem:s14+$0x14040] =	vst v9  }
0x25: {  	[tilespmem:s14+$0x14050] =	vst v9  }
0x26: {  	[tilespmem:s14+$0x14060] =	vst v9;
	s14 =	sshra.s32 s15, $0x2;
	s15 =	sadd.s32 $0x200, s15  }
0x27: {  	[tilespmem:s14+$0x14070] =	vst v9  }
0x28: {  	[tilespmem:s14+$0x14000] =	vst v9  }
0x29: {  	[tilespmem:s14+$0x14010] =	vst v9  }
0x2a: {  	[tilespmem:s14+$0x14020] =	vst v9  }
0x2b: {  	[tilespmem:s14+$0x14030] =	vst v9  }
0x2c: {  	[tilespmem:s14+$0x14040] =	vst v9  }
0x2d: {  	[tilespmem:s14+$0x14050] =	vst v9  }
0x2e: {  	[tilespmem:s14+$0x14060] =	vst v9;
	s14 =	simm.s32 $0x40;
	s15 =	simm.s32 $0x0  }
.LBB2_4:
0x2f: {  	p1 =	sne.s32 s14, $0x9FC0;
	[tilespmem:s15+$0x1C100] =	vst v10;
	s15 =	smov.u32 s14;
	s14 =	sadd.s32 $0x40, s14  }
.Ltmp1:
0x30: {  	(pc) =	sbr.rel @p1 .LBB2_4-.Ltmp1, $2  }
0x31: {  	_ =	sdelay $0x2  }
0x32: {  	s15 =	sshra.s32 s15, $0x2  }
0x33: {  	[tilespmem:s15+$0x1C100] =	vst v10  }
0x34: {  	[spmem:s4] =	stream.linear.scatter [tilespmem:s17], [sflag:$0x5], $0x4000, $0x38;
	[tilespmem:$0x1E900] =	vst v63  }
0x35: {  	_ =	swait.ge [sflag:s18], $0x4000  }
0x36: {  	[sflag:s18] =	ssyncset.done $0x0  }
0x37: {  	s5 =	rddreg [dreg:$0x7];
	[sflag:s18] =	ssyncadd.s32 $0xFFFFC000  }
0x38: {  	[spmem:s5] =	stream.linear.scatter [tilespmem:s17], [sflag:$0x5], $0x4000, $0x38;
	[tilespmem:$0x1E900] =	vst v63  }
0x39: {  	_ =	swait.ge [sflag:s18], $0x4000  }
0x3a: {  	[sflag:s18] =	ssyncset.done $0x0  }
0x3b: {  	s28 =	rddreg [dreg:$0x8];
	[sflag:s18] =	ssyncadd.s32 $0xFFFFC000  }
0x3c: {  	[spmem:s28] =	stream.linear.scatter [tilespmem:s17], [sflag:$0x5], $0x4000, $0x38;
	[tilespmem:$0x1E900] =	vst v63  }
0x3d: {  	_ =	swait.ge [sflag:s18], $0x4000  }
0x3e: {  	[sflag:s18] =	ssyncset.done $0x0  }
0x3f: {  	[sflag:s18] =	ssyncadd.s32 $0xFFFFC000  }
0x40: {  	[spmem:s7] =	stream.linear.scatter [tilespmem:s17], [sflag:$0x5], $0x4000, $0x38;
	[tilespmem:$0x1E900] =	vst v63  }
0x41: {  	_ =	swait.ge [sflag:s18], $0x4000  }
0x42: {  	[sflag:s18] =	ssyncset.done $0x0  }
0x43: {  	[sflag:s18] =	ssyncadd.s32 $0xFFFFC000  }
0x44: {  	[spmem:s8] =	stream.linear.scatter [tilespmem:s17], [sflag:$0x5], $0x4000, $0x38;
	[tilespmem:$0x1E900] =	vst v63  }
0x45: {  	_ =	swait.ge [sflag:s18], $0x4000  }
0x46: {  	[sflag:s18] =	ssyncset.done $0x0  }
0x47: {  	[sflag:s18] =	ssyncadd.s32 $0xFFFFC000  }
0x48: {  	s30 =	simm.s32 $0x0;
	[bflag:$0x0] =	sbarrier.arrive $0xFFFF  }
0x49: {  	[tilespmem:s19], [sflag:$0x5] =	stream.linear.gather [hbm4b:s9+s30], $0x80, $0x38;
	[tilespmem:$0x1E900] =	vst v63  }
0x4a: {  	_ =	swait.ge [sflag:s18], $0x80  }
0x4b: {  	s31 =	smov.u32 s16;
	[sflag:s18] =	ssyncset.done $0x0  }
0x4c: {  	s15 =	smov.u32 s1;
	s14 =	smov.u32 s0;
	[sflag:s18] =	ssyncadd.s32 $0xFFFFFF80  }
0x4d: {  	[tilespmem:s17], [sflag:$0x1] =	stream.linear.gather [hbm4b:s10+s30], $0x4000, $0x38;
	[tilespmem:$0x1E900] =	vst v63  }
.LBB2_6:
0x4e: {  	p1 =	seq.s32 s30, $0x0  }
0x4f: {  	s28 =	simm.s32 @!p1 $0x4  }
0x50: {  	_ =	swait.ge @!p1 [sflag:s28], $0x4000  }
0x51: {  	[sflag:s28] =	ssyncset.done @!p1 $0x0  }
0x52: {  	s5 =	sadd.s32 $0xFFFFFE00, s14;
	[sflag:s28] =	ssyncadd.s32 @!p1 $0xFFFFC000  }
0x53: {  	[tilespmem:s20], [sflag:$0x5] =	stream.linear.gather [hbm4b:s5+s3], $0x80, $0x38;
	[tilespmem:$0x1E900] =	vst v63  }
0x54: {  	_ =	swait.ge [sflag:s18], $0x80  }
0x55: {  	[sflag:s18] =	ssyncset.done $0x0  }
0x56: {  	s6 =	sadd.s32 $0xFFFF0000, s15;
	[sflag:s18] =	ssyncadd.s32 $0xFFFFFF80  }
0x57: {  	[tilespmem:s21], [sflag:$0x2] =	stream.linear.gather [hbm4b:s6+s3], $0x4000, $0x38;
	[tilespmem:$0x1E900] =	vst v63  }
0x58: {  	v11 =	vld [tilespmem:$0x1C000];
	_ =	sdelay $0x4  }
0x59: {  	s5 =	rddreg [dreg:$0x6]  }
0x5a: {  	s28 =	sadd.s32 s30, s5  }
0x5b: {  	v12 =	vor.u32 s28, v0  }
0x5c: {  	[tilespmem:v11+s22+$0x0] =	vst.idx.msk $0xffff, v12  }
0x5d: {  	v11 =	vld [tilespmem:$0x1C010];
	_ =	sdelay $0x5  }
0x5e: {  	s5 =	sadd.s32 $0x10, s28  }
0x5f: {  	v49 =	vadd.s32 s5, v0  }
0x60: {  	[tilespmem:v11+s22+$0x0] =	vst.idx.msk $0xffff, v49  }
0x61: {  	v11 =	vld [tilespmem:$0x1C020];
	_ =	sdelay $0x5  }
0x62: {  	s6 =	sadd.s32 $0x20, s28  }
0x63: {  	v50 =	vor.u32 s6, v0  }
0x64: {  	[tilespmem:v11+s22+$0x0] =	vst.idx.msk $0xffff, v50  }
0x65: {  	v11 =	vld [tilespmem:$0x1C030];
	_ =	sdelay $0x5  }
0x66: {  	s6 =	sadd.s32 $0x30, s28  }
0x67: {  	v51 =	vadd.s32 s6, v0  }
0x68: {  	[tilespmem:v11+s22+$0x0] =	vst.idx.msk $0xffff, v51  }
0x69: {  	v11 =	vld [tilespmem:$0x1C040];
	_ =	sdelay $0x5  }
0x6a: {  	s6 =	sadd.s32 $0x40, s28  }
0x6b: {  	v52 =	vor.u32 s6, v0  }
0x6c: {  	[tilespmem:v11+s22+$0x0] =	vst.idx.msk $0xffff, v52  }
0x6d: {  	v11 =	vld [tilespmem:$0x1C050];
	_ =	sdelay $0x5  }
0x6e: {  	s6 =	sadd.s32 $0x50, s28  }
0x6f: {  	v53 =	vadd.s32 s6, v0  }
0x70: {  	[tilespmem:v11+s22+$0x0] =	vst.idx.msk $0xffff, v53  }
0x71: {  	v11 =	vld [tilespmem:$0x1C060];
	_ =	sdelay $0x5  }
0x72: {  	s6 =	sadd.s32 $0x60, s28  }
0x73: {  	v54 =	vor.u32 s6, v0  }
0x74: {  	[tilespmem:v11+s22+$0x0] =	vst.idx.msk $0xffff, v54  }
0x75: {  	v11 =	vld [tilespmem:$0x1C070];
	_ =	sdelay $0x5  }
0x76: {  	s6 =	sadd.s32 $0x70, s28  }
0x77: {  	v55 =	vadd.s32 s6, v0  }
0x78: {  	[tilespmem:v11+s22+$0x0] =	vst.idx.msk $0xffff, v55  }
0x79: {  	_ =	swait.ge [sflag:s23], $0x4000  }
0x7a: {  	[sflag:s23] =	ssyncset.done $0x0  }
0x7b: {  	[sflag:s23] =	ssyncadd.s32 $0xFFFFC000  }
0x7c: {  	[spmem:s2] =	stream.indirect.scatter.add.f32 [tilespmem:s17], [sflag:$0x3], $0x80, s19, s24, $0xb8;
	[tilespmem:$0x1E900] =	vst v63  }
0x7d: {  	_ =	swait.ge [sflag:s25], $0x4000  }
0x7e: {  	p1 =	sgt.u32 s31, $0x9C3;
	[sflag:s25] =	ssyncset.done $0x0  }
0x7f: {  	s5 =	simm.s32 @!p1 $0x0;
	s6 =	simm.s32 @!p1 $0x1C000;
	[sflag:s25] =	ssyncadd.s32 $0xFFFFC000  }
0x80: {  	[tilespmem:s6], [sflag:$0x5] =	stream.linear.gather @!p1 [hbm4b:s14+s5], $0x80, $0x38;
	[tilespmem:$0x1E900] =	vst v63  }
0x81: {  	s6 =	simm.s32 @!p1 $0x5  }
0x82: {  	_ =	swait.ge @!p1 [sflag:s6], $0x80  }
0x83: {  	[sflag:s6] =	ssyncset.done @!p1 $0x0  }
0x84: {  	[sflag:s6] =	ssyncadd.s32 @!p1 $0xFFFFFF80;
	s6 =	simm.s32 @!p1 $0x14000  }
0x85: {  	[tilespmem:s6], [sflag:$0x1] =	stream.linear.gather @!p1 [hbm4b:s15+s5], $0x4000, $0x38;
	[tilespmem:$0x1E900] =	vst v63  }
0x86: {  	v11 =	vld [tilespmem:$0x1C080];
	_ =	sdelay $0x5  }
0x87: {  	s6 =	sadd.s32 $0x1000, s28  }
0x88: {  	v56 =	vor.u32 s6, v0  }
0x89: {  	[tilespmem:v11+s22+$0x0] =	vst.idx.msk $0xffff, v56  }
0x8a: {  	v11 =	vld [tilespmem:$0x1C090];
	_ =	sdelay $0x5  }
0x8b: {  	s6 =	sadd.s32 $0x1010, s28  }
0x8c: {  	v57 =	vadd.s32 s6, v0  }
0x8d: {  	[tilespmem:v11+s22+$0x0] =	vst.idx.msk $0xffff, v57  }
0x8e: {  	v11 =	vld [tilespmem:$0x1C0A0];
	_ =	sdelay $0x5  }
0x8f: {  	s6 =	sadd.s32 $0x1020, s28  }
0x90: {  	v58 =	vor.u32 s6, v0  }
0x91: {  	[tilespmem:v11+s22+$0x0] =	vst.idx.msk $0xffff, v58  }
0x92: {  	v11 =	vld [tilespmem:$0x1C0B0];
	_ =	sdelay $0x5  }
0x93: {  	s6 =	sadd.s32 $0x1030, s28  }
0x94: {  	v59 =	vadd.s32 s6, v0  }
0x95: {  	[tilespmem:v11+s22+$0x0] =	vst.idx.msk $0xffff, v59  }
0x96: {  	v11 =	vld [tilespmem:$0x1C0C0];
	_ =	sdelay $0x5  }
0x97: {  	s6 =	sadd.s32 $0x1040, s28  }
0x98: {  	v60 =	vor.u32 s6, v0  }
0x99: {  	[tilespmem:v11+s22+$0x0] =	vst.idx.msk $0xffff, v60  }
0x9a: {  	v11 =	vld [tilespmem:$0x1C0D0];
	_ =	sdelay $0x5  }
0x9b: {  	s6 =	sadd.s32 $0x1050, s28  }
0x9c: {  	v61 =	vadd.s32 s6, v0  }
0x9d: {  	[tilespmem:v11+s22+$0x0] =	vst.idx.msk $0xffff, v61  }
0x9e: {  	v11 =	vld [tilespmem:$0x1C0E0];
	_ =	sdelay $0x5  }
0x9f: {  	s6 =	sadd.s32 $0x1060, s28  }
0xa0: {  	v62 =	vor.u32 s6, v0  }
0xa1: {  	[tilespmem:v11+s22+$0x0] =	vst.idx.msk $0xffff, v62  }
0xa2: {  	v11 =	vld [tilespmem:$0x1C0F0];
	_ =	sdelay $0x5  }
0xa3: {  	s30 =	sadd.s32 $0x2000, s30;
	s28 =	sadd.s32 $0x1070, s28  }
0xa4: {  	p1 =	sne.s32 s30, $0x4E000;
	v63 =	vadd.s32 s28, v0  }
.Ltmp2:
0xa5: {  	[tilespmem:v11+s22+$0x0] =	vst.idx.msk $0xffff, v63;
	(pc) =	sbr.rel @p1 .LBB2_6-.Ltmp2, $4  }
0xa6: {  	_ =	swait.ge [sflag:s26], $0x4000  }
0xa7: {  	s31 =	sadd.s32 $0x40, s31;
	[sflag:s26] =	ssyncset.done $0x0  }
0xa8: {  	s14 =	sadd.s32 $0x400, s14;
	s15 =	sadd.s32 $0x20000, s15;
	[sflag:s26] =	ssyncadd.s32 $0xFFFFC000  }
0xa9: {  	[spmem:s2] =	stream.indirect.scatter.add.f32 [tilespmem:s21], [sflag:$0x4], $0x80, s20, s24, $0xb8;
	[tilespmem:$0x1E900] =	vst v63  }
0xaa: {  	v11 =	vld @!p0 [tilespmem:$0x1C000];
	_ =	sdelay $0x6  }
0xab: {  	s5 =	simm.s32 @!p0 $0x1C100  }
0xac: {  	[tilespmem:v11+s5+$0x0] =	vst.idx.msk @!p0 $0xffff, v1  }
0xad: {  	v11 =	vld @!p0 [tilespmem:$0x1C010];
	_ =	sdelay $0x7  }
0xae: {  	[tilespmem:v11+s5+$0x0] =	vst.idx.msk @!p0 $0xffff, v2  }
0xaf: {  	v11 =	vld @!p0 [tilespmem:$0x1C020];
	_ =	sdelay $0x7  }
0xb0: {  	[tilespmem:v11+s5+$0x0] =	vst.idx.msk @!p0 $0xffff, v3  }
0xb1: {  	v11 =	vld @!p0 [tilespmem:$0x1C030];
	_ =	sdelay $0x7  }
0xb2: {  	[tilespmem:v11+s5+$0x0] =	vst.idx.msk @!p0 $0xffff, v4  }
0xb3: {  	v11 =	vld @!p0 [tilespmem:$0x1C040];
	_ =	sdelay $0x7  }
0xb4: {  	[tilespmem:v11+s5+$0x0] =	vst.idx.msk @!p0 $0xffff, v5  }
0xb5: {  	v11 =	vld @!p0 [tilespmem:$0x1C050];
	_ =	sdelay $0x7  }
0xb6: {  	[tilespmem:v11+s5+$0x0] =	vst.idx.msk @!p0 $0xffff, v6  }
0xb7: {  	v11 =	vld @!p0 [tilespmem:$0x1C060];
	_ =	sdelay $0x7  }
0xb8: {  	[tilespmem:v11+s5+$0x0] =	vst.idx.msk @!p0 $0xffff, v7  }
0xb9: {  	v11 =	vld @!p0 [tilespmem:$0x1C070];
	_ =	sdelay $0x7  }
0xba: {  	[tilespmem:v11+s5+$0x0] =	vst.idx.msk @!p0 $0xffff, v8;
	s5 =	simm.s32 @!p0 $0x1  }
0xbb: {  	_ =	swait.ge @!p0 [sflag:s5], $0x4000  }
0xbc: {  	s6 =	simm.s32 @!p0 $0x1C000;
	[sflag:s5] =	ssyncset.done @!p0 $0x0  }
0xbd: {  	s14 =	simm.s32 @!p0 $0x14000;
	[sflag:s5] =	ssyncadd.s32 @!p0 $0xFFFFC000;
	s5 =	simm.s32 @!p0 $0x80  }
0xbe: {  	[spmem:s2] =	stream.indirect.scatter.add.f32 @!p0 [tilespmem:s14], [sflag:$0x3], $0x80, s6, s5, $0xb8;
	[tilespmem:$0x1E900] =	vst v63  }
0xbf: {  	s5 =	simm.s32 @!p0 $0x4  }
0xc0: {  	_ =	swait.ge @!p0 [sflag:s5], $0x4000  }
0xc1: {  	s6 =	simm.s32 @!p0 $0x3;
	[sflag:s5] =	ssyncset.done @!p0 $0x0  }
0xc2: {  	s6 =	simm.s32 @p0 $0x4;
	[sflag:s5] =	ssyncadd.s32 @!p0 $0xFFFFC000  }
0xc3: {  	_ =	swait.ge [sflag:s6], $0x4000  }
0xc4: {  	s28 =	stileid.u32;
	[sflag:s6] =	ssyncset.done $0x0  }
0xc5: {  	s5 =	sshll.u32 s28, $0x6;
	[sflag:s6] =	ssyncadd.s32 $0xFFFFC000  }
0xc6: {  	s30 =	sshrl.u32 s4, $0x3;
	s5 =	sor.u32 $0x1C05, s5;
	[bflag:$0x0] =	sbarrier.arrive $0xFFFF  }
0xc7: {  	[hbm:s11], [sflag:s5] =	dma.local [spmem:s30], $0x2800  }
0xc8: {  	s29 =	sadd.s32 $0x1, s29;
	_ =	swait.ge [sflag:s18], $0x2800  }
0xc9: {  	p1 =	sne.s32 s29, s13;
	[sflag:s18] =	ssyncset.done $0x0  }
.Ltmp3:
0xca: {  	s31 =	simm.s32 $0x400;
	[sflag:s18] =	ssyncadd.s32 $0xFFFFD800;
	(pc) =	sbr.rel @p1 .LBB2_1-.Ltmp3, $4  }
0xcb: {  	[hbm4b:s12+s24] =	stream.strided.scatter [tilespmem:s22], [sflag:$0x5], $0x2800, s31, s24, $0x38;
	[tilespmem:$0x1E900] =	vst v63  }
0xcc: {  	_ =	swait.ge [sflag:s18], $0x2800  }
0xcd: {  	[sflag:s18] =	ssyncset.done $0x0  }
0xce: {  	[sflag:s18] =	ssyncadd.s32 $0xFFFFD800  }
0xcf: {  	_ =	sfence.sel $0x180000  }
0xd0: {  	[bflag:$0x0] =	sbarrier.arrive $0xFFFF  }
0xd1: {  	_ =	strace $0x90000047  }
0xd2: {  	s0 =	stileid.u32;
	[bflag:$0x2] =	sbarrier.arrive $0xFFFF  }
0xd3: {  	p0 =	sne.s32 s0, $0x0;
	s0 =	rddreg [dreg:$0x5]  }
0xd4: {  	s0 =	sadd.s32 @!p0 $0x100000, s0  }
0xd5: {  	[sflag:s0] =	ssyncadd.tile.s32 @!p0 $0x1;
	_ =	shalt  }
.Lfunc_end2:
_tile_overlayer_lowered:
.L_overlay_start_2:
0xd6: {  	(tag) =	ssettag $0x2  }
0xd7: {  	s0 =	rddreg [dreg:$0x0];
	s2 =	stileid.u32  }
0xd8: {  	s1 =	rddreg [dreg:$0x1];
	p0 =	sne.s32 s2, $0x0  }
0xd9: {  	s3 =	rddreg [dreg:$0x2];
	[bflag:$0x3] =	sbarrier.arrive $0xFFFF;
	s2 =	simm.s32 @!p0 $0x1C05  }
0xda: {  	[timem:s3], [sflag:s2] =	dma.local @!p0 [hbm:s0], s1  }
0xdb: {  	s0 =	simm.s32 @!p0 $0x5  }
0xdc: {  	_ =	swait.ge @!p0 [sflag:s0], s1  }
0xdd: {  	s1 =	ssub.s32 @!p0 $0x0, s1;
	[sflag:s0] =	ssyncset.done @!p0 $0x0  }
0xde: {  	[sflag:s0] =	ssyncadd.s32 @!p0 s1  }
0xdf: {  	[bflag:$0x3] =	sbarrier.arrive $0xFFFF  }
0xe0: {  	_ =	shalt  }

// kernel: kernel.9.cloned.1.call-start
scs
__scs_entry_jumppad:
0x0: {  	(pc) =	sbr.rel $0x88, $3  }
0x1: {  	(tag) =	ssettag $0x0;
	lr =	simm.s32 $0x1  }
0x2: {  	[smem:$0x3F9F] =	sst lr;
	_ =	strace $0xD0000000  }
0x3: {  	_ = 	snop  }
0x4: {  	_ = 	snop  }
0x5: {  	_ = 	snop  }
0x6: {  	_ = 	snop  }
0x7: {  	_ = 	snop  }
__scs_overlays_trampoline_lowered:
0x8: {  	[smem:$0x3FAE] =	sst s0  }
0x9: {  	[smem:$0x3FAF] =	sst s1  }
0xa: {  	[smem:$0x3FB0] =	sst s2  }
0xb: {  	[smem:$0x3FB1] =	sst s3  }
0xc: {  	[smem:$0x3FB2] =	sst s4  }
0xd: {  	[smem:$0x3FB3] =	sst s5  }
0xe: {  	[smem:$0x3FB4] =	sst s6  }
0xf: {  	[smem:$0x3FB5] =	sst s7  }
0x10: {  	[smem:$0x3FB6] =	sst s8  }
0x11: {  	[smem:$0x3FB7] =	sst s9;
	s0 =	simm.s32 @!p0 $0x0  }
0x12: {  	s1 =	sld [smem:$0x3F9D];
	s0 =	simm.s32 @p0 $0x1  }
0x13: {  	[smem:$0x3FB8] =	sst s0;
	s0 =	simm.s32 @!p1 $0x0  }
0x14: {  	s2 =	sld [smem:$0x3F9C];
	s0 =	simm.s32 @p1 $0x1  }
0x15: {  	[smem:$0x3FB9] =	sst s0;
	s0 =	simm.s32 @!p2 $0x0  }
0x16: {  	s3 =	sld [smem:$0x3FDB];
	s0 =	simm.s32 @p2 $0x1  }
0x17: {  	s4 =	simm.s32 $0x1BF5;
	[smem:$0x3FBB] =	sst s0  }
0x18: {  	s0 =	sld [smem:$0x3F9E];
	_ =	swait.ge [sflag:s4], $0x0  }
0x19: {  	s7 =	sld [smem:$0x3F9F]  }
0x1a: {  	s8 =	sadd.s32 $0xFFFFE003, lr  }
0x1b: {  	s9 =	sadd.s32 $0xFFFFFEF7, lr;
	s5 =	simm.s32 $0xFFFFFFFF;
	p2 =	slt.u32 s8, $0xFFFFF086  }
0x1c: {  	p1 =	slt.u32 s9, $0xF7A;
	s5 =	simm.s32 @!p2 $0x0  }
0x1d: {  	s5 =	simm.s32 @p1 $0x1;
	p0 =	seq.s32 s7, s2  }
0x1e: {  	s7 =	smul.u32 @!p0 $0xF7A, s2;
	p2 =	seq.s32 @!p0 s5, $0x0  }
0x1f: {  	s9 =	smul.u32 $0xF7A, s1;
	s8 =	simm.s32 @!p0 $0x1BF5;
	p2 =	por !p2, p0  }
0x20: {  	[sflag:s8] =	ssyncset.s32 @!p0 $0xFFFFF086;
	s6 =	sadd.s32 @!p0 s3, s7;
	s7 =	simm.s32 @!p0 $0x108  }
0x21: {  	s3 =	sadd.s32 s3, s9;
	s6 =	sadd.s32 @!p0 $0x88, s6;
	s7 =	simm.s32 @p2 $0x1082  }
0x22: {  	[simem:s7], [sflag:s8] =	dma.local @!p0 [hbm:s6], $0xF7A  }
0x23: {  	s9 =	sor.u32 $0xD0000000, s2;
	s6 =	simm.s32 $0x108;
	_ =	swait.ge @!p0 [sflag:s8], $0x0  }
0x24: {  	s3 =	sadd.s32 $0x88, s3;
	s6 =	simm.s32 @!p1 $0x1082;
	[sflag:s4] =	ssyncset.s32 $0xFFFFF086  }
0x25: {  	[simem:s6], [sflag:s4] =	dma.local [hbm:s3], $0xF7A  }
0x26: {  	[smem:$0x3F9F] =	sst s1;
	(tag) =	ssettag s2;
	_ =	strace s9  }
0x27: {  	s1 =	sld [smem:$0x3FAF]  }
0x28: {  	s2 =	sld [smem:$0x3FB0]  }
0x29: {  	s4 =	sld [smem:$0x3FB2]  }
0x2a: {  	p0 =	seq.s32 s5, $0x0;
	s5 =	sld [smem:$0x3FB3]  }
0x2b: {  	s6 =	sld [smem:$0x3FB4]  }
0x2c: {  	s7 =	sld [smem:$0x3FB5]  }
0x2d: {  	s3 =	simm.s32 $0x108;
	s8 =	sld [smem:$0x3FB6]  }
0x2e: {  	s3 =	simm.s32 @!p0 $0x1082;
	s9 =	sld [smem:$0x3FB7]  }
0x2f: {  	lr =	sadd.s32 s0, s3;
	s0 =	sld [smem:$0x3FAE]  }
0x30: {  	s3 =	sld [smem:$0x3FB1]  }
0x31: {  	[smem:$0x3FBA] =	sst s10  }
0x32: {  	s10 =	sld [smem:$0x3FB8];
	_ =	sdelay $0x3  }
0x33: {  	p0 =	seq.s32 s10, $0x1;
	s10 =	sld [smem:$0x3FBA];
	_ =	sdelay $0x3  }
0x34: {  	[smem:$0x3FBA] =	sst s10  }
0x35: {  	s10 =	sld [smem:$0x3FB9];
	_ =	sdelay $0x3  }
0x36: {  	p1 =	seq.s32 s10, $0x1;
	s10 =	sld [smem:$0x3FBA];
	_ =	sdelay $0x3  }
0x37: {  	[smem:$0x3FBA] =	sst s10  }
0x38: {  	s10 =	sld [smem:$0x3FBB]  }
0x39: {  	_ = 	snop;
	(pc) =	sbr.ind lr, $3  }
0x3a: {  	_ = 	snop  }
0x3b: {  	_ = 	snop  }
0x3c: {  	p2 =	seq.s32 s10, $0x1;
	s10 =	sld [smem:$0x3FBA]  }
0x3d: {  	_ =	shalt  }
0x3e: {  	_ =	shalt  }
0x3f: {  	_ =	shalt  }
0x40: {  	_ =	shalt  }
0x41: {  	_ =	shalt  }
0x42: {  	_ =	shalt  }
0x43: {  	_ =	shalt  }
0x44: {  	_ =	shalt  }
0x45: {  	_ =	shalt  }
0x46: {  	_ =	shalt  }
0x47: {  	_ =	shalt  }
0x48: {  	_ =	shalt  }
0x49: {  	_ =	shalt  }
0x4a: {  	_ =	shalt  }
0x4b: {  	_ =	shalt  }
0x4c: {  	_ =	shalt  }
0x4d: {  	_ =	shalt  }
0x4e: {  	_ =	shalt  }
0x4f: {  	_ =	shalt  }
0x50: {  	_ =	shalt  }
0x51: {  	_ =	shalt  }
0x52: {  	_ =	shalt  }
0x53: {  	_ =	shalt  }
0x54: {  	_ =	shalt  }
0x55: {  	_ =	shalt  }
0x56: {  	_ =	shalt  }
0x57: {  	_ =	shalt  }
0x58: {  	_ =	shalt  }
0x59: {  	_ =	shalt  }
0x5a: {  	_ =	shalt  }
0x5b: {  	_ =	shalt  }
0x5c: {  	_ =	shalt  }
0x5d: {  	_ =	shalt  }
0x5e: {  	_ =	shalt  }
0x5f: {  	_ =	shalt  }
0x60: {  	_ =	shalt  }
0x61: {  	_ =	shalt  }
0x62: {  	_ =	shalt  }
0x63: {  	_ =	shalt  }
0x64: {  	_ =	shalt  }
0x65: {  	_ =	shalt  }
0x66: {  	_ =	shalt  }
0x67: {  	_ =	shalt  }
0x68: {  	_ =	shalt  }
0x69: {  	_ =	shalt  }
0x6a: {  	_ =	shalt  }
0x6b: {  	_ =	shalt  }
0x6c: {  	_ =	shalt  }
0x6d: {  	_ =	shalt  }
0x6e: {  	_ =	shalt  }
0x6f: {  	_ =	shalt  }
0x70: {  	_ =	shalt  }
0x71: {  	_ =	shalt  }
0x72: {  	_ =	shalt  }
0x73: {  	_ =	shalt  }
0x74: {  	_ =	shalt  }
0x75: {  	_ =	shalt  }
0x76: {  	_ =	shalt  }
0x77: {  	_ =	shalt  }
0x78: {  	_ =	shalt  }
0x79: {  	_ =	shalt  }
0x7a: {  	_ =	shalt  }
0x7b: {  	_ =	shalt  }
0x7c: {  	_ =	shalt  }
0x7d: {  	_ =	shalt  }
0x7e: {  	_ =	shalt  }
0x7f: {  	_ =	shalt  }
0x80: {  	_ =	shalt  }
0x81: {  	_ =	shalt  }
0x82: {  	_ =	shalt  }
0x83: {  	_ =	shalt  }
0x84: {  	_ =	shalt  }
0x85: {  	_ =	shalt  }
0x86: {  	_ =	shalt  }
0x87: {  	_ =	shalt  }
.Lfunc_end0:
.L_simem_size_0:
called_computation.1_lowered:
.L_overlay_start_0:
0x88: {  	s2 =	sld [smem:$0x3FD9]  }
0x89: {  	s3 =	sld [smem:$0x3FFE];
	_ =	sdelay $0x1  }
0x8a: {  	s1 =	srdreg.scid  }
0x8b: {  	s0 =	sand.u32 $0x1, s1  }
0x8c: {  	s17 =	sshll.u32 s0, $0xA;
	s2 =	sadd.s32 s3, s2  }
0x8d: {  	s2 =	sadd.s32 s2, s17  }
0x8e: {  	[smem:$0x3FC6] =	sst s2  }
0x8f: {  	_ = 	snop  }
0x90: {  	s2 =	sld [smem:$0x3FC9]  }
0x91: {  	s18 =	sld [smem:$0x3FC8]  }
0x92: {  	s4 =	sld [smem:$0x3FD0];
	(tm) =	ssettm $0x1  }
0x93: {  	s5 =	sld [smem:$0x3FFB];
	_ =	sdelay $0x3  }
0x94: {  	_ =	strace s5  }
0x95: {  	s5 =	sld [smem:$0x3FFC];
	_ =	sdelay $0x3  }
0x96: {  	_ =	strace s5  }
0x97: {  	s5 =	sld [smem:$0x3FFD];
	_ =	sdelay $0x3  }
0x98: {  	_ =	strace s5  }
0x99: {  	_ =	strace $0x8FFFFFFF  }
0x9a: {  	s19 =	sld [smem:$0x3FDB];
	_ =	sdelay $0x1  }
0x9b: {  	s6 =	simm.s32 $_scs_section_size  }
0x9c: {  	s7 =	simm.s32 $_size__tile_overlayer_lowered;
	s8 =	simm.s32 $_tile_overlayer_lowered  }
0x9d: {  	s22 =	simm.s32 $0x1BFF;
	s21 =	sshll.u32 s8, $0x1;
	s5 =	sadd.s32 s6, s19  }
0x9e: {  	s9 =	simm.s32 $0x0;
	s20 =	sshll.u32 s7, $0x1;
	s7 =	sadd.s32 s21, s5  }
0x9f: {  	[timem:s9], [sflag:s22] =	dma.local [hbm:s7], s20  }
0xa0: {  	_ =	swait.ge [sflag:s22], s20  }
0xa1: {  	s6 =	ssub.s32 $0x0, s20;
	[sflag:s22] =	ssyncset.done $0x0  }
0xa2: {  	[sflag:s22] =	ssyncadd.s32 s6;
	_ =	sdelay $0x1  }
0xa3: {  	s23 =	simm.s32 $0x1B8B  }
0xa4: {  	_ =	swait.ge [sflag:s23], $0x1  }
0xa5: {  	[sflag:s23] =	ssyncset.done $0x0  }
0xa6: {  	s25 =	simm.s32 $0x1B8E;
	s24 =	sld [smem:$0x3FFE];
	[sflag:s23] =	ssyncadd.s32 $0xFFFFFFFF  }
0xa7: {  	s26 =	simm.s32 $execute0_lowered;
	[smem:$0x3FD2] =	sst s25  }
0xa8: {  	s7 =	sshll.u32 s26, $0x1;
	_ =	strace $0x80000049;
	[dreg:$0x1] =	wrdreg $0xFFFFFFFF  }
0xa9: {  	s28 =	simm.s32 $_size_execute0_lowered;
	s5 =	sadd.s32 s5, s7;
	[dreg:$0x0] =	wrdreg $0x0  }
0xaa: {  	s7 =	sshll.u32 s28, $0x1;
	[dreg:$0x2] =	wrdreg s5  }
0xab: {  	[dreg:$0x3] =	wrdreg s7  }
0xac: {  	[dreg:$0x4] =	wrdreg $0xC0  }
0xad: {  	_ =	task [dreg:s9], $0x5FFFF  }
0xae: {  	[dreg:$0x1] =	wrdreg $0xFFFFFFFF  }
0xaf: {  	[dreg:$0x0] =	wrdreg $0x60  }
0xb0: {  	[dreg:$0x2] =	wrdreg s2  }
0xb1: {  	[dreg:$0x3] =	wrdreg s18  }
0xb2: {  	[dreg:$0x4] =	wrdreg s24  }
0xb3: {  	[dreg:$0x5] =	wrdreg s4  }
0xb4: {  	[dreg:$0x6] =	wrdreg $0x0  }
0xb5: {  	[dreg:$0x7] =	wrdreg $0x9  }
0xb6: {  	_ =	task.clear_ibuf [dreg:s9], $0x8FFFF;
	_ =	strace $0x90000049  }
0xb7: {  	s29 =	simm.s32 $0x9;
	_ =	strace $0x8000004B  }
0xb8: {  	_ =	swait.ge [sflag:s29], $0x1  }
0xb9: {  	[sflag:s29] =	ssyncadd.s32 $0xFFFFFFFF  }
0xba: {  	_ =	strace $0x9000004B  }
0xbb: {  	_ =	sfence  }
0xbc: {  	s30 =	sld [smem:$0x0];
	_ =	sdelay $0x2  }
0xbd: {  	s31 =	sshll.u32 s1, $0xD;
	s1 =	sshrl.u32 s1, $0x2  }
0xbe: {  	s3 =	sand.u32 $0x4000, s31;
	s1 =	sadd.s32 s1, s30  }
0xbf: {  	s0 =	sor.u32 s3, s0;
	s1 =	sshll.u32 s1, $0x11  }
0xc0: {  	s0 =	sor.u32 s1, s0  }
0xc1: {  	s0 =	sadd.s32 $0x8F2B, s0  }
0xc2: {  	[sflag:s0] =	ssyncadd.remote.s32 $0x1  }
0xc3: {  	_ =	sfence.sel $0xFFFF  }
0xc4: {  	[dreg:$0x0] =	wrdreg $0xFFFFFFFF;
	(pc) =	sbr.abs _section_cstart, $3  }
0xc5: {  	[dreg:$0x1] =	wrdreg $0xFFFFFFFF  }
0xc6: {  	_ =	task.clear_ibuf [dreg:s9], $0x2FFFF;
	_ =	strace $0x9FFFFFFF  }
0xc7: {  	(tm) =	ssettm $0x7FFFFFFF  }
tec
execute0_lowered:
.L_overlay_start_1:
0x0: {  	(tag) =	ssettag $0x1  }
0x1: {  	s0 =	rddreg [dreg:$0x0]  }
0x2: {  	s2 =	rddreg [dreg:$0x1]  }
0x3: {  	s4 =	rddreg [dreg:$0x2]  }
0x4: {  	s5 =	rddreg [dreg:$0x3]  }
0x5: {  	s1 =	rddreg [dreg:$0x4]  }
0x6: {  	s3 =	simm.s32 $0x0;
	s6 =	srdreg.scid;
	s14 =	stileid.u32  }
0x7: {  	s30 =	simm.s32 $0x1;
	[smem:$0x7FF] =	sst s3;
	s7 =	smul.u32 $0x278, s14  }
0x8: {  	s6 =	sand.u32 $0x1, s6;
	s8 =	sadd.s32 $0x1000, s4;
	s9 =	smul.u32 $0x4F000, s14  }
0x9: {  	s11 =	sshll.u32 s14, $0x1;
	s12 =	smul.u32 $0x2780, s14;
	_ =	strace $0x8000004A  }
0xa: {  	s28 =	ssub.s32 $0x2, s6;
	s4 =	sor.u32 s6, s11;
	s26 =	ssub.s32 $0x9C4, s11  }
0xb: {  	s10 =	sshrl.u32 s28, $0x1;
	s9 =	sshrl.u32 s9, $0x2;
	s12 =	sadd.s32 s8, s12  }
0xc: {  	s29 =	sadd.s32 $0x80, s7;
	s13 =	sadd.s32 $0x100, s7;
	s16 =	sadd.s32 $0x180, s7  }
0xd: {  	s7 =	sadd.s32 $0x200, s7;
	s20 =	sshll.u32 s4, $0x4;
	s21 =	sor.u32 $0x20, s4  }
0xe: {  	s22 =	sshll.u32 s4, $0xB;
	[dreg:$0x6] =	wrdreg s26;
	s26 =	simm.s32 $0x1FC00  }
0xf: {  	s10 =	ssub.s32 s28, s10;
	[dreg:$0x7] =	wrdreg s12;
	s9 =	sadd.s32 s9, s1  }
0x10: {  	s31 =	sshll.u32 s29, $0x4;
	s15 =	sshll.u32 s13, $0x7;
	s17 =	sshll.u32 s16, $0x4  }
0x11: {  	s18 =	sshll.u32 s16, $0x7;
	s19 =	sshll.u32 s7, $0x4;
	s7 =	sshll.u32 s7, $0x7  }
0x12: {  	s23 =	sshll.u32 s21, $0x4;
	s25 =	sshll.u32 s21, $0xB;
	s28 =	sshll.u32 s14, $0x5  }
0x13: {  	s21 =	sshll.u32 s6, $0xB;
	[dreg:$0x8] =	wrdreg s9;
	s12 =	sadd.s32 s8, s31  }
0x14: {  	s9 =	sshll.u32 s29, $0x7;
	s7 =	sadd.s32 s7, s1;
	[dreg:$0x9] =	wrdreg s12  }
0x15: {  	s24 =	sadd.s32 s2, s23;
	s29 =	sshll.u32 s6, $0x4;
	[dreg:$0x10] =	wrdreg s7  }
0x16: {  	s31 =	sshll.u32 s14, $0xC;
	s9 =	sadd.s32 s9, s1;
	[dreg:$0x13] =	wrdreg s24  }
0x17: {  	s12 =	sshll.u32 s13, $0x4;
	s7 =	sadd.s32 s2, s20;
	[dreg:$0xa] =	wrdreg s9  }
0x18: {  	s2 =	sadd.s32 s28, s2;
	s9 =	sadd.s32 s8, s12;
	[dreg:$0x11] =	wrdreg s7  }
0x19: {  	s23 =	sadd.s32 s31, s5;
	s7 =	sadd.s32 s0, s22;
	[dreg:$0xb] =	wrdreg s9  }
0x1a: {  	s24 =	simm.s32 $0x13C00;
	s9 =	sadd.s32 s15, s1;
	[dreg:$0x12] =	wrdreg s7  }
0x1b: {  	s2 =	sadd.s32 s29, s2;
	s7 =	sadd.s32 s0, s25;
	[dreg:$0xc] =	wrdreg s9  }
0x1c: {  	s22 =	sadd.s32 s31, s0;
	s9 =	sadd.s32 s8, s17;
	[dreg:$0x14] =	wrdreg s7  }
0x1d: {  	s20 =	sadd.s32 $0x800, s2;
	s8 =	sadd.s32 s8, s19;
	[dreg:$0xd] =	wrdreg s9  }
0x1e: {  	s25 =	simm.s32 $0xA;
	s9 =	sadd.s32 s18, s1;
	[dreg:$0xf] =	wrdreg s8  }
0x1f: {  	s0 =	simm.s32 $0x0;
	s19 =	smax.u32 s10, $0x1;
	[dreg:$0xe] =	wrdreg s9  }
.LBB2_1:
0x20: {  	s2 =	rddreg [dreg:$0x7]  }
0x21: {  	[tilespmem:s24], [sflag:$0xA] =	stream.linear.gather [hbm4b:s2+s3], $0x4000, $0x38;
	[tilespmem:$0x1FD80] =	vst v63  }
0x22: {  	_ =	swait.ge [sflag:s25], $0x4000  }
0x23: {  	[sflag:s25] =	ssyncset.done $0x0  }
0x24: {  	s14 =	rddreg [dreg:$0x8];
	[sflag:s25] =	ssyncadd.s32 $0xFFFFC000  }
0x25: {  	[spmem:s14] =	stream.linear.scatter [tilespmem:s24], [sflag:$0xA], $0x4000, $0x38;
	[tilespmem:$0x1FD80] =	vst v63  }
0x26: {  	_ =	swait.ge [sflag:s25], $0x4000  }
0x27: {  	[sflag:s25] =	ssyncset.done $0x0  }
0x28: {  	s15 =	rddreg [dreg:$0x9];
	[sflag:s25] =	ssyncadd.s32 $0xFFFFC000  }
0x29: {  	[tilespmem:s24], [sflag:$0xA] =	stream.linear.gather [hbm4b:s15+s3], $0x4000, $0x38;
	[tilespmem:$0x1FD80] =	vst v63  }
0x2a: {  	_ =	swait.ge [sflag:s25], $0x4000  }
0x2b: {  	[sflag:s25] =	ssyncset.done $0x0  }
0x2c: {  	s16 =	rddreg [dreg:$0xa];
	[sflag:s25] =	ssyncadd.s32 $0xFFFFC000  }
0x2d: {  	[spmem:s16] =	stream.linear.scatter [tilespmem:s24], [sflag:$0xA], $0x4000, $0x38;
	[tilespmem:$0x1FD80] =	vst v63  }
0x2e: {  	_ =	swait.ge [sflag:s25], $0x4000  }
0x2f: {  	[sflag:s25] =	ssyncset.done $0x0  }
0x30: {  	s17 =	rddreg [dreg:$0xb];
	[sflag:s25] =	ssyncadd.s32 $0xFFFFC000  }
0x31: {  	[tilespmem:s24], [sflag:$0xA] =	stream.linear.gather [hbm4b:s17+s3], $0x4000, $0x38;
	[tilespmem:$0x1FD80] =	vst v63  }
0x32: {  	_ =	swait.ge [sflag:s25], $0x4000  }
0x33: {  	[sflag:s25] =	ssyncset.done $0x0  }
0x34: {  	s18 =	rddreg [dreg:$0xc];
	[sflag:s25] =	ssyncadd.s32 $0xFFFFC000  }
0x35: {  	[spmem:s18] =	stream.linear.scatter [tilespmem:s24], [sflag:$0xA], $0x4000, $0x38;
	[tilespmem:$0x1FD80] =	vst v63  }
0x36: {  	_ =	swait.ge [sflag:s25], $0x4000  }
0x37: {  	[sflag:s25] =	ssyncset.done $0x0  }
0x38: {  	s5 =	rddreg [dreg:$0xd];
	[sflag:s25] =	ssyncadd.s32 $0xFFFFC000  }
0x39: {  	[tilespmem:s24], [sflag:$0xA] =	stream.linear.gather [hbm4b:s5+s3], $0x4000, $0x38;
	[tilespmem:$0x1FD80] =	vst v63  }
0x3a: {  	_ =	swait.ge [sflag:s25], $0x4000  }
0x3b: {  	[sflag:s25] =	ssyncset.done $0x0  }
0x3c: {  	s6 =	rddreg [dreg:$0xe];
	[sflag:s25] =	ssyncadd.s32 $0xFFFFC000  }
0x3d: {  	[spmem:s6] =	stream.linear.scatter [tilespmem:s24], [sflag:$0xA], $0x4000, $0x38;
	[tilespmem:$0x1FD80] =	vst v63  }
0x3e: {  	_ =	swait.ge [sflag:s25], $0x4000  }
0x3f: {  	[sflag:s25] =	ssyncset.done $0x0  }
0x40: {  	s7 =	rddreg [dreg:$0xf];
	[sflag:s25] =	ssyncadd.s32 $0xFFFFC000  }
0x41: {  	[tilespmem:s24], [sflag:$0xA] =	stream.linear.gather [hbm4b:s7+s3], $0x3C00, $0x38;
	[tilespmem:$0x1FD80] =	vst v63  }
0x42: {  	_ =	swait.ge [sflag:s25], $0x3C00  }
0x43: {  	[sflag:s25] =	ssyncset.done $0x0  }
0x44: {  	s8 =	rddreg [dreg:$0x10];
	[sflag:s25] =	ssyncadd.s32 $0xFFFFC400  }
0x45: {  	[spmem:s8] =	stream.linear.scatter [tilespmem:s24], [sflag:$0xA], $0x3C00, $0x38;
	[tilespmem:$0x1FD80] =	vst v63  }
0x46: {  	_ =	swait.ge [sflag:s25], $0x3C00  }
0x47: {  	[sflag:s25] =	ssyncset.done $0x0  }
0x48: {  	[sflag:s25] =	ssyncadd.s32 $0xFFFFC400  }
0x49: {  	[bflag:$0x0] =	sbarrier.arrive $0xFFFF  }
0x4a: {  	s9 =	rddreg [dreg:$0x11]  }
0x4b: {  	[tilespmem:s26], [sflag:$0xA] =	stream.linear.gather [hbm4b:s9+s3], $0x80, $0x38;
	[tilespmem:$0x1FD80] =	vst v63  }
0x4c: {  	_ =	swait.ge [sflag:s25], $0x80  }
0x4d: {  	[sflag:s25] =	ssyncset.done $0x0  }
0x4e: {  	s10 =	rddreg [dreg:$0x12];
	[sflag:s25] =	ssyncadd.s32 $0xFFFFFF80  }
0x4f: {  	[tilespmem:s24], [sflag:$0x1] =	stream.linear.gather [hbm4b:s10+s3], $0x4000, $0x38;
	[tilespmem:$0x1FD80] =	vst v63  }
0x50: {  	s5 =	simm.s32 $0x1FC80;
	s11 =	rddreg [dreg:$0x13]  }
0x51: {  	[tilespmem:s5], [sflag:$0xA] =	stream.linear.gather [hbm4b:s11+s3], $0x80, $0x38;
	[tilespmem:$0x1FD80] =	vst v63  }
0x52: {  	_ =	swait.ge [sflag:s25], $0x80  }
0x53: {  	[sflag:s25] =	ssyncset.done $0x0  }
0x54: {  	s13 =	simm.s32 $0x17C00;
	s12 =	rddreg [dreg:$0x14];
	[sflag:s25] =	ssyncadd.s32 $0xFFFFFF80  }
0x55: {  	[tilespmem:s13], [sflag:$0x2] =	stream.linear.gather [hbm4b:s12+s3], $0x4000, $0x38;
	[tilespmem:$0x1FD80] =	vst v63  }
0x56: {  	p1 =	por $0x1, $0x1;
	_ =	swait.ge [sflag:s30], $0x4000  }
0x57: {  	s14 =	simm.s32 $0x80;
	s15 =	sadd.s32 $0x0, s4;
	[sflag:s30] =	ssyncset.done $0x0  }
0x58: {  	s6 =	sadd.s32 $0x40, s15;
	s5 =	simm.s32 @!p1 $0x9;
	[sflag:s30] =	ssyncadd.s32 $0xFFFFC000  }
0x59: {  	[tilespmem:s24], [sflag:$0x4] =	stream.indirect.gather.add.f32 [spmem:s1], $0x80, s26, s14, $0xb8;
	[tilespmem:$0x1FD80] =	vst v63  }
0x5a: {  	s16 =	sadd.s32 $0x20, s15;
	p0 =	sgt.u32 s6, $0x9C3;
	_ =	swait.ge @!p1 [sflag:s5], $0x4000  }
0x5b: {  	s6 =	sadd.s32 @!p0 $0xFFFFFC00, s20;
	s28 =	simm.s32 @!p0 $0x0;
	[sflag:s5] =	ssyncset.done @!p1 $0x0  }
0x5c: {  	s7 =	simm.s32 @!p0 $0x1FD00;
	s8 =	simm.s32 @!p0 $0xA;
	[sflag:s5] =	ssyncadd.s32 @!p1 $0xFFFFC000  }
0x5d: {  	[tilespmem:s7], [sflag:$0xA] =	stream.linear.gather @!p0 [hbm4b:s6+s28], $0x80, $0x38;
	[tilespmem:$0x1FD80] =	vst v63  }
0x5e: {  	p1 =	sgt.u32 s16, $0x9C3;
	_ =	swait.ge @!p0 [sflag:s8], $0x80  }
0x5f: {  	s5 =	simm.s32 @!p0 $0x1BC00;
	s6 =	sadd.s32 @!p0 s22, s21;
	[sflag:s8] =	ssyncset.done @!p0 $0x0  }
0x60: {  	s6 =	sadd.s32 @!p0 $0x20000, s6;
	[sflag:s8] =	ssyncadd.s32 @!p0 $0xFFFFFF80;
	s8 =	simm.s32 @!p1 $0x2  }
0x61: {  	[tilespmem:s5], [sflag:$0x3] =	stream.linear.gather @!p0 [hbm4b:s6+s28], $0x4000, $0x38;
	[tilespmem:$0x1FD80] =	vst v63  }
0x62: {  	p2 =	sgt.u32 s15, $0x9C3;
	_ =	swait.ge @!p1 [sflag:s8], $0x4000  }
0x63: {  	s9 =	simm.s32 @!p1 $0x80;
	s10 =	simm.s32 @!p1 $0x1FC80;
	[sflag:s8] =	ssyncset.done @!p1 $0x0  }
0x64: {  	s6 =	simm.s32 @!p1 $0x17C00;
	[sflag:s8] =	ssyncadd.s32 @!p1 $0xFFFFC000;
	s8 =	simm.s32 @!p2 $0x4  }
0x65: {  	[tilespmem:s6], [sflag:$0x5] =	stream.indirect.gather.add.f32 @!p1 [spmem:s1], $0x80, s10, s9, $0xb8;
	[tilespmem:$0x1FD80] =	vst v63  }
0x66: {  	s11 =	simm.s32 @!p2 $0x0;
	_ =	swait.ge @!p2 [sflag:s8], $0x4000  }
0x67: {  	s9 =	simm.s32 @!p2 $0x13C00;
	[sflag:s8] =	ssyncset.done @!p2 $0x0;
	s17 =	rddreg [dreg:$0x6]  }
0x68: {  	[sflag:s8] =	ssyncadd.s32 @!p2 $0xFFFFC000;
	s8 =	sadd.s32 @!p2 s23, s21;
	p3 =	sle.u32 s17, $0x0  }
0x69: {  	[hbm4b:s8+s11] =	stream.linear.scatter @!p2 [tilespmem:s9], [sflag:$0x7], $0x4000, $0x38;
	[tilespmem:$0x1FD80] =	vst v63  }
0x6a: {  	s18 =	sadd.s32 $0x60, s15;
	s9 =	simm.s32 @!p3 $0x7  }
0x6b: {  	p2 =	sgt.u32 s18, $0x9C3;
	_ =	swait.ge @!p3 [sflag:s9], $0x4000  }
0x6c: {  	s8 =	sadd.s32 @!p2 $0xFFFFFE00, s20;
	s10 =	simm.s32 @!p2 $0x1FC00;
	[sflag:s9] =	ssyncset.done @!p3 $0x0  }
0x6d: {  	s11 =	simm.s32 @!p2 $0xA;
	[sflag:s9] =	ssyncadd.s32 @!p3 $0xFFFFC000;
	s9 =	simm.s32 @!p2 $0x0  }
0x6e: {  	[tilespmem:s10], [sflag:$0xA] =	stream.linear.gather @!p2 [hbm4b:s8+s9], $0x80, $0x38;
	[tilespmem:$0x1FD80] =	vst v63  }
0x6f: {  	_ =	swait.ge @!p2 [sflag:s11], $0x80  }
0x70: {  	s8 =	sadd.s32 @!p2 s22, s21;
	[sflag:s11] =	ssyncset.done @!p2 $0x0  }
0x71: {  	s8 =	sadd.s32 @!p2 $0x30000, s8;
	[sflag:s11] =	ssyncadd.s32 @!p2 $0xFFFFFF80;
	s11 =	simm.s32 @!p2 $0x13C00  }
0x72: {  	[tilespmem:s11], [sflag:$0x1] =	stream.linear.gather @!p2 [hbm4b:s8+s9], $0x4000, $0x38;
	[tilespmem:$0x1FD80] =	vst v63  }
0x73: {  	s8 =	simm.s32 @!p0 $0x3  }
0x74: {  	s2 =	sadd.s32 $0x80, s15;
	_ =	swait.ge @!p0 [sflag:s8], $0x4000  }
0x75: {  	p3 =	sgt.u32 s2, $0xA23;
	[sflag:s8] =	ssyncset.done @!p0 $0x0  }
0x76: {  	s9 =	simm.s32 @!p0 $0x80;
	[sflag:s8] =	ssyncadd.s32 @!p0 $0xFFFFC000;
	s8 =	simm.s32 @!p1 $0x5  }
0x77: {  	[tilespmem:s5], [sflag:$0x6] =	stream.indirect.gather.add.f32 @!p0 [spmem:s1], $0x80, s7, s9, $0xb8;
	[tilespmem:$0x1FD80] =	vst v63  }
0x78: {  	p4 =	sgt.u32 @!p3 s2, $0x9C3;
	_ =	swait.ge @!p1 [sflag:s8], $0x4000  }
0x79: {  	s7 =	sadd.s32 @!p1 s23, s21;
	s9 =	simm.s32 @!p1 $0x0;
	[sflag:s8] =	ssyncset.done @!p1 $0x0  }
0x7a: {  	s7 =	sadd.s32 @!p1 $0x10000, s7;
	[sflag:s8] =	ssyncadd.s32 @!p1 $0xFFFFC000;
	s8 =	simm.s32 @!p3 $0x8  }
0x7b: {  	[hbm4b:s7+s9] =	stream.linear.scatter @!p1 [tilespmem:s6], [sflag:$0x8], $0x4000, $0x38;
	[tilespmem:$0x1FD80] =	vst v63  }
0x7c: {  	p1 =	por p4, p3;
	_ =	swait.ge @!p3 [sflag:s8], $0x4000  }
0x7d: {  	s2 =	simm.s32 @!p1 $0x0;
	[sflag:s8] =	ssyncset.done @!p3 $0x0  }
0x7e: {  	s6 =	simm.s32 @!p1 $0x1FC80;
	s7 =	simm.s32 @!p1 $0xA;
	[sflag:s8] =	ssyncadd.s32 @!p3 $0xFFFFC000  }
0x7f: {  	[tilespmem:s6], [sflag:$0xA] =	stream.linear.gather @!p1 [hbm4b:s20+s2], $0x80, $0x38;
	[tilespmem:$0x1FD80] =	vst v63  }
0x80: {  	_ =	swait.ge @!p1 [sflag:s7], $0x80  }
0x81: {  	s9 =	simm.s32 @!p2 $0x1;
	s6 =	sadd.s32 @!p1 s22, s21;
	[sflag:s7] =	ssyncset.done @!p1 $0x0  }
0x82: {  	s8 =	simm.s32 @!p1 $0x17C00;
	s6 =	sadd.s32 @!p1 $0x40000, s6;
	[sflag:s7] =	ssyncadd.s32 @!p1 $0xFFFFFF80  }
0x83: {  	[tilespmem:s8], [sflag:$0x2] =	stream.linear.gather @!p1 [hbm4b:s6+s2], $0x4000, $0x38;
	[tilespmem:$0x1FD80] =	vst v63  }
0x84: {  	s29 =	sadd.s32 $0x30000, s22;
	_ =	swait.ge @!p2 [sflag:s9], $0x4000  }
0x85: {  	s31 =	sadd.s32 $0x600, s20;
	s2 =	sadd.s32 @!p0 s23, s21;
	[sflag:s9] =	ssyncset.done @!p2 $0x0  }
0x86: {  	s8 =	sadd.s32 @!p0 $0x20000, s2;
	s2 =	simm.s32 @!p2 $0x80;
	[sflag:s9] =	ssyncadd.s32 @!p2 $0xFFFFC000  }
0x87: {  	[tilespmem:s11], [sflag:$0x4] =	stream.indirect.gather.add.f32 @!p2 [spmem:s1], $0x80, s10, s2, $0xb8;
	[tilespmem:$0x1FD80] =	vst v63  }
0x88: {  	s7 =	simm.s32 $0xC0;
	s6 =	simm.s32 $0x60;
	s10 =	simm.s32 @!p0 $0x6  }
0x89: {  	p1 =	por $0x0, $0x0;
	s2 =	sadd.s32 $0x30000, s23;
	_ =	swait.ge @!p0 [sflag:s10], $0x4000  }
.LBB2_2:
0x8a: {  	s13 =	sadd.s32 s6, s4;
	[sflag:s10] =	ssyncset.done @!p0 $0x0  }
0x8b: {  	s9 =	simm.s32 @!p1 $0x9;
	s12 =	sadd.s32 $0x40, s13;
	[sflag:s10] =	ssyncadd.s32 @!p0 $0xFFFFC000  }
0x8c: {  	[hbm4b:s8+s28] =	stream.linear.scatter @!p0 [tilespmem:s5], [sflag:$0x9], $0x4000, $0x38;
	[tilespmem:$0x1FD80] =	vst v63  }
0x8d: {  	p0 =	sgt.u32 s12, $0x9C3;
	_ =	swait.ge @!p1 [sflag:s9], $0x4000  }
0x8e: {  	s5 =	sadd.s32 @!p0 $0xFFFFFC00, s31;
	s28 =	simm.s32 @!p0 $0x0;
	[sflag:s9] =	ssyncset.done @!p1 $0x0  }
0x8f: {  	s8 =	simm.s32 @!p0 $0xA;
	[sflag:s9] =	ssyncadd.s32 @!p1 $0xFFFFC000;
	s9 =	simm.s32 @!p0 $0x1FD00  }
0x90: {  	[tilespmem:s9], [sflag:$0xA] =	stream.linear.gather @!p0 [hbm4b:s5+s28], $0x80, $0x38;
	[tilespmem:$0x1FD80] =	vst v63  }
0x91: {  	s15 =	sadd.s32 $0x20, s13;
	s5 =	sadd.s32 @!p0 s29, s21;
	_ =	swait.ge @!p0 [sflag:s8], $0x80  }
0x92: {  	p1 =	sgt.u32 s15, $0x9C3;
	s10 =	sadd.s32 @!p0 $0x20000, s5;
	[sflag:s8] =	ssyncset.done @!p0 $0x0  }
0x93: {  	s5 =	simm.s32 @!p0 $0x1BC00;
	[sflag:s8] =	ssyncadd.s32 @!p0 $0xFFFFFF80;
	s8 =	simm.s32 @!p1 $0x2  }
0x94: {  	[tilespmem:s5], [sflag:$0x3] =	stream.linear.gather @!p0 [hbm4b:s10+s28], $0x4000, $0x38;
	[tilespmem:$0x1FD80] =	vst v63  }
0x95: {  	s14 =	sadd.s32 $0x60, s13;
	p2 =	sgt.u32 s13, $0x9C3;
	_ =	swait.ge @!p1 [sflag:s8], $0x4000  }
0x96: {  	s15 =	simm.s32 @!p1 $0x80;
	s16 =	simm.s32 @!p1 $0x1FC80;
	[sflag:s8] =	ssyncset.done @!p1 $0x0  }
0x97: {  	s10 =	simm.s32 @!p1 $0x17C00;
	[sflag:s8] =	ssyncadd.s32 @!p1 $0xFFFFC000;
	s8 =	simm.s32 @!p2 $0x4  }
0x98: {  	[tilespmem:s10], [sflag:$0x5] =	stream.indirect.gather.add.f32 @!p1 [spmem:s1], $0x80, s16, s15, $0xb8;
	[tilespmem:$0x1FD80] =	vst v63  }
0x99: {  	s18 =	simm.s32 @!p2 $0x0;
	s15 =	sadd.s32 @!p0 s2, s21;
	_ =	swait.ge @!p2 [sflag:s8], $0x4000  }
0x9a: {  	s16 =	simm.s32 @!p2 $0x13C00;
	[sflag:s8] =	ssyncset.done @!p2 $0x0;
	s17 =	rddreg [dreg:$0x6]  }
0x9b: {  	[sflag:s8] =	ssyncadd.s32 @!p2 $0xFFFFC000;
	s8 =	sadd.s32 @!p2 s2, s21;
	p4 =	sge.u32 s6, s17  }
0x9c: {  	[hbm4b:s8+s18] =	stream.linear.scatter @!p2 [tilespmem:s16], [sflag:$0x7], $0x4000, $0x38;
	[tilespmem:$0x1FD80] =	vst v63  }
0x9d: {  	p3 =	sgt.u32 s14, $0x9C3;
	s8 =	sadd.s32 @!p0 $0x20000, s15;
	s15 =	simm.s32 @!p4 $0x7  }
0x9e: {  	s11 =	smov.u32 s7;
	s14 =	sadd.s32 @!p3 $0xFFFFFE00, s31;
	_ =	swait.ge @!p4 [sflag:s15], $0x4000  }
0x9f: {  	s6 =	smov.u32 s11;
	s11 =	simm.s32 @!p3 $0x1FC00;
	[sflag:s15] =	ssyncset.done @!p4 $0x0  }
0xa0: {  	s16 =	simm.s32 @!p3 $0xA;
	[sflag:s15] =	ssyncadd.s32 @!p4 $0xFFFFC000;
	s15 =	simm.s32 @!p3 $0x0  }
0xa1: {  	[tilespmem:s11], [sflag:$0xA] =	stream.linear.gather @!p3 [hbm4b:s14+s15], $0x80, $0x38;
	[tilespmem:$0x1FD80] =	vst v63  }
0xa2: {  	s14 =	sadd.s32 @!p3 s29, s21;
	_ =	swait.ge @!p3 [sflag:s16], $0x80  }
0xa3: {  	s17 =	sadd.s32 @!p3 $0x30000, s14;
	[sflag:s16] =	ssyncset.done @!p3 $0x0  }
0xa4: {  	s14 =	simm.s32 @!p3 $0x13C00;
	[sflag:s16] =	ssyncadd.s32 @!p3 $0xFFFFFF80;
	s16 =	simm.s32 @!p0 $0x3  }
0xa5: {  	[tilespmem:s14], [sflag:$0x1] =	stream.linear.gather @!p3 [hbm4b:s17+s15], $0x4000, $0x38;
	[tilespmem:$0x1FD80] =	vst v63  }
0xa6: {  	_ =	swait.ge @!p0 [sflag:s16], $0x4000  }
0xa7: {  	s13 =	sadd.s32 $0x80, s13;
	[sflag:s16] =	ssyncset.done @!p0 $0x0  }
0xa8: {  	s15 =	simm.s32 @!p0 $0x80;
	[sflag:s16] =	ssyncadd.s32 @!p0 $0xFFFFC000;
	s16 =	simm.s32 @!p1 $0x5  }
0xa9: {  	[tilespmem:s5], [sflag:$0x6] =	stream.indirect.gather.add.f32 @!p0 [spmem:s1], $0x80, s9, s15, $0xb8;
	[tilespmem:$0x1FD80] =	vst v63  }
0xaa: {  	s12 =	sadd.s32 @!p1 s2, s21;
	p4 =	sgt.u32 s13, $0xA23;
	_ =	swait.ge @!p1 [sflag:s16], $0x4000  }
0xab: {  	s12 =	sadd.s32 @!p1 $0x10000, s12;
	p5 =	sgt.u32 @!p4 s13, $0x9C3;
	[sflag:s16] =	ssyncset.done @!p1 $0x0  }
0xac: {  	s9 =	simm.s32 @!p1 $0x0;
	s15 =	simm.s32 @!p4 $0x8;
	[sflag:s16] =	ssyncadd.s32 @!p1 $0xFFFFC000  }
0xad: {  	[hbm4b:s12+s9] =	stream.linear.scatter @!p1 [tilespmem:s10], [sflag:$0x8], $0x4000, $0x38;
	[tilespmem:$0x1FD80] =	vst v63  }
0xae: {  	p1 =	por p5, p4;
	_ =	swait.ge @!p4 [sflag:s15], $0x4000  }
0xaf: {  	s9 =	simm.s32 @!p1 $0x0;
	[sflag:s15] =	ssyncset.done @!p4 $0x0  }
0xb0: {  	s10 =	simm.s32 @!p1 $0x1FC80;
	s12 =	simm.s32 @!p1 $0xA;
	[sflag:s15] =	ssyncadd.s32 @!p4 $0xFFFFC000  }
0xb1: {  	[tilespmem:s10], [sflag:$0xA] =	stream.linear.gather @!p1 [hbm4b:s31+s9], $0x80, $0x38;
	[tilespmem:$0x1FD80] =	vst v63  }
0xb2: {  	s7 =	sadd.s32 $0x60, s7;
	s13 =	sadd.s32 @!p1 s29, s21;
	_ =	swait.ge @!p1 [sflag:s12], $0x80  }
0xb3: {  	p2 =	sne.s32 s7, $0xA20;
	s10 =	sadd.s32 @!p1 $0x40000, s13;
	[sflag:s12] =	ssyncset.done @!p1 $0x0  }
0xb4: {  	s13 =	simm.s32 @!p1 $0x17C00;
	[sflag:s12] =	ssyncadd.s32 @!p1 $0xFFFFFF80;
	s12 =	simm.s32 @!p3 $0x1  }
0xb5: {  	[tilespmem:s13], [sflag:$0x2] =	stream.linear.gather @!p1 [hbm4b:s10+s9], $0x4000, $0x38;
	[tilespmem:$0x1FD80] =	vst v63  }
.Ltmp0:
0xb6: {  	_ =	swait.ge @!p3 [sflag:s12], $0x4000;
	(pc) =	sbr.rel @p2 .LBB2_2-.Ltmp0, $4  }
0xb7: {  	s2 =	sadd.s32 $0x30000, s2;
	s29 =	sadd.s32 $0x30000, s29;
	[sflag:s12] =	ssyncset.done @!p3 $0x0  }
0xb8: {  	s9 =	simm.s32 @!p3 $0x80;
	s10 =	simm.s32 @!p0 $0x6;
	[sflag:s12] =	ssyncadd.s32 @!p3 $0xFFFFC000  }
0xb9: {  	[tilespmem:s14], [sflag:$0x4] =	stream.indirect.gather.add.f32 @!p3 [spmem:s1], $0x80, s11, s9, $0xb8;
	[tilespmem:$0x1FD80] =	vst v63  }
0xba: {  	s31 =	sadd.s32 $0x600, s31;
	p1 =	seq.s32 s6, $0x0;
	_ =	swait.ge @!p0 [sflag:s10], $0x4000  }
0xbb: {  	s9 =	sadd.s32 s6, s4;
	[sflag:s10] =	ssyncset.done @!p0 $0x0  }
0xbc: {  	s7 =	simm.s32 @!p1 $0x9;
	s11 =	sadd.s32 $0x40, s9;
	[sflag:s10] =	ssyncadd.s32 @!p0 $0xFFFFC000  }
0xbd: {  	[hbm4b:s8+s28] =	stream.linear.scatter @!p0 [tilespmem:s5], [sflag:$0x9], $0x4000, $0x38;
	[tilespmem:$0x1FD80] =	vst v63  }
0xbe: {  	s17 =	sadd.s32 $0x20, s9;
	p0 =	sgt.u32 s11, $0x9C3;
	_ =	swait.ge @!p1 [sflag:s7], $0x4000  }
0xbf: {  	s8 =	sadd.s32 @!p0 $0xFFFFFC00, s31;
	s5 =	simm.s32 @!p0 $0x0;
	[sflag:s7] =	ssyncset.done @!p1 $0x0  }
0xc0: {  	s10 =	simm.s32 @!p0 $0x1FD00;
	s11 =	simm.s32 @!p0 $0xA;
	[sflag:s7] =	ssyncadd.s32 @!p1 $0xFFFFC000  }
0xc1: {  	[tilespmem:s10], [sflag:$0xA] =	stream.linear.gather @!p0 [hbm4b:s8+s5], $0x80, $0x38;
	[tilespmem:$0x1FD80] =	vst v63  }
0xc2: {  	p1 =	sgt.u32 s17, $0x9C3;
	_ =	swait.ge @!p0 [sflag:s11], $0x80  }
0xc3: {  	s7 =	simm.s32 @!p0 $0x1BC00;
	s8 =	sadd.s32 @!p0 s29, s21;
	[sflag:s11] =	ssyncset.done @!p0 $0x0  }
0xc4: {  	s8 =	sadd.s32 @!p0 $0x20000, s8;
	[sflag:s11] =	ssyncadd.s32 @!p0 $0xFFFFFF80;
	s11 =	simm.s32 @!p1 $0x2  }
0xc5: {  	[tilespmem:s7], [sflag:$0x3] =	stream.linear.gather @!p0 [hbm4b:s8+s5], $0x4000, $0x38;
	[tilespmem:$0x1FD80] =	vst v63  }
0xc6: {  	p2 =	sgt.u32 s9, $0x9C3;
	_ =	swait.ge @!p1 [sflag:s11], $0x4000  }
0xc7: {  	s12 =	simm.s32 @!p1 $0x80;
	s13 =	simm.s32 @!p1 $0x1FC80;
	[sflag:s11] =	ssyncset.done @!p1 $0x0  }
0xc8: {  	s8 =	simm.s32 @!p1 $0x17C00;
	[sflag:s11] =	ssyncadd.s32 @!p1 $0xFFFFC000;
	s11 =	simm.s32 @!p2 $0x4  }
0xc9: {  	[tilespmem:s8], [sflag:$0x5] =	stream.indirect.gather.add.f32 @!p1 [spmem:s1], $0x80, s13, s12, $0xb8;
	[tilespmem:$0x1FD80] =	vst v63  }
0xca: {  	s14 =	simm.s32 @!p2 $0x0;
	_ =	swait.ge @!p2 [sflag:s11], $0x4000  }
0xcb: {  	s12 =	simm.s32 @!p2 $0x13C00;
	[sflag:s11] =	ssyncset.done @!p2 $0x0;
	s18 =	rddreg [dreg:$0x6]  }
0xcc: {  	[sflag:s11] =	ssyncadd.s32 @!p2 $0xFFFFC000;
	s11 =	sadd.s32 @!p2 s2, s21;
	p3 =	sge.u32 s6, s18  }
0xcd: {  	[hbm4b:s11+s14] =	stream.linear.scatter @!p2 [tilespmem:s12], [sflag:$0x7], $0x4000, $0x38;
	[tilespmem:$0x1FD80] =	vst v63  }
0xce: {  	s28 =	sadd.s32 $0x60, s9;
	s11 =	simm.s32 @!p3 $0x7  }
0xcf: {  	p2 =	sgt.u32 s28, $0x9C3;
	_ =	swait.ge @!p3 [sflag:s11], $0x4000  }
0xd0: {  	s6 =	sadd.s32 @!p2 $0xFFFFFE00, s31;
	s12 =	simm.s32 @!p2 $0x1FC00;
	[sflag:s11] =	ssyncset.done @!p3 $0x0  }
0xd1: {  	s13 =	simm.s32 @!p2 $0xA;
	[sflag:s11] =	ssyncadd.s32 @!p3 $0xFFFFC000;
	s11 =	simm.s32 @!p2 $0x0  }
0xd2: {  	[tilespmem:s12], [sflag:$0xA] =	stream.linear.gather @!p2 [hbm4b:s6+s11], $0x80, $0x38;
	[tilespmem:$0x1FD80] =	vst v63  }
0xd3: {  	_ =	swait.ge @!p2 [sflag:s13], $0x80  }
0xd4: {  	s14 =	simm.s32 @!p2 $0x13C00;
	s6 =	sadd.s32 @!p2 s29, s21;
	[sflag:s13] =	ssyncset.done @!p2 $0x0  }
0xd5: {  	s6 =	sadd.s32 @!p2 $0x30000, s6;
	[sflag:s13] =	ssyncadd.s32 @!p2 $0xFFFFFF80;
	s13 =	simm.s32 @!p0 $0x3  }
0xd6: {  	[tilespmem:s14], [sflag:$0x1] =	stream.linear.gather @!p2 [hbm4b:s6+s11], $0x4000, $0x38;
	[tilespmem:$0x1FD80] =	vst v63  }
0xd7: {  	_ =	swait.ge @!p0 [sflag:s13], $0x4000  }
0xd8: {  	s9 =	sadd.s32 $0x80, s9;
	[sflag:s13] =	ssyncset.done @!p0 $0x0  }
0xd9: {  	s11 =	simm.s32 @!p0 $0x80;
	[sflag:s13] =	ssyncadd.s32 @!p0 $0xFFFFC000;
	s13 =	simm.s32 @!p1 $0x5  }
0xda: {  	[tilespmem:s7], [sflag:$0x6] =	stream.indirect.gather.add.f32 @!p0 [spmem:s1], $0x80, s10, s11, $0xb8;
	[tilespmem:$0x1FD80] =	vst v63  }
0xdb: {  	p3 =	sgt.u32 s9, $0xA23;
	s6 =	sadd.s32 @!p1 s2, s21;
	_ =	swait.ge @!p1 [sflag:s13], $0x4000  }
0xdc: {  	p4 =	sgt.u32 @!p3 s9, $0x9C3;
	s6 =	sadd.s32 @!p1 $0x10000, s6;
	[sflag:s13] =	ssyncset.done @!p1 $0x0  }
0xdd: {  	s10 =	simm.s32 @!p1 $0x0;
	s11 =	simm.s32 @!p3 $0x8;
	[sflag:s13] =	ssyncadd.s32 @!p1 $0xFFFFC000  }
0xde: {  	[hbm4b:s6+s10] =	stream.linear.scatter @!p1 [tilespmem:s8], [sflag:$0x8], $0x4000, $0x38;
	[tilespmem:$0x1FD80] =	vst v63  }
0xdf: {  	p1 =	por p4, p3;
	_ =	swait.ge @!p3 [sflag:s11], $0x4000  }
0xe0: {  	s6 =	simm.s32 @!p1 $0x0;
	[sflag:s11] =	ssyncset.done @!p3 $0x0  }
0xe1: {  	s8 =	simm.s32 @!p1 $0x1FC80;
	s9 =	simm.s32 @!p1 $0xA;
	[sflag:s11] =	ssyncadd.s32 @!p3 $0xFFFFC000  }
0xe2: {  	[tilespmem:s8], [sflag:$0xA] =	stream.linear.gather @!p1 [hbm4b:s31+s6], $0x80, $0x38;
	[tilespmem:$0x1FD80] =	vst v63  }
0xe3: {  	_ =	swait.ge @!p1 [sflag:s9], $0x80  }
0xe4: {  	s10 =	simm.s32 @!p1 $0x17C00;
	s8 =	sadd.s32 @!p1 s29, s21;
	[sflag:s9] =	ssyncset.done @!p1 $0x0  }
0xe5: {  	s8 =	sadd.s32 @!p1 $0x40000, s8;
	[sflag:s9] =	ssyncadd.s32 @!p1 $0xFFFFFF80;
	s9 =	simm.s32 @!p2 $0x1  }
0xe6: {  	[tilespmem:s10], [sflag:$0x2] =	stream.linear.gather @!p1 [hbm4b:s8+s6], $0x4000, $0x38;
	[tilespmem:$0x1FD80] =	vst v63  }
0xe7: {  	_ =	swait.ge @!p2 [sflag:s9], $0x4000  }
0xe8: {  	[sflag:s9] =	ssyncset.done @!p2 $0x0  }
0xe9: {  	s6 =	simm.s32 @!p2 $0x80;
	s8 =	simm.s32 @!p0 $0x6;
	[sflag:s9] =	ssyncadd.s32 @!p2 $0xFFFFC000  }
0xea: {  	[tilespmem:s14], [sflag:$0x4] =	stream.indirect.gather.add.f32 @!p2 [spmem:s1], $0x80, s12, s6, $0xb8;
	[tilespmem:$0x1FD80] =	vst v63  }
0xeb: {  	_ =	swait.ge @!p0 [sflag:s8], $0x4000  }
0xec: {  	s2 =	sadd.s32 @!p0 s2, s21;
	[sflag:s8] =	ssyncset.done @!p0 $0x0  }
0xed: {  	s0 =	sadd.s32 $0x1, s0;
	s2 =	sadd.s32 @!p0 $0x20000, s2;
	[sflag:s8] =	ssyncadd.s32 @!p0 $0xFFFFC000  }
0xee: {  	[hbm4b:s2+s5] =	stream.linear.scatter @!p0 [tilespmem:s7], [sflag:$0x9], $0x4000, $0x38;
	[tilespmem:$0x1FD80] =	vst v63  }
0xef: {  	p0 =	sne.s32 s0, s19  }
.Ltmp1:
0xf0: {  	_ = 	snop;
	(pc) =	sbr.rel @p0 .LBB2_1-.Ltmp1, $1  }
0xf1: {  	_ =	sdelay $0x3  }
0xf2: {  	_ =	sfence.sel $0x180000  }
0xf3: {  	[bflag:$0x0] =	sbarrier.arrive $0xFFFF  }
0xf4: {  	_ =	strace $0x9000004A  }
0xf5: {  	s0 =	stileid.u32;
	[bflag:$0x2] =	sbarrier.arrive $0xFFFF  }
0xf6: {  	p0 =	sne.s32 s0, $0x0;
	s0 =	rddreg [dreg:$0x5]  }
0xf7: {  	s0 =	sadd.s32 @!p0 $0x100000, s0  }
0xf8: {  	[sflag:s0] =	ssyncadd.tile.s32 @!p0 $0x1;
	_ =	shalt  }
.Lfunc_end2:
_tile_overlayer_lowered:
.L_overlay_start_2:
0xf9: {  	(tag) =	ssettag $0x2  }
0xfa: {  	s0 =	rddreg [dreg:$0x0];
	s2 =	stileid.u32  }
0xfb: {  	s1 =	rddreg [dreg:$0x1];
	p0 =	sne.s32 s2, $0x0  }
0xfc: {  	s3 =	rddreg [dreg:$0x2];
	[bflag:$0x3] =	sbarrier.arrive $0xFFFF;
	s2 =	simm.s32 @!p0 $0x1C0A  }
0xfd: {  	[timem:s3], [sflag:s2] =	dma.local @!p0 [hbm:s0], s1  }
0xfe: {  	s0 =	simm.s32 @!p0 $0xA  }
0xff: {  	_ =	swait.ge @!p0 [sflag:s0], s1  }
0x100: {  	s1 =	ssub.s32 @!p0 $0x0, s1;
	[sflag:s0] =	ssyncset.done @!p0 $0x0  }
0x101: {  	[sflag:s0] =	ssyncadd.s32 @!p0 s1  }
0x102: {  	[bflag:$0x3] =	sbarrier.arrive $0xFFFF  }
0x103: {  	_ =	shalt  }

</sc_bundles>
